<compile_context>
chip_gen: v7x
topology: tpu7x:2x2x1
jax: 0.10.2.dev20260603
libtpu: 0.0.44.dev20260713+nightly
codegen_flags: <defaults>
</compile_context>

<pallas_src>
import jax
import jax.numpy as jnp
from jax import lax
from jax.experimental import pallas as pl
from jax.experimental.pallas import tpu as pltpu
from jax.experimental.pallas import tpu_sc as plsc

N = 10000
E = 320000
G = 64
D_IN = 128
H = 64
C = 2

NC = 2
NS = 16
NPAD = 10240
EPT = 10240
EPAD = NC * NS * EPT
CH = 128
NCHUNK = EPT // CH
TOTCH = EPAD // CH
ZROWS = NPAD // NS

_mesh = plsc.VectorSubcoreMesh(core_axis_name="c", subcore_axis_name="s")
_sc_params = pltpu.CompilerParams(use_tc_tiling_on_sc=False,
                                  needs_layout_passes=False)



def _deg_body(dst_hbm, out_hbm, didx, ones_v, zbuf, acc_sh, sem):
    c = lax.axis_index("c")
    s = lax.axis_index("s")
    wid = c * NS + s
    one16 = jnp.full((16,), 1.0, jnp.float32)
    zero16 = jnp.zeros((16,), jnp.float32)

    def fill(i, _):
        ones_v[i, :] = one16
        return 0
    lax.fori_loop(0, CH, fill, 0)

    def zfill(i, _):
        zbuf[i, :] = zero16
        return 0
    lax.fori_loop(0, ZROWS, zfill, 0)

    pltpu.sync_copy(zbuf, acc_sh.at[pl.ds(s * ZROWS, ZROWS)])
    pltpu.sync_copy(dst_hbm.at[pl.ds(wid * NCHUNK, NCHUNK)], didx)
    plsc.subcore_barrier()

    def step(g, _):
        for u in range(8):
            pltpu.async_copy(ones_v, acc_sh.at[didx.at[8 * g + u]], sem,
                             add=True)
        for u in range(8):
            pltpu.make_async_copy(
                ones_v, acc_sh.at[didx.at[8 * g + u]], sem).wait()
        return 0
    lax.fori_loop(0, NCHUNK // 8, step, 0)

    plsc.subcore_barrier()
    rows = pl.ds(s * ZROWS, ZROWS)
    pltpu.sync_copy(acc_sh.at[rows], zbuf)
    pltpu.sync_copy(zbuf, out_hbm.at[c, rows])


def _sc_deg(dstp):
    k = pl.kernel(
        _deg_body,
        out_type=jax.ShapeDtypeStruct((NC, NPAD, 16), jnp.float32),
        mesh=_mesh,
        compiler_params=_sc_params,
        scratch_types=[
            pltpu.VMEM((NCHUNK, CH), jnp.int32),
            pltpu.VMEM((CH, 16), jnp.float32),
            pltpu.VMEM((ZROWS, 16), jnp.float32),
            pltpu.VMEM_SHARED((NPAD, 16), jnp.float32),
            pltpu.SemaphoreType.DMA,
        ],
    )
    return k(dstp)


def _make_agg_body(layer1):
    def body(src_hbm, dst_hbm, xp_hbm, aux_hbm, *rest):
        if layer1:
            (out_hbm, dinv_out, sidx, didx, gb0, gb1, gb2, dbuf, dbuf2,
             acc_sh, xs_sh, sg0, sg1, sg2) = rest
        else:
            (out_hbm, sidx, didx, gb0, gb1, gb2, dbuf, dbuf2,
             acc_sh, xs_sh, sg0, sg1, sg2) = rest
        gbs = (gb0, gb1, gb2)
        sgs = (sg0, sg1, sg2)
        c = lax.axis_index("c")
        s = lax.axis_index("s")
        wid = c * NS + s
        zero16 = jnp.zeros((16,), jnp.float32)

        cb = wid * NCHUNK
        pltpu.async_copy(src_hbm.at[pl.ds(cb, NCHUNK)], sidx, sg0)
        pltpu.async_copy(dst_hbm.at[pl.ds(cb, NCHUNK)], didx, sg1)

        def zfill(i, _):
            for j in range(4):
                gb1[i, pl.ds(j * 16, 16)] = zero16
            return 0
        lax.fori_loop(0, CH, zfill, 0)

        def stage(i, _):
            rows = pl.ds(s * ZROWS + i * CH, CH)
            pltpu.sync_copy(gb1, acc_sh.at[rows])
            if layer1:
                pltpu.sync_copy(aux_hbm.at[0, rows], dbuf)
                pltpu.sync_copy(aux_hbm.at[1, rows], dbuf2)

                def newt(r2, _):
                    for u in range(4):
                        r = 4 * r2 + u
                        d = dbuf[r, :] + dbuf2[r, :] + 1.0
                        iv = plsc.bitcast(d, jnp.int32)
                        iv = 0x5F3759DF - lax.shift_right_logical(iv, 1)
                        y = plsc.bitcast(iv, jnp.float32)
                        for _ in range(3):
                            y = y * (1.5 - 0.5 * d * y * y)
                        dbuf[r, :] = y
                    return 0
                lax.fori_loop(0, CH // 4, newt, 0)
            else:
                pltpu.sync_copy(aux_hbm.at[rows], dbuf)
            pltpu.sync_copy(xp_hbm.at[rows], gb0)

            def scale(r2, _):
                for u in range(2):
                    r = 2 * r2 + u
                    dv = dbuf[r, :]
                    for j in range(4):
                        sl = pl.ds(j * 16, 16)
                        gb0[r, sl] = gb0[r, sl] * dv
                return 0
            lax.fori_loop(0, CH // 2, scale, 0)
            pltpu.sync_copy(gb0, xs_sh.at[rows])
            if layer1:
                @pl.when(c == 0)
                def _():
                    pltpu.sync_copy(dbuf, dinv_out.at[rows])
            return 0
        lax.fori_loop(0, ZROWS // CH, stage, 0)

        pltpu.make_async_copy(
            src_hbm.at[pl.ds(cb, NCHUNK)], sidx, sg0).wait()
        pltpu.make_async_copy(
            dst_hbm.at[pl.ds(cb, NCHUNK)], didx, sg1).wait()
        plsc.subcore_barrier()

        pltpu.async_copy(xs_sh.at[sidx.at[0]], gb0, sg0)
        pltpu.async_copy(xs_sh.at[sidx.at[1]], gb1, sg1)

        NFULL = (NCHUNK // 3) * 3

        def body_loop(g, _):
            k0 = 3 * g
            for b in range(3):
                k = k0 + b
                pltpu.make_async_copy(
                    xs_sh.at[sidx.at[k]], gbs[b], sgs[b]).wait()

                @pl.when(k + 2 < NCHUNK)
                def _():
                    pltpu.async_copy(xs_sh.at[sidx.at[k + 2]],
                                     gbs[(b + 2) % 3], sgs[(b + 2) % 3])

                pltpu.sync_copy(gbs[b], acc_sh.at[didx.at[k]], add=True)
            return 0
        lax.fori_loop(0, NFULL // 3, body_loop, 0)

        for k in range(NFULL, NCHUNK):
            b = k % 3
            pltpu.make_async_copy(
                xs_sh.at[sidx.at[k]], gbs[b], sgs[b]).wait()
            pltpu.sync_copy(gbs[b], acc_sh.at[didx.at[k]], add=True)

        plsc.subcore_barrier()

        def wb(i, _):
            rows = pl.ds(s * ZROWS + i * CH, CH)
            pltpu.sync_copy(acc_sh.at[rows], gb0)
            pltpu.sync_copy(gb0, out_hbm.at[c, rows])
            return 0
        lax.fori_loop(0, ZROWS // CH, wb, 0)
    return body


_agg1_body = _make_agg_body(True)
_agg2_body = _make_agg_body(False)

_AGG_SCRATCH = [
    pltpu.VMEM((NCHUNK, CH), jnp.int32),
    pltpu.VMEM((NCHUNK, CH), jnp.int32),
    pltpu.VMEM((CH, H), jnp.float32),
    pltpu.VMEM((CH, H), jnp.float32),
    pltpu.VMEM((CH, H), jnp.float32),
    pltpu.VMEM((CH, 16), jnp.float32),
    pltpu.VMEM((CH, 16), jnp.float32),
    pltpu.VMEM_SHARED((NPAD, H), jnp.float32),
    pltpu.VMEM_SHARED((NPAD, H), jnp.float32),
    pltpu.SemaphoreType.DMA,
    pltpu.SemaphoreType.DMA,
    pltpu.SemaphoreType.DMA,
]


def _sc_agg1(srcp, dstp, xp, degp):
    k = pl.kernel(
        _agg1_body,
        out_type=(jax.ShapeDtypeStruct((NC, NPAD, H), jnp.float32),
                  jax.ShapeDtypeStruct((NPAD, 16), jnp.float32)),
        mesh=_mesh,
        compiler_params=_sc_params,
        scratch_types=_AGG_SCRATCH,
    )
    return k(srcp, dstp, xp, degp)


def _sc_agg2(srcp, dstp, xp, dinv16):
    k = pl.kernel(
        _agg2_body,
        out_type=jax.ShapeDtypeStruct((NC, NPAD, H), jnp.float32),
        mesh=_mesh,
        compiler_params=_sc_params,
        scratch_types=_AGG_SCRATCH,
    )
    return k(srcp, dstp, xp, dinv16)



_BLK = 512
_NBLK = NPAD // _BLK


def _tc0_body(x_ref, w1_ref, xp_ref):
    xp_ref[...] = jnp.dot(x_ref[...], w1_ref[...],
                          preferred_element_type=jnp.float32)


def _tc0(xpad, W1):
    return pl.pallas_call(
        _tc0_body,
        grid=(_NBLK,),
        in_specs=[
            pl.BlockSpec((_BLK, D_IN), lambda i: (i, 0)),
            pl.BlockSpec((D_IN, H), lambda i: (0, 0)),
        ],
        out_specs=pl.BlockSpec((_BLK, H), lambda i: (i, 0)),
        out_shape=jax.ShapeDtypeStruct((NPAD, H), jnp.float32),
    )(xpad, W1)


def _tc2_body(acc_ref, xp_ref, dinv_ref, b1_ref, w2_ref, xp2_ref):
    dinv = dinv_ref[:, 0:1]
    agg = acc_ref[0] + acc_ref[1]
    h1 = jnp.maximum(dinv * agg + (dinv * dinv) * xp_ref[...] + b1_ref[...],
                     0.0)
    xp2_ref[...] = jnp.dot(h1, w2_ref[...], preferred_element_type=jnp.float32)


def _tc2(acc1, xp1, dinv16, b1, W2):
    return pl.pallas_call(
        _tc2_body,
        grid=(_NBLK,),
        in_specs=[
            pl.BlockSpec((NC, _BLK, H), lambda i: (0, i, 0)),
            pl.BlockSpec((_BLK, H), lambda i: (i, 0)),
            pl.BlockSpec((_BLK, 16), lambda i: (i, 0)),
            pl.BlockSpec((1, H), lambda i: (0, 0)),
            pl.BlockSpec((H, H), lambda i: (0, 0)),
        ],
        out_specs=pl.BlockSpec((_BLK, H), lambda i: (i, 0)),
        out_shape=jax.ShapeDtypeStruct((NPAD, H), jnp.float32),
    )(acc1, xp1, dinv16, b1, W2)


def _tc3_body(acc_ref, xp_ref, dinv_ref, b2_ref, batch_ref,
              l1w_ref, l1b_ref, l2w_ref, l2b_ref, out_ref):
    dinv = dinv_ref[:, 0:1]
    agg = acc_ref[0] + acc_ref[1]
    h2 = jnp.maximum(dinv * agg + (dinv * dinv) * xp_ref[...] + b2_ref[...],
                     0.0)
    seg = lax.broadcasted_iota(jnp.int32, (1, G), 1)
    p = (batch_ref[...] == seg).astype(jnp.float32)
    pooled_sum = lax.dot_general(
        p, h2, (((0,), (0,)), ((), ())), preferred_element_type=jnp.float32)
    counts = jnp.sum(p, axis=0)
    pooled = pooled_sum / jnp.maximum(counts, 1.0)[:, None]
    t = jnp.maximum(
        jnp.dot(pooled, l1w_ref[...], preferred_element_type=jnp.float32)
        + l1b_ref[...], 0.0)
    logits = (jnp.dot(t, l2w_ref[...], preferred_element_type=jnp.float32)
              + l2b_ref[...])
    m = jnp.max(logits, axis=1, keepdims=True)
    lse = jnp.log(jnp.sum(jnp.exp(logits - m), axis=1, keepdims=True))
    out_ref[...] = logits - m - lse


def _tc3(acc2, xp2, dinv16, b2, batchp, L1w, L1b, L2w, L2b):
    return pl.pallas_call(
        _tc3_body,
        out_shape=jax.ShapeDtypeStruct((G, C), jnp.float32),
    )(acc2, xp2, dinv16, b2, batchp, L1w, L1b, L2w, L2b)



def kernel(x, edge_index, batch, W1, b1, W2, b2, L1w, L1b, L2w, L2b):
    pad_e = EPAD - E
    srcp = jnp.concatenate(
        [edge_index[0], jnp.full((pad_e,), N, jnp.int32)]
    ).reshape(TOTCH, CH)
    dstp = jnp.concatenate(
        [edge_index[1], jnp.full((pad_e,), N, jnp.int32)]
    ).reshape(TOTCH, CH)
    xpad = jnp.pad(x, ((0, NPAD - N), (0, 0)))
    batchp = jnp.concatenate(
        [batch, jnp.full((NPAD - N,), G, jnp.int32)]).reshape(NPAD, 1)

    degp = _sc_deg(dstp)
    xp1 = _tc0(xpad, W1)
    acc1, dinv16 = _sc_agg1(srcp, dstp, xp1, degp)
    xp2 = _tc2(acc1, xp1, dinv16, b1.reshape(1, H), W2)
    acc2 = _sc_agg2(srcp, dstp, xp2, dinv16)
    return _tc3(acc2, xp2, dinv16, b2.reshape(1, H), batchp,
                L1w, L1b.reshape(1, 32), L2w, L2b.reshape(1, C))

# --- scband reference (transcript-rebuilt; emitter-appended) ---
"""Pipeline reference for scband-protein-gcn-12850542150411 (READ-ONLY COPY).

The authoritative reference and input builder live on the scoring server;
editing this copy changes nothing except your own understanding.
"""

import jax, jax.numpy as jnp
import numpy as np

N = 10000
E = 320000
G = 64
D_IN = 128
H = 64
C = 2


def gcn_conv(x, edge_index, W, b, n):
    # GCNConv: add self-loops, symmetric normalization, aggregate, then linear
    self_loops = jnp.arange(n, dtype=edge_index.dtype)
    src = jnp.concatenate([edge_index[0], self_loops])
    dst = jnp.concatenate([edge_index[1], self_loops])
    ones = jnp.ones(src.shape[0], dtype=x.dtype)
    deg = jax.ops.segment_sum(ones, dst, num_segments=n)
    dinv = jax.lax.rsqrt(jnp.maximum(deg, 1.0))
    norm = dinv[src] * dinv[dst]
    msg = jnp.take(x, src, axis=0) * norm[:, None]
    agg = jax.ops.segment_sum(msg, dst, num_segments=n)
    return agg @ W + b


def global_mean_pool(x, batch, g):
    sums = jax.ops.segment_sum(x, batch, num_segments=g)
    counts = jax.ops.segment_sum(jnp.ones(x.shape[0], dtype=x.dtype), batch, num_segments=g)
    return sums / jnp.maximum(counts, 1.0)[:, None]


def setup_inputs(seed: int = 0) -> dict:
    key = jax.random.key(seed)
    ks = jax.random.split(key, 12)
    x = jax.random.normal(ks[0], (N, D_IN), dtype=jnp.float32)
    edge_index = jax.random.randint(ks[1], (2, E), 0, N, dtype=jnp.int32)
    batch = jnp.sort(jax.random.randint(ks[2], (N,), 0, G, dtype=jnp.int32))
    W1 = jax.random.normal(ks[3], (D_IN, H), dtype=jnp.float32) * 0.05
    b1 = jnp.zeros((H,), dtype=jnp.float32)
    W2 = jax.random.normal(ks[4], (H, H), dtype=jnp.float32) * 0.05
    b2 = jnp.zeros((H,), dtype=jnp.float32)
    L1w = jax.random.normal(ks[5], (H, 32), dtype=jnp.float32) * 0.05
    L1b = jnp.zeros((32,), dtype=jnp.float32)
    L2w = jax.random.normal(ks[6], (32, C), dtype=jnp.float32) * 0.05
    L2b = jnp.zeros((C,), dtype=jnp.float32)
    return {"x": x, "edge_index": edge_index, "batch": batch,
            "W1": W1, "b1": b1, "W2": W2, "b2": b2,
            "L1w": L1w, "L1b": L1b, "L2w": L2w, "L2b": L2b}


def reference(x, edge_index, batch, W1, b1, W2, b2, L1w, L1b, L2w, L2b):
    h = jax.nn.relu(gcn_conv(x, edge_index, W1, b1, N))
    h = jax.nn.relu(gcn_conv(h, edge_index, W2, b2, N))
    pooled = global_mean_pool(h, batch, G)
    h = jax.nn.relu(pooled @ L1w + L1b)
    logits = h @ L2w + L2b
    return jax.nn.log_softmax(logits, axis=1)

if __name__ == "__main__":
    import jax
    _d = setup_inputs()
    print(jax.jit(kernel)(*tuple(_d.values())))

</pallas_src>

<mosaic_0001>
#map = affine_map<(d0, d1) -> (0, 0)>
#map1 = affine_map<(d0, d1) -> (0, 0, 0)>
module attributes {stable_mosaic.version = 14 : i64} {
  func.func @_deg_body(%arg0: i32, %arg1: i32, %arg2: memref<2560x128xi32, #tpu.memory_space<hbm>>, %arg3: memref<2x10240x16xf32, #tpu.memory_space<hbm>>, %arg4: memref<80x128xi32, #tpu.memory_space<vmem>>, %arg5: memref<128x16xf32, #tpu.memory_space<vmem>>, %arg6: memref<640x16xf32, #tpu.memory_space<vmem>>, %arg7: memref<10240x16xf32, #tpu.memory_space<vmem_shared>>, %arg8: memref<!tpu.dma_semaphore, #tpu.memory_space<semaphore_mem>>) attributes {dimension_semantics = [#tpu.dimension_semantics<core_parallel>, #tpu.dimension_semantics<subcore_parallel>], iteration_bounds = array<i64: 2, 16>, scalar_prefetch = 0 : i64, scratch_operands = 5 : i64, tpu.core_type = #tpu.core_type<sc_vector_subcore>, window_params = [{transform_indices = #map}, {transform_indices = #map1}]} {
    %mul3A = arith.constant 16 : i32
    %mul3A_0 = arith.muli %arg0, %mul3A : i32
    %add3A = arith.addi %mul3A_0, %arg1 : i32
    %broadcast_in_dim3A = arith.constant 1.000000e+00 : f32
    %broadcast_in_dim3A_1 = vector.broadcast %broadcast_in_dim3A : f32 to vector<16xf32>
    %broadcast_in_dim3A_2 = arith.constant 0.000000e+00 : f32
    %broadcast_in_dim3A_3 = vector.broadcast %broadcast_in_dim3A_2 : f32 to vector<16xf32>
    %scan3A = arith.constant 0 : i32
    %scan3A_4 = arith.constant 0 : i32
    %scan3A_5 = arith.constant 128 : i32
    %scan3A_6 = arith.addi %scan3A_4, %scan3A_5 : i32
    %scan3A_7 = arith.constant 1 : i32
    %scan3A_8 = scf.for %scan3A_31 = %scan3A_4 to %scan3A_6 step %scan3A_7 iter_args(%scan3A_32 = %scan3A) -> (i32)  : i32 {
      %swap3A = arith.index_cast %scan3A_31 : i32 to index
      %swap3A_33 = arith.constant 0 : index
      %swap3A_34 = tpu.vector_load %arg5[%swap3A, %swap3A_33] {strides = array<i32>} : memref<128x16xf32, #tpu.memory_space<vmem>>, vector<16xf32>,
      tpu.vector_store %arg5[%swap3A, %swap3A_33], %broadcast_in_dim3A_1 {strides = array<i32>} : memref<128x16xf32, #tpu.memory_space<vmem>>, vector<16xf32>,
      %scan3A_35 = arith.constant 0 : i32
      scf.yield %scan3A_35 : i32
    }
    %scan3A_9 = arith.constant 128 : i32
    %scan3A_10 = arith.constant 0 : i32
    %scan3A_11 = arith.constant 0 : i32
    %scan3A_12 = arith.constant 640 : i32
    %scan3A_13 = arith.addi %scan3A_11, %scan3A_12 : i32
    %scan3A_14 = arith.constant 1 : i32
    %scan3A_15 = scf.for %scan3A_31 = %scan3A_11 to %scan3A_13 step %scan3A_14 iter_args(%scan3A_32 = %scan3A_10) -> (i32)  : i32 {
      %swap3A = arith.index_cast %scan3A_31 : i32 to index
      %swap3A_33 = arith.constant 0 : index
      %swap3A_34 = tpu.vector_load %arg6[%swap3A, %swap3A_33] {strides = array<i32>} : memref<640x16xf32, #tpu.memory_space<vmem>>, vector<16xf32>,
      tpu.vector_store %arg6[%swap3A, %swap3A_33], %broadcast_in_dim3A_3 {strides = array<i32>} : memref<640x16xf32, #tpu.memory_space<vmem>>, vector<16xf32>,
      %scan3A_35 = arith.constant 0 : i32
      scf.yield %scan3A_35 : i32
    }
    %scan3A_16 = arith.constant 640 : i32
    %mul3A_17 = arith.constant 640 : i32
    %mul3A_18 = arith.muli %arg1, %mul3A_17 : i32
    "tpu.region"() ({
      %run_scoped3A = tpu.sem_alloc : memref<!tpu.dma_semaphore, #tpu.memory_space<semaphore_mem>>
      %dma_start3A = arith.constant 0 : i32
      %dma_start3A_31 = tpu.memref_slice %arg7[%mul3A_18, %dma_start3A] : memref<10240x16xf32, #tpu.memory_space<vmem_shared>> -> memref<640x16xf32, #tpu.memory_space<vmem_shared>>
      %dma_start3A_32 = arith.constant 0 : i32
      %dma_start3A_33 = tpu.memref_slice %arg7[%mul3A_18, %dma_start3A_32] : memref<10240x16xf32, #tpu.memory_space<vmem_shared>> -> memref<640x16xf32, #tpu.memory_space<vmem_shared>>
      tpu.enqueue_dma source(%arg6 : memref<640x16xf32, #tpu.memory_space<vmem>>) target(%dma_start3A_33 : memref<640x16xf32, #tpu.memory_space<vmem_shared>>) target_semaphore(%run_scoped3A : memref<!tpu.dma_semaphore, #tpu.memory_space<semaphore_mem>>)
      %dma_wait3A = arith.constant 0 : i32
      %dma_wait3A_34 = tpu.memref_slice %arg7[%mul3A_18, %dma_wait3A] : memref<10240x16xf32, #tpu.memory_space<vmem_shared>> -> memref<640x16xf32, #tpu.memory_space<vmem_shared>>
      %dma_wait3A_35 = arith.constant 0 : i32
      %dma_wait3A_36 = tpu.memref_slice %arg7[%mul3A_18, %dma_wait3A_35] : memref<10240x16xf32, #tpu.memory_space<vmem_shared>> -> memref<640x16xf32, #tpu.memory_space<vmem_shared>>
      tpu.wait_dma2 semaphore(%run_scoped3A : memref<!tpu.dma_semaphore, #tpu.memory_space<semaphore_mem>>) src(%arg6 : memref<640x16xf32, #tpu.memory_space<vmem>>) dst(%dma_wait3A_36 : memref<640x16xf32, #tpu.memory_space<vmem_shared>>)
      tpu.yield
    }) : () -> ()
    %mul3A_19 = arith.constant 80 : i32
    %mul3A_20 = arith.muli %add3A, %mul3A_19 : i32
    "tpu.region"() ({
      %run_scoped3A = tpu.sem_alloc : memref<!tpu.dma_semaphore, #tpu.memory_space<semaphore_mem>>
      %dma_start3A = arith.constant 0 : i32
      %dma_start3A_31 = tpu.memref_slice %arg2[%mul3A_20, %dma_start3A] : memref<2560x128xi32, #tpu.memory_space<hbm>> -> memref<80x128xi32, #tpu.memory_space<hbm>>
      %dma_start3A_32 = arith.constant 0 : i32
      %dma_start3A_33 = tpu.memref_slice %arg2[%mul3A_20, %dma_start3A_32] : memref<2560x128xi32, #tpu.memory_space<hbm>> -> memref<80x128xi32, #tpu.memory_space<hbm>>
      tpu.enqueue_dma source(%dma_start3A_33 : memref<80x128xi32, #tpu.memory_space<hbm>>) target(%arg4 : memref<80x128xi32, #tpu.memory_space<vmem>>) target_semaphore(%run_scoped3A : memref<!tpu.dma_semaphore, #tpu.memory_space<semaphore_mem>>)
      %dma_wait3A = arith.constant 0 : i32
      %dma_wait3A_34 = tpu.memref_slice %arg2[%mul3A_20, %dma_wait3A] : memref<2560x128xi32, #tpu.memory_space<hbm>> -> memref<80x128xi32, #tpu.memory_space<hbm>>
      %dma_wait3A_35 = arith.constant 0 : i32
      %dma_wait3A_36 = tpu.memref_slice %arg2[%mul3A_20, %dma_wait3A_35] : memref<2560x128xi32, #tpu.memory_space<hbm>> -> memref<80x128xi32, #tpu.memory_space<hbm>>
      tpu.wait_dma2 semaphore(%run_scoped3A : memref<!tpu.dma_semaphore, #tpu.memory_space<semaphore_mem>>) src(%dma_wait3A_36 : memref<80x128xi32, #tpu.memory_space<hbm>>) dst(%arg4 : memref<80x128xi32, #tpu.memory_space<vmem>>)
      tpu.yield
    }) : () -> ()
    %barrier3A = arith.constant 0 : index
    tpu.barrier barrier_id(%barrier3A)
    %scan3A_21 = arith.constant 0 : i32
    %scan3A_22 = arith.constant 0 : i32
    %scan3A_23 = arith.constant 10 : i32
    %scan3A_24 = arith.addi %scan3A_22, %scan3A_23 : i32
    %scan3A_25 = arith.constant 1 : i32
    %scan3A_26 = scf.for %scan3A_31 = %scan3A_22 to %scan3A_24 step %scan3A_25 iter_args(%scan3A_32 = %scan3A_21) -> (i32)  : i32 {
      %mul3A_33 = arith.constant 8 : i32
      %mul3A_34 = arith.muli %mul3A_33, %scan3A_31 : i32
      %add3A_35 = arith.constant 0 : i32
      %add3A_36 = arith.addi %mul3A_34, %add3A_35 : i32
      %dma_start3A = arith.constant 0 : i32
      %dma_start3A_37 = tpu.memref_slice %arg4[%add3A_36, %dma_start3A] : memref<80x128xi32, #tpu.memory_space<vmem>> -> memref<1x128xi32, #tpu.memory_space<vmem>>
      %dma_start3A_38 = tpu.memref_squeeze %dma_start3A_37 : memref<1x128xi32, #tpu.memory_space<vmem>> -> memref<128xi32, #tpu.memory_space<vmem>>
      %dma_start3A_39 = arith.constant 0 : i32
      %dma_start3A_40 = arith.constant 0 : i32
      %dma_start3A_41 = tpu.memref_slice %arg7[%dma_start3A_39, %dma_start3A_40] : memref<10240x16xf32, #tpu.memory_space<vmem_shared>> -> memref<10240x16xf32, #tpu.memory_space<vmem_shared>>
      tpu.enqueue_indirect_dma source(%arg5 : memref<128x16xf32, #tpu.memory_space<vmem>>) target(%dma_start3A_41 : memref<10240x16xf32, #tpu.memory_space<vmem_shared>>) offsets(%dma_start3A_38 : memref<128xi32, #tpu.memory_space<vmem>>) semaphore(%arg8 : memref<!tpu.dma_semaphore, #tpu.memory_space<semaphore_mem>>) {add = true}
      %mul3A_42 = arith.constant 8 : i32
      %mul3A_43 = arith.muli %mul3A_42, %scan3A_31 : i32
      %add3A_44 = arith.constant 1 : i32
      %add3A_45 = arith.addi %mul3A_43, %add3A_44 : i32
      %dma_start3A_46 = arith.constant 0 : i32
      %dma_start3A_47 = tpu.memref_slice %arg4[%add3A_45, %dma_start3A_46] : memref<80x128xi32, #tpu.memory_space<vmem>> -> memref<1x128xi32, #tpu.memory_space<vmem>>
      %dma_start3A_48 = tpu.memref_squeeze %dma_start3A_47 : memref<1x128xi32, #tpu.memory_space<vmem>> -> memref<128xi32, #tpu.memory_space<vmem>>
      %dma_start3A_49 = arith.constant 0 : i32
      %dma_start3A_50 = arith.constant 0 : i32
      %dma_start3A_51 = tpu.memref_slice %arg7[%dma_start3A_49, %dma_start3A_50] : memref<10240x16xf32, #tpu.memory_space<vmem_shared>> -> memref<10240x16xf32, #tpu.memory_space<vmem_shared>>
      tpu.enqueue_indirect_dma source(%arg5 : memref<128x16xf32, #tpu.memory_space<vmem>>) target(%dma_start3A_51 : memref<10240x16xf32, #tpu.memory_space<vmem_shared>>) offsets(%dma_start3A_48 : memref<128xi32, #tpu.memory_space<vmem>>) semaphore(%arg8 : memref<!tpu.dma_semaphore, #tpu.memory_space<semaphore_mem>>) {add = true}
      %mul3A_52 = arith.constant 8 : i32
      %mul3A_53 = arith.muli %mul3A_52, %scan3A_31 : i32
      %add3A_54 = arith.constant 2 : i32
      %add3A_55 = arith.addi %mul3A_53, %add3A_54 : i32
      %dma_start3A_56 = arith.constant 0 : i32
      %dma_start3A_57 = tpu.memref_slice %arg4[%add3A_55, %dma_start3A_56] : memref<80x128xi32, #tpu.memory_space<vmem>> -> memref<1x128xi32, #tpu.memory_space<vmem>>
      %dma_start3A_58 = tpu.memref_squeeze %dma_start3A_57 : memref<1x128xi32, #tpu.memory_space<vmem>> -> memref<128xi32, #tpu.memory_space<vmem>>
      %dma_start3A_59 = arith.constant 0 : i32
      %dma_start3A_60 = arith.constant 0 : i32
      %dma_start3A_61 = tpu.memref_slice %arg7[%dma_start3A_59, %dma_start3A_60] : memref<10240x16xf32, #tpu.memory_space<vmem_shared>> -> memref<10240x16xf32, #tpu.memory_space<vmem_shared>>
      tpu.enqueue_indirect_dma source(%arg5 : memref<128x16xf32, #tpu.memory_space<vmem>>) target(%dma_start3A_61 : memref<10240x16xf32, #tpu.memory_space<vmem_shared>>) offsets(%dma_start3A_58 : memref<128xi32, #tpu.memory_space<vmem>>) semaphore(%arg8 : memref<!tpu.dma_semaphore, #tpu.memory_space<semaphore_mem>>) {add = true}
      %mul3A_62 = arith.constant 8 : i32
      %mul3A_63 = arith.muli %mul3A_62, %scan3A_31 : i32
      %add3A_64 = arith.constant 3 : i32
      %add3A_65 = arith.addi %mul3A_63, %add3A_64 : i32
      %dma_start3A_66 = arith.constant 0 : i32
      %dma_start3A_67 = tpu.memref_slice %arg4[%add3A_65, %dma_start3A_66] : memref<80x128xi32, #tpu.memory_space<vmem>> -> memref<1x128xi32, #tpu.memory_space<vmem>>
      %dma_start3A_68 = tpu.memref_squeeze %dma_start3A_67 : memref<1x128xi32, #tpu.memory_space<vmem>> -> memref<128xi32, #tpu.memory_space<vmem>>
      %dma_start3A_69 = arith.constant 0 : i32
      %dma_start3A_70 = arith.constant 0 : i32
      %dma_start3A_71 = tpu.memref_slice %arg7[%dma_start3A_69, %dma_start3A_70] : memref<10240x16xf32, #tpu.memory_space<vmem_shared>> -> memref<10240x16xf32, #tpu.memory_space<vmem_shared>>
      tpu.enqueue_indirect_dma source(%arg5 : memref<128x16xf32, #tpu.memory_space<vmem>>) target(%dma_start3A_71 : memref<10240x16xf32, #tpu.memory_space<vmem_shared>>) offsets(%dma_start3A_68 : memref<128xi32, #tpu.memory_space<vmem>>) semaphore(%arg8 : memref<!tpu.dma_semaphore, #tpu.memory_space<semaphore_mem>>) {add = true}
      %mul3A_72 = arith.constant 8 : i32
      %mul3A_73 = arith.muli %mul3A_72, %scan3A_31 : i32
      %add3A_74 = arith.constant 4 : i32
      %add3A_75 = arith.addi %mul3A_73, %add3A_74 : i32
      %dma_start3A_76 = arith.constant 0 : i32
      %dma_start3A_77 = tpu.memref_slice %arg4[%add3A_75, %dma_start3A_76] : memref<80x128xi32, #tpu.memory_space<vmem>> -> memref<1x128xi32, #tpu.memory_space<vmem>>
      %dma_start3A_78 = tpu.memref_squeeze %dma_start3A_77 : memref<1x128xi32, #tpu.memory_space<vmem>> -> memref<128xi32, #tpu.memory_space<vmem>>
      %dma_start3A_79 = arith.constant 0 : i32
      %dma_start3A_80 = arith.constant 0 : i32
      %dma_start3A_81 = tpu.memref_slice %arg7[%dma_start3A_79, %dma_start3A_80] : memref<10240x16xf32, #tpu.memory_space<vmem_shared>> -> memref<10240x16xf32, #tpu.memory_space<vmem_shared>>
      tpu.enqueue_indirect_dma source(%arg5 : memref<128x16xf32, #tpu.memory_space<vmem>>) target(%dma_start3A_81 : memref<10240x16xf32, #tpu.memory_space<vmem_shared>>) offsets(%dma_start3A_78 : memref<128xi32, #tpu.memory_space<vmem>>) semaphore(%arg8 : memref<!tpu.dma_semaphore, #tpu.memory_space<semaphore_mem>>) {add = true}
      %mul3A_82 = arith.constant 8 : i32
      %mul3A_83 = arith.muli %mul3A_82, %scan3A_31 : i32
      %add3A_84 = arith.constant 5 : i32
      %add3A_85 = arith.addi %mul3A_83, %add3A_84 : i32
      %dma_start3A_86 = arith.constant 0 : i32
      %dma_start3A_87 = tpu.memref_slice %arg4[%add3A_85, %dma_start3A_86] : memref<80x128xi32, #tpu.memory_space<vmem>> -> memref<1x128xi32, #tpu.memory_space<vmem>>
      %dma_start3A_88 = tpu.memref_squeeze %dma_start3A_87 : memref<1x128xi32, #tpu.memory_space<vmem>> -> memref<128xi32, #tpu.memory_space<vmem>>
      %dma_start3A_89 = arith.constant 0 : i32
      %dma_start3A_90 = arith.constant 0 : i32
      %dma_start3A_91 = tpu.memref_slice %arg7[%dma_start3A_89, %dma_start3A_90] : memref<10240x16xf32, #tpu.memory_space<vmem_shared>> -> memref<10240x16xf32, #tpu.memory_space<vmem_shared>>
      tpu.enqueue_indirect_dma source(%arg5 : memref<128x16xf32, #tpu.memory_space<vmem>>) target(%dma_start3A_91 : memref<10240x16xf32, #tpu.memory_space<vmem_shared>>) offsets(%dma_start3A_88 : memref<128xi32, #tpu.memory_space<vmem>>) semaphore(%arg8 : memref<!tpu.dma_semaphore, #tpu.memory_space<semaphore_mem>>) {add = true}
      %mul3A_92 = arith.constant 8 : i32
      %mul3A_93 = arith.muli %mul3A_92, %scan3A_31 : i32
      %add3A_94 = arith.constant 6 : i32
      %add3A_95 = arith.addi %mul3A_93, %add3A_94 : i32
      %dma_start3A_96 = arith.constant 0 : i32
      %dma_start3A_97 = tpu.memref_slice %arg4[%add3A_95, %dma_start3A_96] : memref<80x128xi32, #tpu.memory_space<vmem>> -> memref<1x128xi32, #tpu.memory_space<vmem>>
      %dma_start3A_98 = tpu.memref_squeeze %dma_start3A_97 : memref<1x128xi32, #tpu.memory_space<vmem>> -> memref<128xi32, #tpu.memory_space<vmem>>
      %dma_start3A_99 = arith.constant 0 : i32
      %dma_start3A_100 = arith.constant 0 : i32
      %dma_start3A_101 = tpu.memref_slice %arg7[%dma_start3A_99, %dma_start3A_100] : memref<10240x16xf32, #tpu.memory_space<vmem_shared>> -> memref<10240x16xf32, #tpu.memory_space<vmem_shared>>
      tpu.enqueue_indirect_dma source(%arg5 : memref<128x16xf32, #tpu.memory_space<vmem>>) target(%dma_start3A_101 : memref<10240x16xf32, #tpu.memory_space<vmem_shared>>) offsets(%dma_start3A_98 : memref<128xi32, #tpu.memory_space<vmem>>) semaphore(%arg8 : memref<!tpu.dma_semaphore, #tpu.memory_space<semaphore_mem>>) {add = true}
      %mul3A_102 = arith.constant 8 : i32
      %mul3A_103 = arith.muli %mul3A_102, %scan3A_31 : i32
      %add3A_104 = arith.constant 7 : i32
      %add3A_105 = arith.addi %mul3A_103, %add3A_104 : i32
      %dma_start3A_106 = arith.constant 0 : i32
      %dma_start3A_107 = tpu.memref_slice %arg4[%add3A_105, %dma_start3A_106] : memref<80x128xi32, #tpu.memory_space<vmem>> -> memref<1x128xi32, #tpu.memory_space<vmem>>
      %dma_start3A_108 = tpu.memref_squeeze %dma_start3A_107 : memref<1x128xi32, #tpu.memory_space<vmem>> -> memref<128xi32, #tpu.memory_space<vmem>>
      %dma_start3A_109 = arith.constant 0 : i32
      %dma_start3A_110 = arith.constant 0 : i32
      %dma_start3A_111 = tpu.memref_slice %arg7[%dma_start3A_109, %dma_start3A_110] : memref<10240x16xf32, #tpu.memory_space<vmem_shared>> -> memref<10240x16xf32, #tpu.memory_space<vmem_shared>>
      tpu.enqueue_indirect_dma source(%arg5 : memref<128x16xf32, #tpu.memory_space<vmem>>) target(%dma_start3A_111 : memref<10240x16xf32, #tpu.memory_space<vmem_shared>>) offsets(%dma_start3A_108 : memref<128xi32, #tpu.memory_space<vmem>>) semaphore(%arg8 : memref<!tpu.dma_semaphore, #tpu.memory_space<semaphore_mem>>) {add = true}
      %mul3A_112 = arith.constant 8 : i32
      %mul3A_113 = arith.muli %mul3A_112, %scan3A_31 : i32
      %add3A_114 = arith.constant 0 : i32
      %add3A_115 = arith.addi %mul3A_113, %add3A_114 : i32
      %dma_wait3A = arith.constant 0 : i32
      %dma_wait3A_116 = tpu.memref_slice %arg4[%add3A_115, %dma_wait3A] : memref<80x128xi32, #tpu.memory_space<vmem>> -> memref<1x128xi32, #tpu.memory_space<vmem>>
      %dma_wait3A_117 = tpu.memref_squeeze %dma_wait3A_116 : memref<1x128xi32, #tpu.memory_space<vmem>> -> memref<128xi32, #tpu.memory_space<vmem>>
      %dma_wait3A_118 = arith.constant 0 : i32
      %dma_wait3A_119 = arith.constant 0 : i32
      %dma_wait3A_120 = tpu.memref_slice %arg7[%dma_wait3A_118, %dma_wait3A_119] : memref<10240x16xf32, #tpu.memory_space<vmem_shared>> -> memref<10240x16xf32, #tpu.memory_space<vmem_shared>>
      tpu.wait_indirect_dma semaphore(%arg8 : memref<!tpu.dma_semaphore, #tpu.memory_space<semaphore_mem>>) src(%arg5 : memref<128x16xf32, #tpu.memory_space<vmem>>) dst(%dma_wait3A_120 : memref<10240x16xf32, #tpu.memory_space<vmem_shared>>)
      %mul3A_121 = arith.constant 8 : i32
      %mul3A_122 = arith.muli %mul3A_121, %scan3A_31 : i32
      %add3A_123 = arith.constant 1 : i32
      %add3A_124 = arith.addi %mul3A_122, %add3A_123 : i32
      %dma_wait3A_125 = arith.constant 0 : i32
      %dma_wait3A_126 = tpu.memref_slice %arg4[%add3A_124, %dma_wait3A_125] : memref<80x128xi32, #tpu.memory_space<vmem>> -> memref<1x128xi32, #tpu.memory_space<vmem>>
      %dma_wait3A_127 = tpu.memref_squeeze %dma_wait3A_126 : memref<1x128xi32, #tpu.memory_space<vmem>> -> memref<128xi32, #tpu.memory_space<vmem>>
      %dma_wait3A_128 = arith.constant 0 : i32
      %dma_wait3A_129 = arith.constant 0 : i32
      %dma_wait3A_130 = tpu.memref_slice %arg7[%dma_wait3A_128, %dma_wait3A_129] : memref<10240x16xf32, #tpu.memory_space<vmem_shared>> -> memref<10240x16xf32, #tpu.memory_space<vmem_shared>>
      tpu.wait_indirect_dma semaphore(%arg8 : memref<!tpu.dma_semaphore, #tpu.memory_space<semaphore_mem>>) src(%arg5 : memref<128x16xf32, #tpu.memory_space<vmem>>) dst(%dma_wait3A_130 : memref<10240x16xf32, #tpu.memory_space<vmem_shared>>)
      %mul3A_131 = arith.constant 8 : i32
      %mul3A_132 = arith.muli %mul3A_131, %scan3A_31 : i32
      %add3A_133 = arith.constant 2 : i32
      %add3A_134 = arith.addi %mul3A_132, %add3A_133 : i32
      %dma_wait3A_135 = arith.constant 0 : i32
      %dma_wait3A_136 = tpu.memref_slice %arg4[%add3A_134, %dma_wait3A_135] : memref<80x128xi32, #tpu.memory_space<vmem>> -> memref<1x128xi32, #tpu.memory_space<vmem>>
      %dma_wait3A_137 = tpu.memref_squeeze %dma_wait3A_136 : memref<1x128xi32, #tpu.memory_space<vmem>> -> memref<128xi32, #tpu.memory_space<vmem>>
      %dma_wait3A_138 = arith.constant 0 : i32
      %dma_wait3A_139 = arith.constant 0 : i32
      %dma_wait3A_140 = tpu.memref_slice %arg7[%dma_wait3A_138, %dma_wait3A_139] : memref<10240x16xf32, #tpu.memory_space<vmem_shared>> -> memref<10240x16xf32, #tpu.memory_space<vmem_shared>>
      tpu.wait_indirect_dma semaphore(%arg8 : memref<!tpu.dma_semaphore, #tpu.memory_space<semaphore_mem>>) src(%arg5 : memref<128x16xf32, #tpu.memory_space<vmem>>) dst(%dma_wait3A_140 : memref<10240x16xf32, #tpu.memory_space<vmem_shared>>)
      %mul3A_141 = arith.constant 8 : i32
      %mul3A_142 = arith.muli %mul3A_141, %scan3A_31 : i32
      %add3A_143 = arith.constant 3 : i32
      %add3A_144 = arith.addi %mul3A_142, %add3A_143 : i32
      %dma_wait3A_145 = arith.constant 0 : i32
      %dma_wait3A_146 = tpu.memref_slice %arg4[%add3A_144, %dma_wait3A_145] : memref<80x128xi32, #tpu.memory_space<vmem>> -> memref<1x128xi32, #tpu.memory_space<vmem>>
      %dma_wait3A_147 = tpu.memref_squeeze %dma_wait3A_146 : memref<1x128xi32, #tpu.memory_space<vmem>> -> memref<128xi32, #tpu.memory_space<vmem>>
      %dma_wait3A_148 = arith.constant 0 : i32
      %dma_wait3A_149 = arith.constant 0 : i32
      %dma_wait3A_150 = tpu.memref_slice %arg7[%dma_wait3A_148, %dma_wait3A_149] : memref<10240x16xf32, #tpu.memory_space<vmem_shared>> -> memref<10240x16xf32, #tpu.memory_space<vmem_shared>>
      tpu.wait_indirect_dma semaphore(%arg8 : memref<!tpu.dma_semaphore, #tpu.memory_space<semaphore_mem>>) src(%arg5 : memref<128x16xf32, #tpu.memory_space<vmem>>) dst(%dma_wait3A_150 : memref<10240x16xf32, #tpu.memory_space<vmem_shared>>)
      %mul3A_151 = arith.constant 8 : i32
      %mul3A_152 = arith.muli %mul3A_151, %scan3A_31 : i32
      %add3A_153 = arith.constant 4 : i32
      %add3A_154 = arith.addi %mul3A_152, %add3A_153 : i32
      %dma_wait3A_155 = arith.constant 0 : i32
      %dma_wait3A_156 = tpu.memref_slice %arg4[%add3A_154, %dma_wait3A_155] : memref<80x128xi32, #tpu.memory_space<vmem>> -> memref<1x128xi32, #tpu.memory_space<vmem>>
      %dma_wait3A_157 = tpu.memref_squeeze %dma_wait3A_156 : memref<1x128xi32, #tpu.memory_space<vmem>> -> memref<128xi32, #tpu.memory_space<vmem>>
      %dma_wait3A_158 = arith.constant 0 : i32
      %dma_wait3A_159 = arith.constant 0 : i32
      %dma_wait3A_160 = tpu.memref_slice %arg7[%dma_wait3A_158, %dma_wait3A_159] : memref<10240x16xf32, #tpu.memory_space<vmem_shared>> -> memref<10240x16xf32, #tpu.memory_space<vmem_shared>>
      tpu.wait_indirect_dma semaphore(%arg8 : memref<!tpu.dma_semaphore, #tpu.memory_space<semaphore_mem>>) src(%arg5 : memref<128x16xf32, #tpu.memory_space<vmem>>) dst(%dma_wait3A_160 : memref<10240x16xf32, #tpu.memory_space<vmem_shared>>)
      %mul3A_161 = arith.constant 8 : i32
      %mul3A_162 = arith.muli %mul3A_161, %scan3A_31 : i32
      %add3A_163 = arith.constant 5 : i32
      %add3A_164 = arith.addi %mul3A_162, %add3A_163 : i32
      %dma_wait3A_165 = arith.constant 0 : i32
      %dma_wait3A_166 = tpu.memref_slice %arg4[%add3A_164, %dma_wait3A_165] : memref<80x128xi32, #tpu.memory_space<vmem>> -> memref<1x128xi32, #tpu.memory_space<vmem>>
      %dma_wait3A_167 = tpu.memref_squeeze %dma_wait3A_166 : memref<1x128xi32, #tpu.memory_space<vmem>> -> memref<128xi32, #tpu.memory_space<vmem>>
      %dma_wait3A_168 = arith.constant 0 : i32
      %dma_wait3A_169 = arith.constant 0 : i32
      %dma_wait3A_170 = tpu.memref_slice %arg7[%dma_wait3A_168, %dma_wait3A_169] : memref<10240x16xf32, #tpu.memory_space<vmem_shared>> -> memref<10240x16xf32, #tpu.memory_space<vmem_shared>>
      tpu.wait_indirect_dma semaphore(%arg8 : memref<!tpu.dma_semaphore, #tpu.memory_space<semaphore_mem>>) src(%arg5 : memref<128x16xf32, #tpu.memory_space<vmem>>) dst(%dma_wait3A_170 : memref<10240x16xf32, #tpu.memory_space<vmem_shared>>)
      %mul3A_171 = arith.constant 8 : i32
      %mul3A_172 = arith.muli %mul3A_171, %scan3A_31 : i32
      %add3A_173 = arith.constant 6 : i32
      %add3A_174 = arith.addi %mul3A_172, %add3A_173 : i32
      %dma_wait3A_175 = arith.constant 0 : i32
      %dma_wait3A_176 = tpu.memref_slice %arg4[%add3A_174, %dma_wait3A_175] : memref<80x128xi32, #tpu.memory_space<vmem>> -> memref<1x128xi32, #tpu.memory_space<vmem>>
      %dma_wait3A_177 = tpu.memref_squeeze %dma_wait3A_176 : memref<1x128xi32, #tpu.memory_space<vmem>> -> memref<128xi32, #tpu.memory_space<vmem>>
      %dma_wait3A_178 = arith.constant 0 : i32
      %dma_wait3A_179 = arith.constant 0 : i32
      %dma_wait3A_180 = tpu.memref_slice %arg7[%dma_wait3A_178, %dma_wait3A_179] : memref<10240x16xf32, #tpu.memory_space<vmem_shared>> -> memref<10240x16xf32, #tpu.memory_space<vmem_shared>>
      tpu.wait_indirect_dma semaphore(%arg8 : memref<!tpu.dma_semaphore, #tpu.memory_space<semaphore_mem>>) src(%arg5 : memref<128x16xf32, #tpu.memory_space<vmem>>) dst(%dma_wait3A_180 : memref<10240x16xf32, #tpu.memory_space<vmem_shared>>)
      %mul3A_181 = arith.constant 8 : i32
      %mul3A_182 = arith.muli %mul3A_181, %scan3A_31 : i32
      %add3A_183 = arith.constant 7 : i32
      %add3A_184 = arith.addi %mul3A_182, %add3A_183 : i32
      %dma_wait3A_185 = arith.constant 0 : i32
      %dma_wait3A_186 = tpu.memref_slice %arg4[%add3A_184, %dma_wait3A_185] : memref<80x128xi32, #tpu.memory_space<vmem>> -> memref<1x128xi32, #tpu.memory_space<vmem>>
      %dma_wait3A_187 = tpu.memref_squeeze %dma_wait3A_186 : memref<1x128xi32, #tpu.memory_space<vmem>> -> memref<128xi32, #tpu.memory_space<vmem>>
      %dma_wait3A_188 = arith.constant 0 : i32
      %dma_wait3A_189 = arith.constant 0 : i32
      %dma_wait3A_190 = tpu.memref_slice %arg7[%dma_wait3A_188, %dma_wait3A_189] : memref<10240x16xf32, #tpu.memory_space<vmem_shared>> -> memref<10240x16xf32, #tpu.memory_space<vmem_shared>>
      tpu.wait_indirect_dma semaphore(%arg8 : memref<!tpu.dma_semaphore, #tpu.memory_space<semaphore_mem>>) src(%arg5 : memref<128x16xf32, #tpu.memory_space<vmem>>) dst(%dma_wait3A_190 : memref<10240x16xf32, #tpu.memory_space<vmem_shared>>)
      %scan3A_191 = arith.constant 0 : i32
      scf.yield %scan3A_191 : i32
    }
    %scan3A_27 = arith.constant 10 : i32
    %barrier3A_28 = arith.constant 0 : index
    tpu.barrier barrier_id(%barrier3A_28)
    %mul3A_29 = arith.constant 640 : i32
    %mul3A_30 = arith.muli %arg1, %mul3A_29 : i32
    "tpu.region"() ({
      %run_scoped3A = tpu.sem_alloc : memref<!tpu.dma_semaphore, #tpu.memory_space<semaphore_mem>>
      %dma_start3A = arith.constant 0 : i32
      %dma_start3A_31 = tpu.memref_slice %arg7[%mul3A_30, %dma_start3A] : memref<10240x16xf32, #tpu.memory_space<vmem_shared>> -> memref<640x16xf32, #tpu.memory_space<vmem_shared>>
      %dma_start3A_32 = arith.constant 0 : i32
      %dma_start3A_33 = tpu.memref_slice %arg7[%mul3A_30, %dma_start3A_32] : memref<10240x16xf32, #tpu.memory_space<vmem_shared>> -> memref<640x16xf32, #tpu.memory_space<vmem_shared>>
      tpu.enqueue_dma source(%dma_start3A_33 : memref<640x16xf32, #tpu.memory_space<vmem_shared>>) target(%arg6 : memref<640x16xf32, #tpu.memory_space<vmem>>) target_semaphore(%run_scoped3A : memref<!tpu.dma_semaphore, #tpu.memory_space<semaphore_mem>>)
      %dma_wait3A = arith.constant 0 : i32
      %dma_wait3A_34 = tpu.memref_slice %arg7[%mul3A_30, %dma_wait3A] : memref<10240x16xf32, #tpu.memory_space<vmem_shared>> -> memref<640x16xf32, #tpu.memory_space<vmem_shared>>
      %dma_wait3A_35 = arith.constant 0 : i32
      %dma_wait3A_36 = tpu.memref_slice %arg7[%mul3A_30, %dma_wait3A_35] : memref<10240x16xf32, #tpu.memory_space<vmem_shared>> -> memref<640x16xf32, #tpu.memory_space<vmem_shared>>
      tpu.wait_dma2 semaphore(%run_scoped3A : memref<!tpu.dma_semaphore, #tpu.memory_space<semaphore_mem>>) src(%dma_wait3A_36 : memref<640x16xf32, #tpu.memory_space<vmem_shared>>) dst(%arg6 : memref<640x16xf32, #tpu.memory_space<vmem>>)
      tpu.yield
    }) : () -> ()
    "tpu.region"() ({
      %run_scoped3A = tpu.sem_alloc : memref<!tpu.dma_semaphore, #tpu.memory_space<semaphore_mem>>
      %dma_start3A = arith.constant 0 : i32
      %dma_start3A_31 = tpu.memref_slice %arg3[%arg0, %mul3A_30, %dma_start3A] : memref<2x10240x16xf32, #tpu.memory_space<hbm>> -> memref<1x640x16xf32, #tpu.memory_space<hbm>>
      %dma_start3A_32 = tpu.memref_squeeze %dma_start3A_31 : memref<1x640x16xf32, #tpu.memory_space<hbm>> -> memref<640x16xf32, #tpu.memory_space<hbm>>
      %dma_start3A_33 = arith.constant 0 : i32
      %dma_start3A_34 = tpu.memref_slice %arg3[%arg0, %mul3A_30, %dma_start3A_33] : memref<2x10240x16xf32, #tpu.memory_space<hbm>> -> memref<1x640x16xf32, #tpu.memory_space<hbm>>
      %dma_start3A_35 = tpu.memref_squeeze %dma_start3A_34 : memref<1x640x16xf32, #tpu.memory_space<hbm>> -> memref<640x16xf32, #tpu.memory_space<hbm>>
      tpu.enqueue_dma source(%arg6 : memref<640x16xf32, #tpu.memory_space<vmem>>) target(%dma_start3A_35 : memref<640x16xf32, #tpu.memory_space<hbm>>) target_semaphore(%run_scoped3A : memref<!tpu.dma_semaphore, #tpu.memory_space<semaphore_mem>>)
      %dma_wait3A = arith.constant 0 : i32
      %dma_wait3A_36 = tpu.memref_slice %arg3[%arg0, %mul3A_30, %dma_wait3A] : memref<2x10240x16xf32, #tpu.memory_space<hbm>> -> memref<1x640x16xf32, #tpu.memory_space<hbm>>
      %dma_wait3A_37 = tpu.memref_squeeze %dma_wait3A_36 : memref<1x640x16xf32, #tpu.memory_space<hbm>> -> memref<640x16xf32, #tpu.memory_space<hbm>>
      %dma_wait3A_38 = arith.constant 0 : i32
      %dma_wait3A_39 = tpu.memref_slice %arg3[%arg0, %mul3A_30, %dma_wait3A_38] : memref<2x10240x16xf32, #tpu.memory_space<hbm>> -> memref<1x640x16xf32, #tpu.memory_space<hbm>>
      %dma_wait3A_40 = tpu.memref_squeeze %dma_wait3A_39 : memref<1x640x16xf32, #tpu.memory_space<hbm>> -> memref<640x16xf32, #tpu.memory_space<hbm>>
      tpu.wait_dma2 semaphore(%run_scoped3A : memref<!tpu.dma_semaphore, #tpu.memory_space<semaphore_mem>>) src(%arg6 : memref<640x16xf32, #tpu.memory_space<vmem>>) dst(%dma_wait3A_40 : memref<640x16xf32, #tpu.memory_space<hbm>>)
      tpu.yield
    }) : () -> ()
    return
  }
}

#map = affine_map<(d0, d1) -> (0, 0)>
#map1 = affine_map<(d0, d1) -> (0, 0, 0)>
module attributes {stable_mosaic.version = 14 : i64} {
  func.func @body(%arg0: i32, %arg1: i32, %arg2: memref<2560x128xi32, #tpu.memory_space<hbm>>, %arg3: memref<2560x128xi32, #tpu.memory_space<hbm>>, %arg4: memref<10240x64xf32, #tpu.memory_space<hbm>>, %arg5: memref<10240x16xf32, #tpu.memory_space<hbm>>, %arg6: memref<2x10240x64xf32, #tpu.memory_space<hbm>>, %arg7: memref<80x128xi32, #tpu.memory_space<vmem>>, %arg8: memref<80x128xi32, #tpu.memory_space<vmem>>, %arg9: memref<128x64xf32, #tpu.memory_space<vmem>>, %arg10: memref<128x64xf32, #tpu.memory_space<vmem>>, %arg11: memref<128x64xf32, #tpu.memory_space<vmem>>, %arg12: memref<128x16xf32, #tpu.memory_space<vmem>>, %arg13: memref<128x16xf32, #tpu.memory_space<vmem>>, %arg14: memref<10240x64xf32, #tpu.memory_space<vmem_shared>>, %arg15: memref<10240x64xf32, #tpu.memory_space<vmem_shared>>, %arg16: memref<!tpu.dma_semaphore, #tpu.memory_space<semaphore_mem>>, %arg17: memref<!tpu.dma_semaphore, #tpu.memory_space<semaphore_mem>>, %arg18: memref<!tpu.dma_semaphore, #tpu.memory_space<semaphore_mem>>) attributes {dimension_semantics = [#tpu.dimension_semantics<core_parallel>, #tpu.dimension_semantics<subcore_parallel>], iteration_bounds = array<i64: 2, 16>, scalar_prefetch = 0 : i64, scratch_operands = 12 : i64, tpu.core_type = #tpu.core_type<sc_vector_subcore>, window_params = [{transform_indices = #map}, {transform_indices = #map}, {transform_indices = #map}, {transform_indices = #map}, {transform_indices = #map1}]} {
    %mul3A = arith.constant 16 : i32
    %mul3A_0 = arith.muli %arg0, %mul3A : i32
    %add3A = arith.addi %mul3A_0, %arg1 : i32
    %broadcast_in_dim3A = arith.constant 0.000000e+00 : f32
    %broadcast_in_dim3A_1 = vector.broadcast %broadcast_in_dim3A : f32 to vector<16xf32>
    %mul3A_2 = arith.constant 80 : i32
    %mul3A_3 = arith.muli %add3A, %mul3A_2 : i32
    %dma_start3A = arith.constant 0 : i32
    %dma_start3A_4 = tpu.memref_slice %arg2[%mul3A_3, %dma_start3A] : memref<2560x128xi32, #tpu.memory_space<hbm>> -> memref<80x128xi32, #tpu.memory_space<hbm>>
    %dma_start3A_5 = arith.constant 0 : i32
    %dma_start3A_6 = tpu.memref_slice %arg2[%mul3A_3, %dma_start3A_5] : memref<2560x128xi32, #tpu.memory_space<hbm>> -> memref<80x128xi32, #tpu.memory_space<hbm>>
    tpu.enqueue_dma source(%dma_start3A_6 : memref<80x128xi32, #tpu.memory_space<hbm>>) target(%arg7 : memref<80x128xi32, #tpu.memory_space<vmem>>) target_semaphore(%arg16 : memref<!tpu.dma_semaphore, #tpu.memory_space<semaphore_mem>>)
    %dma_start3A_7 = arith.constant 0 : i32
    %dma_start3A_8 = tpu.memref_slice %arg3[%mul3A_3, %dma_start3A_7] : memref<2560x128xi32, #tpu.memory_space<hbm>> -> memref<80x128xi32, #tpu.memory_space<hbm>>
    %dma_start3A_9 = arith.constant 0 : i32
    %dma_start3A_10 = tpu.memref_slice %arg3[%mul3A_3, %dma_start3A_9] : memref<2560x128xi32, #tpu.memory_space<hbm>> -> memref<80x128xi32, #tpu.memory_space<hbm>>
    tpu.enqueue_dma source(%dma_start3A_10 : memref<80x128xi32, #tpu.memory_space<hbm>>) target(%arg8 : memref<80x128xi32, #tpu.memory_space<vmem>>) target_semaphore(%arg17 : memref<!tpu.dma_semaphore, #tpu.memory_space<semaphore_mem>>)
    %scan3A = arith.constant 0 : i32
    %scan3A_11 = arith.constant 0 : i32
    %scan3A_12 = arith.constant 128 : i32
    %scan3A_13 = arith.addi %scan3A_11, %scan3A_12 : i32
    %scan3A_14 = arith.constant 1 : i32
    %scan3A_15 = scf.for %scan3A_75 = %scan3A_11 to %scan3A_13 step %scan3A_14 iter_args(%scan3A_76 = %scan3A) -> (i32)  : i32 {
      %swap3A = arith.index_cast %scan3A_75 : i32 to index
      %swap3A_77 = arith.constant 0 : index
      %swap3A_78 = tpu.vector_load %arg10[%swap3A, %swap3A_77] {strides = array<i32>} : memref<128x64xf32, #tpu.memory_space<vmem>>, vector<16xf32>,
      tpu.vector_store %arg10[%swap3A, %swap3A_77], %broadcast_in_dim3A_1 {strides = array<i32>} : memref<128x64xf32, #tpu.memory_space<vmem>>, vector<16xf32>,
      %swap3A_79 = arith.index_cast %scan3A_75 : i32 to index
      %swap3A_80 = arith.constant 16 : index
      %swap3A_81 = tpu.vector_load %arg10[%swap3A_79, %swap3A_80] {strides = array<i32>} : memref<128x64xf32, #tpu.memory_space<vmem>>, vector<16xf32>,
      tpu.vector_store %arg10[%swap3A_79, %swap3A_80], %broadcast_in_dim3A_1 {strides = array<i32>} : memref<128x64xf32, #tpu.memory_space<vmem>>, vector<16xf32>,
      %swap3A_82 = arith.index_cast %scan3A_75 : i32 to index
      %swap3A_83 = arith.constant 32 : index
      %swap3A_84 = tpu.vector_load %arg10[%swap3A_82, %swap3A_83] {strides = array<i32>} : memref<128x64xf32, #tpu.memory_space<vmem>>, vector<16xf32>,
      tpu.vector_store %arg10[%swap3A_82, %swap3A_83], %broadcast_in_dim3A_1 {strides = array<i32>} : memref<128x64xf32, #tpu.memory_space<vmem>>, vector<16xf32>,
      %swap3A_85 = arith.index_cast %scan3A_75 : i32 to index
      %swap3A_86 = arith.constant 48 : index
      %swap3A_87 = tpu.vector_load %arg10[%swap3A_85, %swap3A_86] {strides = array<i32>} : memref<128x64xf32, #tpu.memory_space<vmem>>, vector<16xf32>,
      tpu.vector_store %arg10[%swap3A_85, %swap3A_86], %broadcast_in_dim3A_1 {strides = array<i32>} : memref<128x64xf32, #tpu.memory_space<vmem>>, vector<16xf32>,
      %scan3A_88 = arith.constant 0 : i32
      scf.yield %scan3A_88 : i32
    }
    %scan3A_16 = arith.constant 128 : i32
    %scan3A_17 = arith.constant 0 : i32
    %scan3A_18 = arith.constant 0 : i32
    %scan3A_19 = arith.constant 5 : i32
    %scan3A_20 = arith.addi %scan3A_18, %scan3A_19 : i32
    %scan3A_21 = arith.constant 1 : i32
    %scan3A_22 = scf.for %scan3A_75 = %scan3A_18 to %scan3A_20 step %scan3A_21 iter_args(%scan3A_76 = %scan3A_17) -> (i32)  : i32 {
      %mul3A_77 = arith.constant 640 : i32
      %mul3A_78 = arith.muli %arg1, %mul3A_77 : i32
      %mul3A_79 = arith.constant 128 : i32
      %mul3A_80 = arith.muli %scan3A_75, %mul3A_79 : i32
      %add3A_81 = arith.addi %mul3A_78, %mul3A_80 : i32
      "tpu.region"() ({
        %run_scoped3A_90 = tpu.sem_alloc : memref<!tpu.dma_semaphore, #tpu.memory_space<semaphore_mem>>
        %dma_start3A_91 = arith.constant 0 : i32
        %dma_start3A_92 = tpu.memref_slice %arg14[%add3A_81, %dma_start3A_91] : memref<10240x64xf32, #tpu.memory_space<vmem_shared>> -> memref<128x64xf32, #tpu.memory_space<vmem_shared>>
        %dma_start3A_93 = arith.constant 0 : i32
        %dma_start3A_94 = tpu.memref_slice %arg14[%add3A_81, %dma_start3A_93] : memref<10240x64xf32, #tpu.memory_space<vmem_shared>> -> memref<128x64xf32, #tpu.memory_space<vmem_shared>>
        tpu.enqueue_dma source(%arg10 : memref<128x64xf32, #tpu.memory_space<vmem>>) target(%dma_start3A_94 : memref<128x64xf32, #tpu.memory_space<vmem_shared>>) target_semaphore(%run_scoped3A_90 : memref<!tpu.dma_semaphore, #tpu.memory_space<semaphore_mem>>)
        %dma_wait3A_95 = arith.constant 0 : i32
        %dma_wait3A_96 = tpu.memref_slice %arg14[%add3A_81, %dma_wait3A_95] : memref<10240x64xf32, #tpu.memory_space<vmem_shared>> -> memref<128x64xf32, #tpu.memory_space<vmem_shared>>
        %dma_wait3A_97 = arith.constant 0 : i32
        %dma_wait3A_98 = tpu.memref_slice %arg14[%add3A_81, %dma_wait3A_97] : memref<10240x64xf32, #tpu.memory_space<vmem_shared>> -> memref<128x64xf32, #tpu.memory_space<vmem_shared>>
        tpu.wait_dma2 semaphore(%run_scoped3A_90 : memref<!tpu.dma_semaphore, #tpu.memory_space<semaphore_mem>>) src(%arg10 : memref<128x64xf32, #tpu.memory_space<vmem>>) dst(%dma_wait3A_98 : memref<128x64xf32, #tpu.memory_space<vmem_shared>>)
        tpu.yield
      }) : () -> ()
      "tpu.region"() ({
        %run_scoped3A_90 = tpu.sem_alloc : memref<!tpu.dma_semaphore, #tpu.memory_space<semaphore_mem>>
        %dma_start3A_91 = arith.constant 0 : i32
        %dma_start3A_92 = tpu.memref_slice %arg5[%add3A_81, %dma_start3A_91] : memref<10240x16xf32, #tpu.memory_space<hbm>> -> memref<128x16xf32, #tpu.memory_space<hbm>>
        %dma_start3A_93 = arith.constant 0 : i32
        %dma_start3A_94 = tpu.memref_slice %arg5[%add3A_81, %dma_start3A_93] : memref<10240x16xf32, #tpu.memory_space<hbm>> -> memref<128x16xf32, #tpu.memory_space<hbm>>
        tpu.enqueue_dma source(%dma_start3A_94 : memref<128x16xf32, #tpu.memory_space<hbm>>) target(%arg12 : memref<128x16xf32, #tpu.memory_space<vmem>>) target_semaphore(%run_scoped3A_90 : memref<!tpu.dma_semaphore, #tpu.memory_space<semaphore_mem>>)
        %dma_wait3A_95 = arith.constant 0 : i32
        %dma_wait3A_96 = tpu.memref_slice %arg5[%add3A_81, %dma_wait3A_95] : memref<10240x16xf32, #tpu.memory_space<hbm>> -> memref<128x16xf32, #tpu.memory_space<hbm>>
        %dma_wait3A_97 = arith.constant 0 : i32
        %dma_wait3A_98 = tpu.memref_slice %arg5[%add3A_81, %dma_wait3A_97] : memref<10240x16xf32, #tpu.memory_space<hbm>> -> memref<128x16xf32, #tpu.memory_space<hbm>>
        tpu.wait_dma2 semaphore(%run_scoped3A_90 : memref<!tpu.dma_semaphore, #tpu.memory_space<semaphore_mem>>) src(%dma_wait3A_98 : memref<128x16xf32, #tpu.memory_space<hbm>>) dst(%arg12 : memref<128x16xf32, #tpu.memory_space<vmem>>)
        tpu.yield
      }) : () -> ()
      "tpu.region"() ({
        %run_scoped3A_90 = tpu.sem_alloc : memref<!tpu.dma_semaphore, #tpu.memory_space<semaphore_mem>>
        %dma_start3A_91 = arith.constant 0 : i32
        %dma_start3A_92 = tpu.memref_slice %arg4[%add3A_81, %dma_start3A_91] : memref<10240x64xf32, #tpu.memory_space<hbm>> -> memref<128x64xf32, #tpu.memory_space<hbm>>
        %dma_start3A_93 = arith.constant 0 : i32
        %dma_start3A_94 = tpu.memref_slice %arg4[%add3A_81, %dma_start3A_93] : memref<10240x64xf32, #tpu.memory_space<hbm>> -> memref<128x64xf32, #tpu.memory_space<hbm>>
        tpu.enqueue_dma source(%dma_start3A_94 : memref<128x64xf32, #tpu.memory_space<hbm>>) target(%arg9 : memref<128x64xf32, #tpu.memory_space<vmem>>) target_semaphore(%run_scoped3A_90 : memref<!tpu.dma_semaphore, #tpu.memory_space<semaphore_mem>>)
        %dma_wait3A_95 = arith.constant 0 : i32
        %dma_wait3A_96 = tpu.memref_slice %arg4[%add3A_81, %dma_wait3A_95] : memref<10240x64xf32, #tpu.memory_space<hbm>> -> memref<128x64xf32, #tpu.memory_space<hbm>>
        %dma_wait3A_97 = arith.constant 0 : i32
        %dma_wait3A_98 = tpu.memref_slice %arg4[%add3A_81, %dma_wait3A_97] : memref<10240x64xf32, #tpu.memory_space<hbm>> -> memref<128x64xf32, #tpu.memory_space<hbm>>
        tpu.wait_dma2 semaphore(%run_scoped3A_90 : memref<!tpu.dma_semaphore, #tpu.memory_space<semaphore_mem>>) src(%dma_wait3A_98 : memref<128x64xf32, #tpu.memory_space<hbm>>) dst(%arg9 : memref<128x64xf32, #tpu.memory_space<vmem>>)
        tpu.yield
      }) : () -> ()
      %scan3A_82 = arith.constant 0 : i32
      %scan3A_83 = arith.constant 0 : i32
      %scan3A_84 = arith.constant 64 : i32
      %scan3A_85 = arith.addi %scan3A_83, %scan3A_84 : i32
      %scan3A_86 = arith.constant 1 : i32
      %scan3A_87 = scf.for %scan3A_90 = %scan3A_83 to %scan3A_85 step %scan3A_86 iter_args(%scan3A_91 = %scan3A_82) -> (i32)  : i32 {
        %mul3A_92 = arith.constant 2 : i32
        %mul3A_93 = arith.muli %mul3A_92, %scan3A_90 : i32
        %add3A_94 = arith.constant 0 : i32
        %add3A_95 = arith.addi %mul3A_93, %add3A_94 : i32
        %get3A = arith.index_cast %add3A_95 : i32 to index
        %get3A_96 = arith.constant 0 : index
        %get3A_97 = tpu.vector_load %arg12[%get3A, %get3A_96] {strides = array<i32>} : memref<128x16xf32, #tpu.memory_space<vmem>>, vector<16xf32>,
        %get3A_98 = arith.index_cast %add3A_95 : i32 to index
        %get3A_99 = arith.constant 0 : index
        %get3A_100 = tpu.vector_load %arg9[%get3A_98, %get3A_99] {strides = array<i32>} : memref<128x64xf32, #tpu.memory_space<vmem>>, vector<16xf32>,
        %mul3A_101 = arith.mulf %get3A_100, %get3A_97 : vector<16xf32>
        %swap3A = arith.index_cast %add3A_95 : i32 to index
        %swap3A_102 = arith.constant 0 : index
        %swap3A_103 = tpu.vector_load %arg9[%swap3A, %swap3A_102] {strides = array<i32>} : memref<128x64xf32, #tpu.memory_space<vmem>>, vector<16xf32>,
        tpu.vector_store %arg9[%swap3A, %swap3A_102], %mul3A_101 {strides = array<i32>} : memref<128x64xf32, #tpu.memory_space<vmem>>, vector<16xf32>,
        %get3A_104 = arith.index_cast %add3A_95 : i32 to index
        %get3A_105 = arith.constant 16 : index
        %get3A_106 = tpu.vector_load %arg9[%get3A_104, %get3A_105] {strides = array<i32>} : memref<128x64xf32, #tpu.memory_space<vmem>>, vector<16xf32>,
        %mul3A_107 = arith.mulf %get3A_106, %get3A_97 : vector<16xf32>
        %swap3A_108 = arith.index_cast %add3A_95 : i32 to index
        %swap3A_109 = arith.constant 16 : index
        %swap3A_110 = tpu.vector_load %arg9[%swap3A_108, %swap3A_109] {strides = array<i32>} : memref<128x64xf32, #tpu.memory_space<vmem>>, vector<16xf32>,
        tpu.vector_store %arg9[%swap3A_108, %swap3A_109], %mul3A_107 {strides = array<i32>} : memref<128x64xf32, #tpu.memory_space<vmem>>, vector<16xf32>,
        %get3A_111 = arith.index_cast %add3A_95 : i32 to index
        %get3A_112 = arith.constant 32 : index
        %get3A_113 = tpu.vector_load %arg9[%get3A_111, %get3A_112] {strides = array<i32>} : memref<128x64xf32, #tpu.memory_space<vmem>>, vector<16xf32>,
        %mul3A_114 = arith.mulf %get3A_113, %get3A_97 : vector<16xf32>
        %swap3A_115 = arith.index_cast %add3A_95 : i32 to index
        %swap3A_116 = arith.constant 32 : index
        %swap3A_117 = tpu.vector_load %arg9[%swap3A_115, %swap3A_116] {strides = array<i32>} : memref<128x64xf32, #tpu.memory_space<vmem>>, vector<16xf32>,
        tpu.vector_store %arg9[%swap3A_115, %swap3A_116], %mul3A_114 {strides = array<i32>} : memref<128x64xf32, #tpu.memory_space<vmem>>, vector<16xf32>,
        %get3A_118 = arith.index_cast %add3A_95 : i32 to index
        %get3A_119 = arith.constant 48 : index
        %get3A_120 = tpu.vector_load %arg9[%get3A_118, %get3A_119] {strides = array<i32>} : memref<128x64xf32, #tpu.memory_space<vmem>>, vector<16xf32>,
        %mul3A_121 = arith.mulf %get3A_120, %get3A_97 : vector<16xf32>
        %swap3A_122 = arith.index_cast %add3A_95 : i32 to index
        %swap3A_123 = arith.constant 48 : index
        %swap3A_124 = tpu.vector_load %arg9[%swap3A_122, %swap3A_123] {strides = array<i32>} : memref<128x64xf32, #tpu.memory_space<vmem>>, vector<16xf32>,
        tpu.vector_store %arg9[%swap3A_122, %swap3A_123], %mul3A_121 {strides = array<i32>} : memref<128x64xf32, #tpu.memory_space<vmem>>, vector<16xf32>,
        %mul3A_125 = arith.constant 2 : i32
        %mul3A_126 = arith.muli %mul3A_125, %scan3A_90 : i32
        %add3A_127 = arith.constant 1 : i32
        %add3A_128 = arith.addi %mul3A_126, %add3A_127 : i32
        %get3A_129 = arith.index_cast %add3A_128 : i32 to index
        %get3A_130 = arith.constant 0 : index
        %get3A_131 = tpu.vector_load %arg12[%get3A_129, %get3A_130] {strides = array<i32>} : memref<128x16xf32, #tpu.memory_space<vmem>>, vector<16xf32>,
        %get3A_132 = arith.index_cast %add3A_128 : i32 to index
        %get3A_133 = arith.constant 0 : index
        %get3A_134 = tpu.vector_load %arg9[%get3A_132, %get3A_133] {strides = array<i32>} : memref<128x64xf32, #tpu.memory_space<vmem>>, vector<16xf32>,
        %mul3A_135 = arith.mulf %get3A_134, %get3A_131 : vector<16xf32>
        %swap3A_136 = arith.index_cast %add3A_128 : i32 to index
        %swap3A_137 = arith.constant 0 : index
        %swap3A_138 = tpu.vector_load %arg9[%swap3A_136, %swap3A_137] {strides = array<i32>} : memref<128x64xf32, #tpu.memory_space<vmem>>, vector<16xf32>,
        tpu.vector_store %arg9[%swap3A_136, %swap3A_137], %mul3A_135 {strides = array<i32>} : memref<128x64xf32, #tpu.memory_space<vmem>>, vector<16xf32>,
        %get3A_139 = arith.index_cast %add3A_128 : i32 to index
        %get3A_140 = arith.constant 16 : index
        %get3A_141 = tpu.vector_load %arg9[%get3A_139, %get3A_140] {strides = array<i32>} : memref<128x64xf32, #tpu.memory_space<vmem>>, vector<16xf32>,
        %mul3A_142 = arith.mulf %get3A_141, %get3A_131 : vector<16xf32>
        %swap3A_143 = arith.index_cast %add3A_128 : i32 to index
        %swap3A_144 = arith.constant 16 : index
        %swap3A_145 = tpu.vector_load %arg9[%swap3A_143, %swap3A_144] {strides = array<i32>} : memref<128x64xf32, #tpu.memory_space<vmem>>, vector<16xf32>,
        tpu.vector_store %arg9[%swap3A_143, %swap3A_144], %mul3A_142 {strides = array<i32>} : memref<128x64xf32, #tpu.memory_space<vmem>>, vector<16xf32>,
        %get3A_146 = arith.index_cast %add3A_128 : i32 to index
        %get3A_147 = arith.constant 32 : index
        %get3A_148 = tpu.vector_load %arg9[%get3A_146, %get3A_147] {strides = array<i32>} : memref<128x64xf32, #tpu.memory_space<vmem>>, vector<16xf32>,
        %mul3A_149 = arith.mulf %get3A_148, %get3A_131 : vector<16xf32>
        %swap3A_150 = arith.index_cast %add3A_128 : i32 to index
        %swap3A_151 = arith.constant 32 : index
        %swap3A_152 = tpu.vector_load %arg9[%swap3A_150, %swap3A_151] {strides = array<i32>} : memref<128x64xf32, #tpu.memory_space<vmem>>, vector<16xf32>,
        tpu.vector_store %arg9[%swap3A_150, %swap3A_151], %mul3A_149 {strides = array<i32>} : memref<128x64xf32, #tpu.memory_space<vmem>>, vector<16xf32>,
        %get3A_153 = arith.index_cast %add3A_128 : i32 to index
        %get3A_154 = arith.constant 48 : index
        %get3A_155 = tpu.vector_load %arg9[%get3A_153, %get3A_154] {strides = array<i32>} : memref<128x64xf32, #tpu.memory_space<vmem>>, vector<16xf32>,
        %mul3A_156 = arith.mulf %get3A_155, %get3A_131 : vector<16xf32>
        %swap3A_157 = arith.index_cast %add3A_128 : i32 to index
        %swap3A_158 = arith.constant 48 : index
        %swap3A_159 = tpu.vector_load %arg9[%swap3A_157, %swap3A_158] {strides = array<i32>} : memref<128x64xf32, #tpu.memory_space<vmem>>, vector<16xf32>,
        tpu.vector_store %arg9[%swap3A_157, %swap3A_158], %mul3A_156 {strides = array<i32>} : memref<128x64xf32, #tpu.memory_space<vmem>>, vector<16xf32>,
        %scan3A_160 = arith.constant 0 : i32
        scf.yield %scan3A_160 : i32
      }
      %scan3A_88 = arith.constant 64 : i32
      "tpu.region"() ({
        %run_scoped3A_90 = tpu.sem_alloc : memref<!tpu.dma_semaphore, #tpu.memory_space<semaphore_mem>>
        %dma_start3A_91 = arith.constant 0 : i32
        %dma_start3A_92 = tpu.memref_slice %arg15[%add3A_81, %dma_start3A_91] : memref<10240x64xf32, #tpu.memory_space<vmem_shared>> -> memref<128x64xf32, #tpu.memory_space<vmem_shared>>
        %dma_start3A_93 = arith.constant 0 : i32
        %dma_start3A_94 = tpu.memref_slice %arg15[%add3A_81, %dma_start3A_93] : memref<10240x64xf32, #tpu.memory_space<vmem_shared>> -> memref<128x64xf32, #tpu.memory_space<vmem_shared>>
        tpu.enqueue_dma source(%arg9 : memref<128x64xf32, #tpu.memory_space<vmem>>) target(%dma_start3A_94 : memref<128x64xf32, #tpu.memory_space<vmem_shared>>) target_semaphore(%run_scoped3A_90 : memref<!tpu.dma_semaphore, #tpu.memory_space<semaphore_mem>>)
        %dma_wait3A_95 = arith.constant 0 : i32
        %dma_wait3A_96 = tpu.memref_slice %arg15[%add3A_81, %dma_wait3A_95] : memref<10240x64xf32, #tpu.memory_space<vmem_shared>> -> memref<128x64xf32, #tpu.memory_space<vmem_shared>>
        %dma_wait3A_97 = arith.constant 0 : i32
        %dma_wait3A_98 = tpu.memref_slice %arg15[%add3A_81, %dma_wait3A_97] : memref<10240x64xf32, #tpu.memory_space<vmem_shared>> -> memref<128x64xf32, #tpu.memory_space<vmem_shared>>
        tpu.wait_dma2 semaphore(%run_scoped3A_90 : memref<!tpu.dma_semaphore, #tpu.memory_space<semaphore_mem>>) src(%arg9 : memref<128x64xf32, #tpu.memory_space<vmem>>) dst(%dma_wait3A_98 : memref<128x64xf32, #tpu.memory_space<vmem_shared>>)
        tpu.yield
      }) : () -> ()
      %scan3A_89 = arith.constant 0 : i32
      scf.yield %scan3A_89 : i32
    }
    %scan3A_23 = arith.constant 5 : i32
    %dma_wait3A = arith.constant 0 : i32
    %dma_wait3A_24 = tpu.memref_slice %arg2[%mul3A_3, %dma_wait3A] : memref<2560x128xi32, #tpu.memory_space<hbm>> -> memref<80x128xi32, #tpu.memory_space<hbm>>
    %dma_wait3A_25 = arith.constant 0 : i32
    %dma_wait3A_26 = tpu.memref_slice %arg2[%mul3A_3, %dma_wait3A_25] : memref<2560x128xi32, #tpu.memory_space<hbm>> -> memref<80x128xi32, #tpu.memory_space<hbm>>
    tpu.wait_dma2 semaphore(%arg16 : memref<!tpu.dma_semaphore, #tpu.memory_space<semaphore_mem>>) src(%dma_wait3A_26 : memref<80x128xi32, #tpu.memory_space<hbm>>) dst(%arg7 : memref<80x128xi32, #tpu.memory_space<vmem>>)
    %dma_wait3A_27 = arith.constant 0 : i32
    %dma_wait3A_28 = tpu.memref_slice %arg3[%mul3A_3, %dma_wait3A_27] : memref<2560x128xi32, #tpu.memory_space<hbm>> -> memref<80x128xi32, #tpu.memory_space<hbm>>
    %dma_wait3A_29 = arith.constant 0 : i32
    %dma_wait3A_30 = tpu.memref_slice %arg3[%mul3A_3, %dma_wait3A_29] : memref<2560x128xi32, #tpu.memory_space<hbm>> -> memref<80x128xi32, #tpu.memory_space<hbm>>
    tpu.wait_dma2 semaphore(%arg17 : memref<!tpu.dma_semaphore, #tpu.memory_space<semaphore_mem>>) src(%dma_wait3A_30 : memref<80x128xi32, #tpu.memory_space<hbm>>) dst(%arg8 : memref<80x128xi32, #tpu.memory_space<vmem>>)
    %barrier3A = arith.constant 0 : index
    tpu.barrier barrier_id(%barrier3A)
    %dma_start3A_31 = arith.constant 0 : i32
    %dma_start3A_32 = arith.constant 0 : i32
    %dma_start3A_33 = tpu.memref_slice %arg7[%dma_start3A_31, %dma_start3A_32] : memref<80x128xi32, #tpu.memory_space<vmem>> -> memref<1x128xi32, #tpu.memory_space<vmem>>
    %dma_start3A_34 = tpu.memref_squeeze %dma_start3A_33 : memref<1x128xi32, #tpu.memory_space<vmem>> -> memref<128xi32, #tpu.memory_space<vmem>>
    %dma_start3A_35 = arith.constant 0 : i32
    %dma_start3A_36 = arith.constant 0 : i32
    %dma_start3A_37 = tpu.memref_slice %arg15[%dma_start3A_35, %dma_start3A_36] : memref<10240x64xf32, #tpu.memory_space<vmem_shared>> -> memref<10240x64xf32, #tpu.memory_space<vmem_shared>>
    tpu.enqueue_indirect_dma source(%dma_start3A_37 : memref<10240x64xf32, #tpu.memory_space<vmem_shared>>) target(%arg9 : memref<128x64xf32, #tpu.memory_space<vmem>>) offsets(%dma_start3A_34 : memref<128xi32, #tpu.memory_space<vmem>>) semaphore(%arg16 : memref<!tpu.dma_semaphore, #tpu.memory_space<semaphore_mem>>)
    %dma_start3A_38 = arith.constant 1 : i32
    %dma_start3A_39 = arith.constant 0 : i32
    %dma_start3A_40 = tpu.memref_slice %arg7[%dma_start3A_38, %dma_start3A_39] : memref<80x128xi32, #tpu.memory_space<vmem>> -> memref<1x128xi32, #tpu.memory_space<vmem>>
    %dma_start3A_41 = tpu.memref_squeeze %dma_start3A_40 : memref<1x128xi32, #tpu.memory_space<vmem>> -> memref<128xi32, #tpu.memory_space<vmem>>
    %dma_start3A_42 = arith.constant 0 : i32
    %dma_start3A_43 = arith.constant 0 : i32
    %dma_start3A_44 = tpu.memref_slice %arg15[%dma_start3A_42, %dma_start3A_43] : memref<10240x64xf32, #tpu.memory_space<vmem_shared>> -> memref<10240x64xf32, #tpu.memory_space<vmem_shared>>
    tpu.enqueue_indirect_dma source(%dma_start3A_44 : memref<10240x64xf32, #tpu.memory_space<vmem_shared>>) target(%arg10 : memref<128x64xf32, #tpu.memory_space<vmem>>) offsets(%dma_start3A_41 : memref<128xi32, #tpu.memory_space<vmem>>) semaphore(%arg17 : memref<!tpu.dma_semaphore, #tpu.memory_space<semaphore_mem>>)
    %scan3A_45 = arith.constant 0 : i32
    %scan3A_46 = arith.constant 0 : i32
    %scan3A_47 = arith.constant 26 : i32
    %scan3A_48 = arith.addi %scan3A_46, %scan3A_47 : i32
    %scan3A_49 = arith.constant 1 : i32
    %scan3A_50 = scf.for %scan3A_75 = %scan3A_46 to %scan3A_48 step %scan3A_49 iter_args(%scan3A_76 = %scan3A_45) -> (i32)  : i32 {
      %mul3A_77 = arith.constant 3 : i32
      %mul3A_78 = arith.muli %mul3A_77, %scan3A_75 : i32
      %add3A_79 = arith.constant 0 : i32
      %add3A_80 = arith.addi %mul3A_78, %add3A_79 : i32
      %dma_wait3A_81 = arith.constant 0 : i32
      %dma_wait3A_82 = tpu.memref_slice %arg7[%add3A_80, %dma_wait3A_81] : memref<80x128xi32, #tpu.memory_space<vmem>> -> memref<1x128xi32, #tpu.memory_space<vmem>>
      %dma_wait3A_83 = tpu.memref_squeeze %dma_wait3A_82 : memref<1x128xi32, #tpu.memory_space<vmem>> -> memref<128xi32, #tpu.memory_space<vmem>>
      %dma_wait3A_84 = arith.constant 0 : i32
      %dma_wait3A_85 = arith.constant 0 : i32
      %dma_wait3A_86 = tpu.memref_slice %arg15[%dma_wait3A_84, %dma_wait3A_85] : memref<10240x64xf32, #tpu.memory_space<vmem_shared>> -> memref<10240x64xf32, #tpu.memory_space<vmem_shared>>
      tpu.wait_indirect_dma semaphore(%arg16 : memref<!tpu.dma_semaphore, #tpu.memory_space<semaphore_mem>>) src(%dma_wait3A_86 : memref<10240x64xf32, #tpu.memory_space<vmem_shared>>) dst(%arg9 : memref<128x64xf32, #tpu.memory_space<vmem>>)
      %add3A_87 = arith.constant 2 : i32
      %add3A_88 = arith.addi %add3A_80, %add3A_87 : i32
      %lt3A = arith.constant 80 : i32
      %lt3A_89 = arith.cmpi slt, %add3A_88, %lt3A : i32
      %convert_element_type3A = arith.extui %lt3A_89 : i1 to i32
      %cond3A = arith.constant 0 : i32
      %cond3A_90 = arith.cmpi ne, %convert_element_type3A, %cond3A : i32
      scf.if %cond3A_90 {
        %add3A_122 = arith.constant 2 : i32
        %add3A_123 = arith.addi %add3A_80, %add3A_122 : i32
        %dma_start3A_124 = arith.constant 0 : i32
        %dma_start3A_125 = tpu.memref_slice %arg7[%add3A_123, %dma_start3A_124] : memref<80x128xi32, #tpu.memory_space<vmem>> -> memref<1x128xi32, #tpu.memory_space<vmem>>
        %dma_start3A_126 = tpu.memref_squeeze %dma_start3A_125 : memref<1x128xi32, #tpu.memory_space<vmem>> -> memref<128xi32, #tpu.memory_space<vmem>>
        %dma_start3A_127 = arith.constant 0 : i32
        %dma_start3A_128 = arith.constant 0 : i32
        %dma_start3A_129 = tpu.memref_slice %arg15[%dma_start3A_127, %dma_start3A_128] : memref<10240x64xf32, #tpu.memory_space<vmem_shared>> -> memref<10240x64xf32, #tpu.memory_space<vmem_shared>>
        tpu.enqueue_indirect_dma source(%dma_start3A_129 : memref<10240x64xf32, #tpu.memory_space<vmem_shared>>) target(%arg11 : memref<128x64xf32, #tpu.memory_space<vmem>>) offsets(%dma_start3A_126 : memref<128xi32, #tpu.memory_space<vmem>>) semaphore(%arg18 : memref<!tpu.dma_semaphore, #tpu.memory_space<semaphore_mem>>)
      } else {
      }
      "tpu.region"() ({
        %run_scoped3A_122 = tpu.sem_alloc : memref<!tpu.dma_semaphore, #tpu.memory_space<semaphore_mem>>
        %dma_start3A_123 = arith.constant 0 : i32
        %dma_start3A_124 = tpu.memref_slice %arg8[%add3A_80, %dma_start3A_123] : memref<80x128xi32, #tpu.memory_space<vmem>> -> memref<1x128xi32, #tpu.memory_space<vmem>>
        %dma_start3A_125 = tpu.memref_squeeze %dma_start3A_124 : memref<1x128xi32, #tpu.memory_space<vmem>> -> memref<128xi32, #tpu.memory_space<vmem>>
        %dma_start3A_126 = arith.constant 0 : i32
        %dma_start3A_127 = arith.constant 0 : i32
        %dma_start3A_128 = tpu.memref_slice %arg14[%dma_start3A_126, %dma_start3A_127] : memref<10240x64xf32, #tpu.memory_space<vmem_shared>> -> memref<10240x64xf32, #tpu.memory_space<vmem_shared>>
        tpu.enqueue_indirect_dma source(%arg9 : memref<128x64xf32, #tpu.memory_space<vmem>>) target(%dma_start3A_128 : memref<10240x64xf32, #tpu.memory_space<vmem_shared>>) offsets(%dma_start3A_125 : memref<128xi32, #tpu.memory_space<vmem>>) semaphore(%run_scoped3A_122 : memref<!tpu.dma_semaphore, #tpu.memory_space<semaphore_mem>>) {add = true}
        %dma_wait3A_129 = arith.constant 0 : i32
        %dma_wait3A_130 = tpu.memref_slice %arg8[%add3A_80, %dma_wait3A_129] : memref<80x128xi32, #tpu.memory_space<vmem>> -> memref<1x128xi32, #tpu.memory_space<vmem>>
        %dma_wait3A_131 = tpu.memref_squeeze %dma_wait3A_130 : memref<1x128xi32, #tpu.memory_space<vmem>> -> memref<128xi32, #tpu.memory_space<vmem>>
        %dma_wait3A_132 = arith.constant 0 : i32
        %dma_wait3A_133 = arith.constant 0 : i32
        %dma_wait3A_134 = tpu.memref_slice %arg14[%dma_wait3A_132, %dma_wait3A_133] : memref<10240x64xf32, #tpu.memory_space<vmem_shared>> -> memref<10240x64xf32, #tpu.memory_space<vmem_shared>>
        tpu.wait_indirect_dma semaphore(%run_scoped3A_122 : memref<!tpu.dma_semaphore, #tpu.memory_space<semaphore_mem>>) src(%arg9 : memref<128x64xf32, #tpu.memory_space<vmem>>) dst(%dma_wait3A_134 : memref<10240x64xf32, #tpu.memory_space<vmem_shared>>)
        tpu.yield
      }) : () -> ()
      %add3A_91 = arith.constant 1 : i32
      %add3A_92 = arith.addi %mul3A_78, %add3A_91 : i32
      %dma_wait3A_93 = arith.constant 0 : i32
      %dma_wait3A_94 = tpu.memref_slice %arg7[%add3A_92, %dma_wait3A_93] : memref<80x128xi32, #tpu.memory_space<vmem>> -> memref<1x128xi32, #tpu.memory_space<vmem>>
      %dma_wait3A_95 = tpu.memref_squeeze %dma_wait3A_94 : memref<1x128xi32, #tpu.memory_space<vmem>> -> memref<128xi32, #tpu.memory_space<vmem>>
      %dma_wait3A_96 = arith.constant 0 : i32
      %dma_wait3A_97 = arith.constant 0 : i32
      %dma_wait3A_98 = tpu.memref_slice %arg15[%dma_wait3A_96, %dma_wait3A_97] : memref<10240x64xf32, #tpu.memory_space<vmem_shared>> -> memref<10240x64xf32, #tpu.memory_space<vmem_shared>>
      tpu.wait_indirect_dma semaphore(%arg17 : memref<!tpu.dma_semaphore, #tpu.memory_space<semaphore_mem>>) src(%dma_wait3A_98 : memref<10240x64xf32, #tpu.memory_space<vmem_shared>>) dst(%arg10 : memref<128x64xf32, #tpu.memory_space<vmem>>)
      %add3A_99 = arith.constant 2 : i32
      %add3A_100 = arith.addi %add3A_92, %add3A_99 : i32
      %lt3A_101 = arith.constant 80 : i32
      %lt3A_102 = arith.cmpi slt, %add3A_100, %lt3A_101 : i32
      %convert_element_type3A_103 = arith.extui %lt3A_102 : i1 to i32
      %cond3A_104 = arith.constant 0 : i32
      %cond3A_105 = arith.cmpi ne, %convert_element_type3A_103, %cond3A_104 : i32
      scf.if %cond3A_105 {
        %add3A_122 = arith.constant 2 : i32
        %add3A_123 = arith.addi %add3A_92, %add3A_122 : i32
        %dma_start3A_124 = arith.constant 0 : i32
        %dma_start3A_125 = tpu.memref_slice %arg7[%add3A_123, %dma_start3A_124] : memref<80x128xi32, #tpu.memory_space<vmem>> -> memref<1x128xi32, #tpu.memory_space<vmem>>
        %dma_start3A_126 = tpu.memref_squeeze %dma_start3A_125 : memref<1x128xi32, #tpu.memory_space<vmem>> -> memref<128xi32, #tpu.memory_space<vmem>>
        %dma_start3A_127 = arith.constant 0 : i32
        %dma_start3A_128 = arith.constant 0 : i32
        %dma_start3A_129 = tpu.memref_slice %arg15[%dma_start3A_127, %dma_start3A_128] : memref<10240x64xf32, #tpu.memory_space<vmem_shared>> -> memref<10240x64xf32, #tpu.memory_space<vmem_shared>>
        tpu.enqueue_indirect_dma source(%dma_start3A_129 : memref<10240x64xf32, #tpu.memory_space<vmem_shared>>) target(%arg9 : memref<128x64xf32, #tpu.memory_space<vmem>>) offsets(%dma_start3A_126 : memref<128xi32, #tpu.memory_space<vmem>>) semaphore(%arg16 : memref<!tpu.dma_semaphore, #tpu.memory_space<semaphore_mem>>)
      } else {
      }
      "tpu.region"() ({
        %run_scoped3A_122 = tpu.sem_alloc : memref<!tpu.dma_semaphore, #tpu.memory_space<semaphore_mem>>
        %dma_start3A_123 = arith.constant 0 : i32
        %dma_start3A_124 = tpu.memref_slice %arg8[%add3A_92, %dma_start3A_123] : memref<80x128xi32, #tpu.memory_space<vmem>> -> memref<1x128xi32, #tpu.memory_space<vmem>>
        %dma_start3A_125 = tpu.memref_squeeze %dma_start3A_124 : memref<1x128xi32, #tpu.memory_space<vmem>> -> memref<128xi32, #tpu.memory_space<vmem>>
        %dma_start3A_126 = arith.constant 0 : i32
        %dma_start3A_127 = arith.constant 0 : i32
        %dma_start3A_128 = tpu.memref_slice %arg14[%dma_start3A_126, %dma_start3A_127] : memref<10240x64xf32, #tpu.memory_space<vmem_shared>> -> memref<10240x64xf32, #tpu.memory_space<vmem_shared>>
        tpu.enqueue_indirect_dma source(%arg10 : memref<128x64xf32, #tpu.memory_space<vmem>>) target(%dma_start3A_128 : memref<10240x64xf32, #tpu.memory_space<vmem_shared>>) offsets(%dma_start3A_125 : memref<128xi32, #tpu.memory_space<vmem>>) semaphore(%run_scoped3A_122 : memref<!tpu.dma_semaphore, #tpu.memory_space<semaphore_mem>>) {add = true}
        %dma_wait3A_129 = arith.constant 0 : i32
        %dma_wait3A_130 = tpu.memref_slice %arg8[%add3A_92, %dma_wait3A_129] : memref<80x128xi32, #tpu.memory_space<vmem>> -> memref<1x128xi32, #tpu.memory_space<vmem>>
        %dma_wait3A_131 = tpu.memref_squeeze %dma_wait3A_130 : memref<1x128xi32, #tpu.memory_space<vmem>> -> memref<128xi32, #tpu.memory_space<vmem>>
        %dma_wait3A_132 = arith.constant 0 : i32
        %dma_wait3A_133 = arith.constant 0 : i32
        %dma_wait3A_134 = tpu.memref_slice %arg14[%dma_wait3A_132, %dma_wait3A_133] : memref<10240x64xf32, #tpu.memory_space<vmem_shared>> -> memref<10240x64xf32, #tpu.memory_space<vmem_shared>>
        tpu.wait_indirect_dma semaphore(%run_scoped3A_122 : memref<!tpu.dma_semaphore, #tpu.memory_space<semaphore_mem>>) src(%arg10 : memref<128x64xf32, #tpu.memory_space<vmem>>) dst(%dma_wait3A_134 : memref<10240x64xf32, #tpu.memory_space<vmem_shared>>)
        tpu.yield
      }) : () -> ()
      %add3A_106 = arith.constant 2 : i32
      %add3A_107 = arith.addi %mul3A_78, %add3A_106 : i32
      %dma_wait3A_108 = arith.constant 0 : i32
      %dma_wait3A_109 = tpu.memref_slice %arg7[%add3A_107, %dma_wait3A_108] : memref<80x128xi32, #tpu.memory_space<vmem>> -> memref<1x128xi32, #tpu.memory_space<vmem>>
      %dma_wait3A_110 = tpu.memref_squeeze %dma_wait3A_109 : memref<1x128xi32, #tpu.memory_space<vmem>> -> memref<128xi32, #tpu.memory_space<vmem>>
      %dma_wait3A_111 = arith.constant 0 : i32
      %dma_wait3A_112 = arith.constant 0 : i32
      %dma_wait3A_113 = tpu.memref_slice %arg15[%dma_wait3A_111, %dma_wait3A_112] : memref<10240x64xf32, #tpu.memory_space<vmem_shared>> -> memref<10240x64xf32, #tpu.memory_space<vmem_shared>>
      tpu.wait_indirect_dma semaphore(%arg18 : memref<!tpu.dma_semaphore, #tpu.memory_space<semaphore_mem>>) src(%dma_wait3A_113 : memref<10240x64xf32, #tpu.memory_space<vmem_shared>>) dst(%arg11 : memref<128x64xf32, #tpu.memory_space<vmem>>)
      %add3A_114 = arith.constant 2 : i32
      %add3A_115 = arith.addi %add3A_107, %add3A_114 : i32
      %lt3A_116 = arith.constant 80 : i32
      %lt3A_117 = arith.cmpi slt, %add3A_115, %lt3A_116 : i32
      %convert_element_type3A_118 = arith.extui %lt3A_117 : i1 to i32
      %cond3A_119 = arith.constant 0 : i32
      %cond3A_120 = arith.cmpi ne, %convert_element_type3A_118, %cond3A_119 : i32
      scf.if %cond3A_120 {
        %add3A_122 = arith.constant 2 : i32
        %add3A_123 = arith.addi %add3A_107, %add3A_122 : i32
        %dma_start3A_124 = arith.constant 0 : i32
        %dma_start3A_125 = tpu.memref_slice %arg7[%add3A_123, %dma_start3A_124] : memref<80x128xi32, #tpu.memory_space<vmem>> -> memref<1x128xi32, #tpu.memory_space<vmem>>
        %dma_start3A_126 = tpu.memref_squeeze %dma_start3A_125 : memref<1x128xi32, #tpu.memory_space<vmem>> -> memref<128xi32, #tpu.memory_space<vmem>>
        %dma_start3A_127 = arith.constant 0 : i32
        %dma_start3A_128 = arith.constant 0 : i32
        %dma_start3A_129 = tpu.memref_slice %arg15[%dma_start3A_127, %dma_start3A_128] : memref<10240x64xf32, #tpu.memory_space<vmem_shared>> -> memref<10240x64xf32, #tpu.memory_space<vmem_shared>>
        tpu.enqueue_indirect_dma source(%dma_start3A_129 : memref<10240x64xf32, #tpu.memory_space<vmem_shared>>) target(%arg10 : memref<128x64xf32, #tpu.memory_space<vmem>>) offsets(%dma_start3A_126 : memref<128xi32, #tpu.memory_space<vmem>>) semaphore(%arg17 : memref<!tpu.dma_semaphore, #tpu.memory_space<semaphore_mem>>)
      } else {
      }
      "tpu.region"() ({
        %run_scoped3A_122 = tpu.sem_alloc : memref<!tpu.dma_semaphore, #tpu.memory_space<semaphore_mem>>
        %dma_start3A_123 = arith.constant 0 : i32
        %dma_start3A_124 = tpu.memref_slice %arg8[%add3A_107, %dma_start3A_123] : memref<80x128xi32, #tpu.memory_space<vmem>> -> memref<1x128xi32, #tpu.memory_space<vmem>>
        %dma_start3A_125 = tpu.memref_squeeze %dma_start3A_124 : memref<1x128xi32, #tpu.memory_space<vmem>> -> memref<128xi32, #tpu.memory_space<vmem>>
        %dma_start3A_126 = arith.constant 0 : i32
        %dma_start3A_127 = arith.constant 0 : i32
        %dma_start3A_128 = tpu.memref_slice %arg14[%dma_start3A_126, %dma_start3A_127] : memref<10240x64xf32, #tpu.memory_space<vmem_shared>> -> memref<10240x64xf32, #tpu.memory_space<vmem_shared>>
        tpu.enqueue_indirect_dma source(%arg11 : memref<128x64xf32, #tpu.memory_space<vmem>>) target(%dma_start3A_128 : memref<10240x64xf32, #tpu.memory_space<vmem_shared>>) offsets(%dma_start3A_125 : memref<128xi32, #tpu.memory_space<vmem>>) semaphore(%run_scoped3A_122 : memref<!tpu.dma_semaphore, #tpu.memory_space<semaphore_mem>>) {add = true}
        %dma_wait3A_129 = arith.constant 0 : i32
        %dma_wait3A_130 = tpu.memref_slice %arg8[%add3A_107, %dma_wait3A_129] : memref<80x128xi32, #tpu.memory_space<vmem>> -> memref<1x128xi32, #tpu.memory_space<vmem>>
        %dma_wait3A_131 = tpu.memref_squeeze %dma_wait3A_130 : memref<1x128xi32, #tpu.memory_space<vmem>> -> memref<128xi32, #tpu.memory_space<vmem>>
        %dma_wait3A_132 = arith.constant 0 : i32
        %dma_wait3A_133 = arith.constant 0 : i32
        %dma_wait3A_134 = tpu.memref_slice %arg14[%dma_wait3A_132, %dma_wait3A_133] : memref<10240x64xf32, #tpu.memory_space<vmem_shared>> -> memref<10240x64xf32, #tpu.memory_space<vmem_shared>>
        tpu.wait_indirect_dma semaphore(%run_scoped3A_122 : memref<!tpu.dma_semaphore, #tpu.memory_space<semaphore_mem>>) src(%arg11 : memref<128x64xf32, #tpu.memory_space<vmem>>) dst(%dma_wait3A_134 : memref<10240x64xf32, #tpu.memory_space<vmem_shared>>)
        tpu.yield
      }) : () -> ()
      %scan3A_121 = arith.constant 0 : i32
      scf.yield %scan3A_121 : i32
    }
    %scan3A_51 = arith.constant 26 : i32
    %dma_wait3A_52 = arith.constant 78 : i32
    %dma_wait3A_53 = arith.constant 0 : i32
    %dma_wait3A_54 = tpu.memref_slice %arg7[%dma_wait3A_52, %dma_wait3A_53] : memref<80x128xi32, #tpu.memory_space<vmem>> -> memref<1x128xi32, #tpu.memory_space<vmem>>
    %dma_wait3A_55 = tpu.memref_squeeze %dma_wait3A_54 : memref<1x128xi32, #tpu.memory_space<vmem>> -> memref<128xi32, #tpu.memory_space<vmem>>
    %dma_wait3A_56 = arith.constant 0 : i32
    %dma_wait3A_57 = arith.constant 0 : i32
    %dma_wait3A_58 = tpu.memref_slice %arg15[%dma_wait3A_56, %dma_wait3A_57] : memref<10240x64xf32, #tpu.memory_space<vmem_shared>> -> memref<10240x64xf32, #tpu.memory_space<vmem_shared>>
    tpu.wait_indirect_dma semaphore(%arg16 : memref<!tpu.dma_semaphore, #tpu.memory_space<semaphore_mem>>) src(%dma_wait3A_58 : memref<10240x64xf32, #tpu.memory_space<vmem_shared>>) dst(%arg9 : memref<128x64xf32, #tpu.memory_space<vmem>>)
    %run_scoped3A = arith.constant 78 : i32
    "tpu.region"() ({
      %run_scoped3A_75 = tpu.sem_alloc : memref<!tpu.dma_semaphore, #tpu.memory_space<semaphore_mem>>
      %dma_start3A_76 = arith.constant 0 : i32
      %dma_start3A_77 = tpu.memref_slice %arg8[%run_scoped3A, %dma_start3A_76] : memref<80x128xi32, #tpu.memory_space<vmem>> -> memref<1x128xi32, #tpu.memory_space<vmem>>
      %dma_start3A_78 = tpu.memref_squeeze %dma_start3A_77 : memref<1x128xi32, #tpu.memory_space<vmem>> -> memref<128xi32, #tpu.memory_space<vmem>>
      %dma_start3A_79 = arith.constant 0 : i32
      %dma_start3A_80 = arith.constant 0 : i32
      %dma_start3A_81 = tpu.memref_slice %arg14[%dma_start3A_79, %dma_start3A_80] : memref<10240x64xf32, #tpu.memory_space<vmem_shared>> -> memref<10240x64xf32, #tpu.memory_space<vmem_shared>>
      tpu.enqueue_indirect_dma source(%arg9 : memref<128x64xf32, #tpu.memory_space<vmem>>) target(%dma_start3A_81 : memref<10240x64xf32, #tpu.memory_space<vmem_shared>>) offsets(%dma_start3A_78 : memref<128xi32, #tpu.memory_space<vmem>>) semaphore(%run_scoped3A_75 : memref<!tpu.dma_semaphore, #tpu.memory_space<semaphore_mem>>) {add = true}
      %dma_wait3A_82 = arith.constant 0 : i32
      %dma_wait3A_83 = tpu.memref_slice %arg8[%run_scoped3A, %dma_wait3A_82] : memref<80x128xi32, #tpu.memory_space<vmem>> -> memref<1x128xi32, #tpu.memory_space<vmem>>
      %dma_wait3A_84 = tpu.memref_squeeze %dma_wait3A_83 : memref<1x128xi32, #tpu.memory_space<vmem>> -> memref<128xi32, #tpu.memory_space<vmem>>
      %dma_wait3A_85 = arith.constant 0 : i32
      %dma_wait3A_86 = arith.constant 0 : i32
      %dma_wait3A_87 = tpu.memref_slice %arg14[%dma_wait3A_85, %dma_wait3A_86] : memref<10240x64xf32, #tpu.memory_space<vmem_shared>> -> memref<10240x64xf32, #tpu.memory_space<vmem_shared>>
      tpu.wait_indirect_dma semaphore(%run_scoped3A_75 : memref<!tpu.dma_semaphore, #tpu.memory_space<semaphore_mem>>) src(%arg9 : memref<128x64xf32, #tpu.memory_space<vmem>>) dst(%dma_wait3A_87 : memref<10240x64xf32, #tpu.memory_space<vmem_shared>>)
      tpu.yield
    }) : () -> ()
    %dma_wait3A_59 = arith.constant 79 : i32
    %dma_wait3A_60 = arith.constant 0 : i32
    %dma_wait3A_61 = tpu.memref_slice %arg7[%dma_wait3A_59, %dma_wait3A_60] : memref<80x128xi32, #tpu.memory_space<vmem>> -> memref<1x128xi32, #tpu.memory_space<vmem>>
    %dma_wait3A_62 = tpu.memref_squeeze %dma_wait3A_61 : memref<1x128xi32, #tpu.memory_space<vmem>> -> memref<128xi32, #tpu.memory_space<vmem>>
    %dma_wait3A_63 = arith.constant 0 : i32
    %dma_wait3A_64 = arith.constant 0 : i32
    %dma_wait3A_65 = tpu.memref_slice %arg15[%dma_wait3A_63, %dma_wait3A_64] : memref<10240x64xf32, #tpu.memory_space<vmem_shared>> -> memref<10240x64xf32, #tpu.memory_space<vmem_shared>>
    tpu.wait_indirect_dma semaphore(%arg17 : memref<!tpu.dma_semaphore, #tpu.memory_space<semaphore_mem>>) src(%dma_wait3A_65 : memref<10240x64xf32, #tpu.memory_space<vmem_shared>>) dst(%arg10 : memref<128x64xf32, #tpu.memory_space<vmem>>)
    %run_scoped3A_66 = arith.constant 79 : i32
    "tpu.region"() ({
      %run_scoped3A_75 = tpu.sem_alloc : memref<!tpu.dma_semaphore, #tpu.memory_space<semaphore_mem>>
      %dma_start3A_76 = arith.constant 0 : i32
      %dma_start3A_77 = tpu.memref_slice %arg8[%run_scoped3A_66, %dma_start3A_76] : memref<80x128xi32, #tpu.memory_space<vmem>> -> memref<1x128xi32, #tpu.memory_space<vmem>>
      %dma_start3A_78 = tpu.memref_squeeze %dma_start3A_77 : memref<1x128xi32, #tpu.memory_space<vmem>> -> memref<128xi32, #tpu.memory_space<vmem>>
      %dma_start3A_79 = arith.constant 0 : i32
      %dma_start3A_80 = arith.constant 0 : i32
      %dma_start3A_81 = tpu.memref_slice %arg14[%dma_start3A_79, %dma_start3A_80] : memref<10240x64xf32, #tpu.memory_space<vmem_shared>> -> memref<10240x64xf32, #tpu.memory_space<vmem_shared>>
      tpu.enqueue_indirect_dma source(%arg10 : memref<128x64xf32, #tpu.memory_space<vmem>>) target(%dma_start3A_81 : memref<10240x64xf32, #tpu.memory_space<vmem_shared>>) offsets(%dma_start3A_78 : memref<128xi32, #tpu.memory_space<vmem>>) semaphore(%run_scoped3A_75 : memref<!tpu.dma_semaphore, #tpu.memory_space<semaphore_mem>>) {add = true}
      %dma_wait3A_82 = arith.constant 0 : i32
      %dma_wait3A_83 = tpu.memref_slice %arg8[%run_scoped3A_66, %dma_wait3A_82] : memref<80x128xi32, #tpu.memory_space<vmem>> -> memref<1x128xi32, #tpu.memory_space<vmem>>
      %dma_wait3A_84 = tpu.memref_squeeze %dma_wait3A_83 : memref<1x128xi32, #tpu.memory_space<vmem>> -> memref<128xi32, #tpu.memory_space<vmem>>
      %dma_wait3A_85 = arith.constant 0 : i32
      %dma_wait3A_86 = arith.constant 0 : i32
      %dma_wait3A_87 = tpu.memref_slice %arg14[%dma_wait3A_85, %dma_wait3A_86] : memref<10240x64xf32, #tpu.memory_space<vmem_shared>> -> memref<10240x64xf32, #tpu.memory_space<vmem_shared>>
      tpu.wait_indirect_dma semaphore(%run_scoped3A_75 : memref<!tpu.dma_semaphore, #tpu.memory_space<semaphore_mem>>) src(%arg10 : memref<128x64xf32, #tpu.memory_space<vmem>>) dst(%dma_wait3A_87 : memref<10240x64xf32, #tpu.memory_space<vmem_shared>>)
      tpu.yield
    }) : () -> ()
    %barrier3A_67 = arith.constant 0 : index
    tpu.barrier barrier_id(%barrier3A_67)
    %scan3A_68 = arith.constant 0 : i32
    %scan3A_69 = arith.constant 0 : i32
    %scan3A_70 = arith.constant 5 : i32
    %scan3A_71 = arith.addi %scan3A_69, %scan3A_70 : i32
    %scan3A_72 = arith.constant 1 : i32
    %scan3A_73 = scf.for %scan3A_75 = %scan3A_69 to %scan3A_71 step %scan3A_72 iter_args(%scan3A_76 = %scan3A_68) -> (i32)  : i32 {
      %mul3A_77 = arith.constant 640 : i32
      %mul3A_78 = arith.muli %arg1, %mul3A_77 : i32
      %mul3A_79 = arith.constant 128 : i32
      %mul3A_80 = arith.muli %scan3A_75, %mul3A_79 : i32
      %add3A_81 = arith.addi %mul3A_78, %mul3A_80 : i32
      "tpu.region"() ({
        %run_scoped3A_83 = tpu.sem_alloc : memref<!tpu.dma_semaphore, #tpu.memory_space<semaphore_mem>>
        %dma_start3A_84 = arith.constant 0 : i32
        %dma_start3A_85 = tpu.memref_slice %arg14[%add3A_81, %dma_start3A_84] : memref<10240x64xf32, #tpu.memory_space<vmem_shared>> -> memref<128x64xf32, #tpu.memory_space<vmem_shared>>
        %dma_start3A_86 = arith.constant 0 : i32
        %dma_start3A_87 = tpu.memref_slice %arg14[%add3A_81, %dma_start3A_86] : memref<10240x64xf32, #tpu.memory_space<vmem_shared>> -> memref<128x64xf32, #tpu.memory_space<vmem_shared>>
        tpu.enqueue_dma source(%dma_start3A_87 : memref<128x64xf32, #tpu.memory_space<vmem_shared>>) target(%arg9 : memref<128x64xf32, #tpu.memory_space<vmem>>) target_semaphore(%run_scoped3A_83 : memref<!tpu.dma_semaphore, #tpu.memory_space<semaphore_mem>>)
        %dma_wait3A_88 = arith.constant 0 : i32
        %dma_wait3A_89 = tpu.memref_slice %arg14[%add3A_81, %dma_wait3A_88] : memref<10240x64xf32, #tpu.memory_space<vmem_shared>> -> memref<128x64xf32, #tpu.memory_space<vmem_shared>>
        %dma_wait3A_90 = arith.constant 0 : i32
        %dma_wait3A_91 = tpu.memref_slice %arg14[%add3A_81, %dma_wait3A_90] : memref<10240x64xf32, #tpu.memory_space<vmem_shared>> -> memref<128x64xf32, #tpu.memory_space<vmem_shared>>
        tpu.wait_dma2 semaphore(%run_scoped3A_83 : memref<!tpu.dma_semaphore, #tpu.memory_space<semaphore_mem>>) src(%dma_wait3A_91 : memref<128x64xf32, #tpu.memory_space<vmem_shared>>) dst(%arg9 : memref<128x64xf32, #tpu.memory_space<vmem>>)
        tpu.yield
      }) : () -> ()
      "tpu.region"() ({
        %run_scoped3A_83 = tpu.sem_alloc : memref<!tpu.dma_semaphore, #tpu.memory_space<semaphore_mem>>
        %dma_start3A_84 = arith.constant 0 : i32
        %dma_start3A_85 = tpu.memref_slice %arg6[%arg0, %add3A_81, %dma_start3A_84] : memref<2x10240x64xf32, #tpu.memory_space<hbm>> -> memref<1x128x64xf32, #tpu.memory_space<hbm>>
        %dma_start3A_86 = tpu.memref_squeeze %dma_start3A_85 : memref<1x128x64xf32, #tpu.memory_space<hbm>> -> memref<128x64xf32, #tpu.memory_space<hbm>>
        %dma_start3A_87 = arith.constant 0 : i32
        %dma_start3A_88 = tpu.memref_slice %arg6[%arg0, %add3A_81, %dma_start3A_87] : memref<2x10240x64xf32, #tpu.memory_space<hbm>> -> memref<1x128x64xf32, #tpu.memory_space<hbm>>
        %dma_start3A_89 = tpu.memref_squeeze %dma_start3A_88 : memref<1x128x64xf32, #tpu.memory_space<hbm>> -> memref<128x64xf32, #tpu.memory_space<hbm>>
        tpu.enqueue_dma source(%arg9 : memref<128x64xf32, #tpu.memory_space<vmem>>) target(%dma_start3A_89 : memref<128x64xf32, #tpu.memory_space<hbm>>) target_semaphore(%run_scoped3A_83 : memref<!tpu.dma_semaphore, #tpu.memory_space<semaphore_mem>>)
        %dma_wait3A_90 = arith.constant 0 : i32
        %dma_wait3A_91 = tpu.memref_slice %arg6[%arg0, %add3A_81, %dma_wait3A_90] : memref<2x10240x64xf32, #tpu.memory_space<hbm>> -> memref<1x128x64xf32, #tpu.memory_space<hbm>>
        %dma_wait3A_92 = tpu.memref_squeeze %dma_wait3A_91 : memref<1x128x64xf32, #tpu.memory_space<hbm>> -> memref<128x64xf32, #tpu.memory_space<hbm>>
        %dma_wait3A_93 = arith.constant 0 : i32
        %dma_wait3A_94 = tpu.memref_slice %arg6[%arg0, %add3A_81, %dma_wait3A_93] : memref<2x10240x64xf32, #tpu.memory_space<hbm>> -> memref<1x128x64xf32, #tpu.memory_space<hbm>>
        %dma_wait3A_95 = tpu.memref_squeeze %dma_wait3A_94 : memref<1x128x64xf32, #tpu.memory_space<hbm>> -> memref<128x64xf32, #tpu.memory_space<hbm>>
        tpu.wait_dma2 semaphore(%run_scoped3A_83 : memref<!tpu.dma_semaphore, #tpu.memory_space<semaphore_mem>>) src(%arg9 : memref<128x64xf32, #tpu.memory_space<vmem>>) dst(%dma_wait3A_95 : memref<128x64xf32, #tpu.memory_space<hbm>>)
        tpu.yield
      }) : () -> ()
      %scan3A_82 = arith.constant 0 : i32
      scf.yield %scan3A_82 : i32
    }
    %scan3A_74 = arith.constant 5 : i32
    return
  }
}

#map = affine_map<(d0, d1) -> (0, 0)>
#map1 = affine_map<(d0, d1) -> (0, 0, 0)>
module attributes {stable_mosaic.version = 14 : i64} {
  func.func @body(%arg0: i32, %arg1: i32, %arg2: memref<2560x128xi32, #tpu.memory_space<hbm>>, %arg3: memref<2560x128xi32, #tpu.memory_space<hbm>>, %arg4: memref<10240x64xf32, #tpu.memory_space<hbm>>, %arg5: memref<2x10240x16xf32, #tpu.memory_space<hbm>>, %arg6: memref<2x10240x64xf32, #tpu.memory_space<hbm>>, %arg7: memref<10240x16xf32, #tpu.memory_space<hbm>>, %arg8: memref<80x128xi32, #tpu.memory_space<vmem>>, %arg9: memref<80x128xi32, #tpu.memory_space<vmem>>, %arg10: memref<128x64xf32, #tpu.memory_space<vmem>>, %arg11: memref<128x64xf32, #tpu.memory_space<vmem>>, %arg12: memref<128x64xf32, #tpu.memory_space<vmem>>, %arg13: memref<128x16xf32, #tpu.memory_space<vmem>>, %arg14: memref<128x16xf32, #tpu.memory_space<vmem>>, %arg15: memref<10240x64xf32, #tpu.memory_space<vmem_shared>>, %arg16: memref<10240x64xf32, #tpu.memory_space<vmem_shared>>, %arg17: memref<!tpu.dma_semaphore, #tpu.memory_space<semaphore_mem>>, %arg18: memref<!tpu.dma_semaphore, #tpu.memory_space<semaphore_mem>>, %arg19: memref<!tpu.dma_semaphore, #tpu.memory_space<semaphore_mem>>) attributes {dimension_semantics = [#tpu.dimension_semantics<core_parallel>, #tpu.dimension_semantics<subcore_parallel>], iteration_bounds = array<i64: 2, 16>, scalar_prefetch = 0 : i64, scratch_operands = 12 : i64, tpu.core_type = #tpu.core_type<sc_vector_subcore>, window_params = [{transform_indices = #map}, {transform_indices = #map}, {transform_indices = #map}, {transform_indices = #map1}, {transform_indices = #map1}, {transform_indices = #map}]} {
    %mul3A = arith.constant 16 : i32
    %mul3A_0 = arith.muli %arg0, %mul3A : i32
    %add3A = arith.addi %mul3A_0, %arg1 : i32
    %broadcast_in_dim3A = arith.constant 0.000000e+00 : f32
    %broadcast_in_dim3A_1 = vector.broadcast %broadcast_in_dim3A : f32 to vector<16xf32>
    %mul3A_2 = arith.constant 80 : i32
    %mul3A_3 = arith.muli %add3A, %mul3A_2 : i32
    %dma_start3A = arith.constant 0 : i32
    %dma_start3A_4 = tpu.memref_slice %arg2[%mul3A_3, %dma_start3A] : memref<2560x128xi32, #tpu.memory_space<hbm>> -> memref<80x128xi32, #tpu.memory_space<hbm>>
    %dma_start3A_5 = arith.constant 0 : i32
    %dma_start3A_6 = tpu.memref_slice %arg2[%mul3A_3, %dma_start3A_5] : memref<2560x128xi32, #tpu.memory_space<hbm>> -> memref<80x128xi32, #tpu.memory_space<hbm>>
    tpu.enqueue_dma source(%dma_start3A_6 : memref<80x128xi32, #tpu.memory_space<hbm>>) target(%arg8 : memref<80x128xi32, #tpu.memory_space<vmem>>) target_semaphore(%arg17 : memref<!tpu.dma_semaphore, #tpu.memory_space<semaphore_mem>>)
    %dma_start3A_7 = arith.constant 0 : i32
    %dma_start3A_8 = tpu.memref_slice %arg3[%mul3A_3, %dma_start3A_7] : memref<2560x128xi32, #tpu.memory_space<hbm>> -> memref<80x128xi32, #tpu.memory_space<hbm>>
    %dma_start3A_9 = arith.constant 0 : i32
    %dma_start3A_10 = tpu.memref_slice %arg3[%mul3A_3, %dma_start3A_9] : memref<2560x128xi32, #tpu.memory_space<hbm>> -> memref<80x128xi32, #tpu.memory_space<hbm>>
    tpu.enqueue_dma source(%dma_start3A_10 : memref<80x128xi32, #tpu.memory_space<hbm>>) target(%arg9 : memref<80x128xi32, #tpu.memory_space<vmem>>) target_semaphore(%arg18 : memref<!tpu.dma_semaphore, #tpu.memory_space<semaphore_mem>>)
    %scan3A = arith.constant 0 : i32
    %scan3A_11 = arith.constant 0 : i32
    %scan3A_12 = arith.constant 128 : i32
    %scan3A_13 = arith.addi %scan3A_11, %scan3A_12 : i32
    %scan3A_14 = arith.constant 1 : i32
    %scan3A_15 = scf.for %scan3A_75 = %scan3A_11 to %scan3A_13 step %scan3A_14 iter_args(%scan3A_76 = %scan3A) -> (i32)  : i32 {
      %swap3A = arith.index_cast %scan3A_75 : i32 to index
      %swap3A_77 = arith.constant 0 : index
      %swap3A_78 = tpu.vector_load %arg11[%swap3A, %swap3A_77] {strides = array<i32>} : memref<128x64xf32, #tpu.memory_space<vmem>>, vector<16xf32>,
      tpu.vector_store %arg11[%swap3A, %swap3A_77], %broadcast_in_dim3A_1 {strides = array<i32>} : memref<128x64xf32, #tpu.memory_space<vmem>>, vector<16xf32>,
      %swap3A_79 = arith.index_cast %scan3A_75 : i32 to index
      %swap3A_80 = arith.constant 16 : index
      %swap3A_81 = tpu.vector_load %arg11[%swap3A_79, %swap3A_80] {strides = array<i32>} : memref<128x64xf32, #tpu.memory_space<vmem>>, vector<16xf32>,
      tpu.vector_store %arg11[%swap3A_79, %swap3A_80], %broadcast_in_dim3A_1 {strides = array<i32>} : memref<128x64xf32, #tpu.memory_space<vmem>>, vector<16xf32>,
      %swap3A_82 = arith.index_cast %scan3A_75 : i32 to index
      %swap3A_83 = arith.constant 32 : index
      %swap3A_84 = tpu.vector_load %arg11[%swap3A_82, %swap3A_83] {strides = array<i32>} : memref<128x64xf32, #tpu.memory_space<vmem>>, vector<16xf32>,
      tpu.vector_store %arg11[%swap3A_82, %swap3A_83], %broadcast_in_dim3A_1 {strides = array<i32>} : memref<128x64xf32, #tpu.memory_space<vmem>>, vector<16xf32>,
      %swap3A_85 = arith.index_cast %scan3A_75 : i32 to index
      %swap3A_86 = arith.constant 48 : index
      %swap3A_87 = tpu.vector_load %arg11[%swap3A_85, %swap3A_86] {strides = array<i32>} : memref<128x64xf32, #tpu.memory_space<vmem>>, vector<16xf32>,
      tpu.vector_store %arg11[%swap3A_85, %swap3A_86], %broadcast_in_dim3A_1 {strides = array<i32>} : memref<128x64xf32, #tpu.memory_space<vmem>>, vector<16xf32>,
      %scan3A_88 = arith.constant 0 : i32
      scf.yield %scan3A_88 : i32
    }
    %scan3A_16 = arith.constant 128 : i32
    %scan3A_17 = arith.constant 0 : i32
    %scan3A_18 = arith.constant 0 : i32
    %scan3A_19 = arith.constant 5 : i32
    %scan3A_20 = arith.addi %scan3A_18, %scan3A_19 : i32
    %scan3A_21 = arith.constant 1 : i32
    %scan3A_22 = scf.for %scan3A_75 = %scan3A_18 to %scan3A_20 step %scan3A_21 iter_args(%scan3A_76 = %scan3A_17) -> (i32)  : i32 {
      %mul3A_77 = arith.constant 640 : i32
      %mul3A_78 = arith.muli %arg1, %mul3A_77 : i32
      %mul3A_79 = arith.constant 128 : i32
      %mul3A_80 = arith.muli %scan3A_75, %mul3A_79 : i32
      %add3A_81 = arith.addi %mul3A_78, %mul3A_80 : i32
      "tpu.region"() ({
        %run_scoped3A_101 = tpu.sem_alloc : memref<!tpu.dma_semaphore, #tpu.memory_space<semaphore_mem>>
        %dma_start3A_102 = arith.constant 0 : i32
        %dma_start3A_103 = tpu.memref_slice %arg15[%add3A_81, %dma_start3A_102] : memref<10240x64xf32, #tpu.memory_space<vmem_shared>> -> memref<128x64xf32, #tpu.memory_space<vmem_shared>>
        %dma_start3A_104 = arith.constant 0 : i32
        %dma_start3A_105 = tpu.memref_slice %arg15[%add3A_81, %dma_start3A_104] : memref<10240x64xf32, #tpu.memory_space<vmem_shared>> -> memref<128x64xf32, #tpu.memory_space<vmem_shared>>
        tpu.enqueue_dma source(%arg11 : memref<128x64xf32, #tpu.memory_space<vmem>>) target(%dma_start3A_105 : memref<128x64xf32, #tpu.memory_space<vmem_shared>>) target_semaphore(%run_scoped3A_101 : memref<!tpu.dma_semaphore, #tpu.memory_space<semaphore_mem>>)
        %dma_wait3A_106 = arith.constant 0 : i32
        %dma_wait3A_107 = tpu.memref_slice %arg15[%add3A_81, %dma_wait3A_106] : memref<10240x64xf32, #tpu.memory_space<vmem_shared>> -> memref<128x64xf32, #tpu.memory_space<vmem_shared>>
        %dma_wait3A_108 = arith.constant 0 : i32
        %dma_wait3A_109 = tpu.memref_slice %arg15[%add3A_81, %dma_wait3A_108] : memref<10240x64xf32, #tpu.memory_space<vmem_shared>> -> memref<128x64xf32, #tpu.memory_space<vmem_shared>>
        tpu.wait_dma2 semaphore(%run_scoped3A_101 : memref<!tpu.dma_semaphore, #tpu.memory_space<semaphore_mem>>) src(%arg11 : memref<128x64xf32, #tpu.memory_space<vmem>>) dst(%dma_wait3A_109 : memref<128x64xf32, #tpu.memory_space<vmem_shared>>)
        tpu.yield
      }) : () -> ()
      %run_scoped3A_82 = arith.constant 0 : i32
      "tpu.region"() ({
        %run_scoped3A_101 = tpu.sem_alloc : memref<!tpu.dma_semaphore, #tpu.memory_space<semaphore_mem>>
        %dma_start3A_102 = arith.constant 0 : i32
        %dma_start3A_103 = tpu.memref_slice %arg5[%run_scoped3A_82, %add3A_81, %dma_start3A_102] : memref<2x10240x16xf32, #tpu.memory_space<hbm>> -> memref<1x128x16xf32, #tpu.memory_space<hbm>>
        %dma_start3A_104 = tpu.memref_squeeze %dma_start3A_103 : memref<1x128x16xf32, #tpu.memory_space<hbm>> -> memref<128x16xf32, #tpu.memory_space<hbm>>
        %dma_start3A_105 = arith.constant 0 : i32
        %dma_start3A_106 = tpu.memref_slice %arg5[%run_scoped3A_82, %add3A_81, %dma_start3A_105] : memref<2x10240x16xf32, #tpu.memory_space<hbm>> -> memref<1x128x16xf32, #tpu.memory_space<hbm>>
        %dma_start3A_107 = tpu.memref_squeeze %dma_start3A_106 : memref<1x128x16xf32, #tpu.memory_space<hbm>> -> memref<128x16xf32, #tpu.memory_space<hbm>>
        tpu.enqueue_dma source(%dma_start3A_107 : memref<128x16xf32, #tpu.memory_space<hbm>>) target(%arg13 : memref<128x16xf32, #tpu.memory_space<vmem>>) target_semaphore(%run_scoped3A_101 : memref<!tpu.dma_semaphore, #tpu.memory_space<semaphore_mem>>)
        %dma_wait3A_108 = arith.constant 0 : i32
        %dma_wait3A_109 = tpu.memref_slice %arg5[%run_scoped3A_82, %add3A_81, %dma_wait3A_108] : memref<2x10240x16xf32, #tpu.memory_space<hbm>> -> memref<1x128x16xf32, #tpu.memory_space<hbm>>
        %dma_wait3A_110 = tpu.memref_squeeze %dma_wait3A_109 : memref<1x128x16xf32, #tpu.memory_space<hbm>> -> memref<128x16xf32, #tpu.memory_space<hbm>>
        %dma_wait3A_111 = arith.constant 0 : i32
        %dma_wait3A_112 = tpu.memref_slice %arg5[%run_scoped3A_82, %add3A_81, %dma_wait3A_111] : memref<2x10240x16xf32, #tpu.memory_space<hbm>> -> memref<1x128x16xf32, #tpu.memory_space<hbm>>
        %dma_wait3A_113 = tpu.memref_squeeze %dma_wait3A_112 : memref<1x128x16xf32, #tpu.memory_space<hbm>> -> memref<128x16xf32, #tpu.memory_space<hbm>>
        tpu.wait_dma2 semaphore(%run_scoped3A_101 : memref<!tpu.dma_semaphore, #tpu.memory_space<semaphore_mem>>) src(%dma_wait3A_113 : memref<128x16xf32, #tpu.memory_space<hbm>>) dst(%arg13 : memref<128x16xf32, #tpu.memory_space<vmem>>)
        tpu.yield
      }) : () -> ()
      %run_scoped3A_83 = arith.constant 1 : i32
      "tpu.region"() ({
        %run_scoped3A_101 = tpu.sem_alloc : memref<!tpu.dma_semaphore, #tpu.memory_space<semaphore_mem>>
        %dma_start3A_102 = arith.constant 0 : i32
        %dma_start3A_103 = tpu.memref_slice %arg5[%run_scoped3A_83, %add3A_81, %dma_start3A_102] : memref<2x10240x16xf32, #tpu.memory_space<hbm>> -> memref<1x128x16xf32, #tpu.memory_space<hbm>>
        %dma_start3A_104 = tpu.memref_squeeze %dma_start3A_103 : memref<1x128x16xf32, #tpu.memory_space<hbm>> -> memref<128x16xf32, #tpu.memory_space<hbm>>
        %dma_start3A_105 = arith.constant 0 : i32
        %dma_start3A_106 = tpu.memref_slice %arg5[%run_scoped3A_83, %add3A_81, %dma_start3A_105] : memref<2x10240x16xf32, #tpu.memory_space<hbm>> -> memref<1x128x16xf32, #tpu.memory_space<hbm>>
        %dma_start3A_107 = tpu.memref_squeeze %dma_start3A_106 : memref<1x128x16xf32, #tpu.memory_space<hbm>> -> memref<128x16xf32, #tpu.memory_space<hbm>>
        tpu.enqueue_dma source(%dma_start3A_107 : memref<128x16xf32, #tpu.memory_space<hbm>>) target(%arg14 : memref<128x16xf32, #tpu.memory_space<vmem>>) target_semaphore(%run_scoped3A_101 : memref<!tpu.dma_semaphore, #tpu.memory_space<semaphore_mem>>)
        %dma_wait3A_108 = arith.constant 0 : i32
        %dma_wait3A_109 = tpu.memref_slice %arg5[%run_scoped3A_83, %add3A_81, %dma_wait3A_108] : memref<2x10240x16xf32, #tpu.memory_space<hbm>> -> memref<1x128x16xf32, #tpu.memory_space<hbm>>
        %dma_wait3A_110 = tpu.memref_squeeze %dma_wait3A_109 : memref<1x128x16xf32, #tpu.memory_space<hbm>> -> memref<128x16xf32, #tpu.memory_space<hbm>>
        %dma_wait3A_111 = arith.constant 0 : i32
        %dma_wait3A_112 = tpu.memref_slice %arg5[%run_scoped3A_83, %add3A_81, %dma_wait3A_111] : memref<2x10240x16xf32, #tpu.memory_space<hbm>> -> memref<1x128x16xf32, #tpu.memory_space<hbm>>
        %dma_wait3A_113 = tpu.memref_squeeze %dma_wait3A_112 : memref<1x128x16xf32, #tpu.memory_space<hbm>> -> memref<128x16xf32, #tpu.memory_space<hbm>>
        tpu.wait_dma2 semaphore(%run_scoped3A_101 : memref<!tpu.dma_semaphore, #tpu.memory_space<semaphore_mem>>) src(%dma_wait3A_113 : memref<128x16xf32, #tpu.memory_space<hbm>>) dst(%arg14 : memref<128x16xf32, #tpu.memory_space<vmem>>)
        tpu.yield
      }) : () -> ()
      %scan3A_84 = arith.constant 0 : i32
      %scan3A_85 = arith.constant 0 : i32
      %scan3A_86 = arith.constant 32 : i32
      %scan3A_87 = arith.addi %scan3A_85, %scan3A_86 : i32
      %scan3A_88 = arith.constant 1 : i32
      %scan3A_89 = scf.for %scan3A_101 = %scan3A_85 to %scan3A_87 step %scan3A_88 iter_args(%scan3A_102 = %scan3A_84) -> (i32)  : i32 {
        %mul3A_103 = arith.constant 4 : i32
        %mul3A_104 = arith.muli %mul3A_103, %scan3A_101 : i32
        %add3A_105 = arith.constant 0 : i32
        %add3A_106 = arith.addi %mul3A_104, %add3A_105 : i32
        %get3A = arith.index_cast %add3A_106 : i32 to index
        %get3A_107 = arith.constant 0 : index
        %get3A_108 = tpu.vector_load %arg13[%get3A, %get3A_107] {strides = array<i32>} : memref<128x16xf32, #tpu.memory_space<vmem>>, vector<16xf32>,
        %get3A_109 = arith.index_cast %add3A_106 : i32 to index
        %get3A_110 = arith.constant 0 : index
        %get3A_111 = tpu.vector_load %arg14[%get3A_109, %get3A_110] {strides = array<i32>} : memref<128x16xf32, #tpu.memory_space<vmem>>, vector<16xf32>,
        %add3A_112 = arith.addf %get3A_108, %get3A_111 : vector<16xf32>
        %add3A_113 = arith.constant 1.000000e+00 : f32
        %add3A_114 = vector.broadcast %add3A_113 : f32 to vector<16xf32>
        %add3A_115 = arith.addf %add3A_112, %add3A_114 : vector<16xf32>
        %bitcast3A = vector.bitcast %add3A_115 : vector<16xf32> to vector<16xi32>
        %shift_right_logical3A = arith.constant 1 : i32
        %shift_right_logical3A_116 = vector.broadcast %shift_right_logical3A : i32 to vector<16xi32>
        %shift_right_logical3A_117 = arith.shrui %bitcast3A, %shift_right_logical3A_116 : vector<16xi32>
        %sub3A = arith.constant 1597463007 : i32
        %sub3A_118 = vector.broadcast %sub3A : i32 to vector<16xi32>
        %sub3A_119 = arith.subi %sub3A_118, %shift_right_logical3A_117 : vector<16xi32>
        %bitcast3A_120 = vector.bitcast %sub3A_119 : vector<16xi32> to vector<16xf32>
        %mul3A_121 = arith.constant 5.000000e-01 : f32
        %mul3A_122 = vector.broadcast %mul3A_121 : f32 to vector<16xf32>
        %mul3A_123 = arith.mulf %mul3A_122, %add3A_115 : vector<16xf32>
        %mul3A_124 = arith.mulf %mul3A_123, %bitcast3A_120 : vector<16xf32>
        %mul3A_125 = arith.mulf %mul3A_124, %bitcast3A_120 : vector<16xf32>
        %sub3A_126 = arith.constant 1.500000e+00 : f32
        %sub3A_127 = vector.broadcast %sub3A_126 : f32 to vector<16xf32>
        %sub3A_128 = arith.subf %sub3A_127, %mul3A_125 : vector<16xf32>
        %mul3A_129 = arith.mulf %bitcast3A_120, %sub3A_128 : vector<16xf32>
        %mul3A_130 = arith.constant 5.000000e-01 : f32
        %mul3A_131 = vector.broadcast %mul3A_130 : f32 to vector<16xf32>
        %mul3A_132 = arith.mulf %mul3A_131, %add3A_115 : vector<16xf32>
        %mul3A_133 = arith.mulf %mul3A_132, %mul3A_129 : vector<16xf32>
        %mul3A_134 = arith.mulf %mul3A_133, %mul3A_129 : vector<16xf32>
        %sub3A_135 = arith.constant 1.500000e+00 : f32
        %sub3A_136 = vector.broadcast %sub3A_135 : f32 to vector<16xf32>
        %sub3A_137 = arith.subf %sub3A_136, %mul3A_134 : vector<16xf32>
        %mul3A_138 = arith.mulf %mul3A_129, %sub3A_137 : vector<16xf32>
        %mul3A_139 = arith.constant 5.000000e-01 : f32
        %mul3A_140 = vector.broadcast %mul3A_139 : f32 to vector<16xf32>
        %mul3A_141 = arith.mulf %mul3A_140, %add3A_115 : vector<16xf32>
        %mul3A_142 = arith.mulf %mul3A_141, %mul3A_138 : vector<16xf32>
        %mul3A_143 = arith.mulf %mul3A_142, %mul3A_138 : vector<16xf32>
        %sub3A_144 = arith.constant 1.500000e+00 : f32
        %sub3A_145 = vector.broadcast %sub3A_144 : f32 to vector<16xf32>
        %sub3A_146 = arith.subf %sub3A_145, %mul3A_143 : vector<16xf32>
        %mul3A_147 = arith.mulf %mul3A_138, %sub3A_146 : vector<16xf32>
        %swap3A = arith.index_cast %add3A_106 : i32 to index
        %swap3A_148 = arith.constant 0 : index
        %swap3A_149 = tpu.vector_load %arg13[%swap3A, %swap3A_148] {strides = array<i32>} : memref<128x16xf32, #tpu.memory_space<vmem>>, vector<16xf32>,
        tpu.vector_store %arg13[%swap3A, %swap3A_148], %mul3A_147 {strides = array<i32>} : memref<128x16xf32, #tpu.memory_space<vmem>>, vector<16xf32>,
        %mul3A_150 = arith.constant 4 : i32
        %mul3A_151 = arith.muli %mul3A_150, %scan3A_101 : i32
        %add3A_152 = arith.constant 1 : i32
        %add3A_153 = arith.addi %mul3A_151, %add3A_152 : i32
        %get3A_154 = arith.index_cast %add3A_153 : i32 to index
        %get3A_155 = arith.constant 0 : index
        %get3A_156 = tpu.vector_load %arg13[%get3A_154, %get3A_155] {strides = array<i32>} : memref<128x16xf32, #tpu.memory_space<vmem>>, vector<16xf32>,
        %get3A_157 = arith.index_cast %add3A_153 : i32 to index
        %get3A_158 = arith.constant 0 : index
        %get3A_159 = tpu.vector_load %arg14[%get3A_157, %get3A_158] {strides = array<i32>} : memref<128x16xf32, #tpu.memory_space<vmem>>, vector<16xf32>,
        %add3A_160 = arith.addf %get3A_156, %get3A_159 : vector<16xf32>
        %add3A_161 = arith.constant 1.000000e+00 : f32
        %add3A_162 = vector.broadcast %add3A_161 : f32 to vector<16xf32>
        %add3A_163 = arith.addf %add3A_160, %add3A_162 : vector<16xf32>
        %bitcast3A_164 = vector.bitcast %add3A_163 : vector<16xf32> to vector<16xi32>
        %shift_right_logical3A_165 = arith.constant 1 : i32
        %shift_right_logical3A_166 = vector.broadcast %shift_right_logical3A_165 : i32 to vector<16xi32>
        %shift_right_logical3A_167 = arith.shrui %bitcast3A_164, %shift_right_logical3A_166 : vector<16xi32>
        %sub3A_168 = arith.constant 1597463007 : i32
        %sub3A_169 = vector.broadcast %sub3A_168 : i32 to vector<16xi32>
        %sub3A_170 = arith.subi %sub3A_169, %shift_right_logical3A_167 : vector<16xi32>
        %bitcast3A_171 = vector.bitcast %sub3A_170 : vector<16xi32> to vector<16xf32>
        %mul3A_172 = arith.constant 5.000000e-01 : f32
        %mul3A_173 = vector.broadcast %mul3A_172 : f32 to vector<16xf32>
        %mul3A_174 = arith.mulf %mul3A_173, %add3A_163 : vector<16xf32>
        %mul3A_175 = arith.mulf %mul3A_174, %bitcast3A_171 : vector<16xf32>
        %mul3A_176 = arith.mulf %mul3A_175, %bitcast3A_171 : vector<16xf32>
        %sub3A_177 = arith.constant 1.500000e+00 : f32
        %sub3A_178 = vector.broadcast %sub3A_177 : f32 to vector<16xf32>
        %sub3A_179 = arith.subf %sub3A_178, %mul3A_176 : vector<16xf32>
        %mul3A_180 = arith.mulf %bitcast3A_171, %sub3A_179 : vector<16xf32>
        %mul3A_181 = arith.constant 5.000000e-01 : f32
        %mul3A_182 = vector.broadcast %mul3A_181 : f32 to vector<16xf32>
        %mul3A_183 = arith.mulf %mul3A_182, %add3A_163 : vector<16xf32>
        %mul3A_184 = arith.mulf %mul3A_183, %mul3A_180 : vector<16xf32>
        %mul3A_185 = arith.mulf %mul3A_184, %mul3A_180 : vector<16xf32>
        %sub3A_186 = arith.constant 1.500000e+00 : f32
        %sub3A_187 = vector.broadcast %sub3A_186 : f32 to vector<16xf32>
        %sub3A_188 = arith.subf %sub3A_187, %mul3A_185 : vector<16xf32>
        %mul3A_189 = arith.mulf %mul3A_180, %sub3A_188 : vector<16xf32>
        %mul3A_190 = arith.constant 5.000000e-01 : f32
        %mul3A_191 = vector.broadcast %mul3A_190 : f32 to vector<16xf32>
        %mul3A_192 = arith.mulf %mul3A_191, %add3A_163 : vector<16xf32>
        %mul3A_193 = arith.mulf %mul3A_192, %mul3A_189 : vector<16xf32>
        %mul3A_194 = arith.mulf %mul3A_193, %mul3A_189 : vector<16xf32>
        %sub3A_195 = arith.constant 1.500000e+00 : f32
        %sub3A_196 = vector.broadcast %sub3A_195 : f32 to vector<16xf32>
        %sub3A_197 = arith.subf %sub3A_196, %mul3A_194 : vector<16xf32>
        %mul3A_198 = arith.mulf %mul3A_189, %sub3A_197 : vector<16xf32>
        %swap3A_199 = arith.index_cast %add3A_153 : i32 to index
        %swap3A_200 = arith.constant 0 : index
        %swap3A_201 = tpu.vector_load %arg13[%swap3A_199, %swap3A_200] {strides = array<i32>} : memref<128x16xf32, #tpu.memory_space<vmem>>, vector<16xf32>,
        tpu.vector_store %arg13[%swap3A_199, %swap3A_200], %mul3A_198 {strides = array<i32>} : memref<128x16xf32, #tpu.memory_space<vmem>>, vector<16xf32>,
        %mul3A_202 = arith.constant 4 : i32
        %mul3A_203 = arith.muli %mul3A_202, %scan3A_101 : i32
        %add3A_204 = arith.constant 2 : i32
        %add3A_205 = arith.addi %mul3A_203, %add3A_204 : i32
        %get3A_206 = arith.index_cast %add3A_205 : i32 to index
        %get3A_207 = arith.constant 0 : index
        %get3A_208 = tpu.vector_load %arg13[%get3A_206, %get3A_207] {strides = array<i32>} : memref<128x16xf32, #tpu.memory_space<vmem>>, vector<16xf32>,
        %get3A_209 = arith.index_cast %add3A_205 : i32 to index
        %get3A_210 = arith.constant 0 : index
        %get3A_211 = tpu.vector_load %arg14[%get3A_209, %get3A_210] {strides = array<i32>} : memref<128x16xf32, #tpu.memory_space<vmem>>, vector<16xf32>,
        %add3A_212 = arith.addf %get3A_208, %get3A_211 : vector<16xf32>
        %add3A_213 = arith.constant 1.000000e+00 : f32
        %add3A_214 = vector.broadcast %add3A_213 : f32 to vector<16xf32>
        %add3A_215 = arith.addf %add3A_212, %add3A_214 : vector<16xf32>
        %bitcast3A_216 = vector.bitcast %add3A_215 : vector<16xf32> to vector<16xi32>
        %shift_right_logical3A_217 = arith.constant 1 : i32
        %shift_right_logical3A_218 = vector.broadcast %shift_right_logical3A_217 : i32 to vector<16xi32>
        %shift_right_logical3A_219 = arith.shrui %bitcast3A_216, %shift_right_logical3A_218 : vector<16xi32>
        %sub3A_220 = arith.constant 1597463007 : i32
        %sub3A_221 = vector.broadcast %sub3A_220 : i32 to vector<16xi32>
        %sub3A_222 = arith.subi %sub3A_221, %shift_right_logical3A_219 : vector<16xi32>
        %bitcast3A_223 = vector.bitcast %sub3A_222 : vector<16xi32> to vector<16xf32>
        %mul3A_224 = arith.constant 5.000000e-01 : f32
        %mul3A_225 = vector.broadcast %mul3A_224 : f32 to vector<16xf32>
        %mul3A_226 = arith.mulf %mul3A_225, %add3A_215 : vector<16xf32>
        %mul3A_227 = arith.mulf %mul3A_226, %bitcast3A_223 : vector<16xf32>
        %mul3A_228 = arith.mulf %mul3A_227, %bitcast3A_223 : vector<16xf32>
        %sub3A_229 = arith.constant 1.500000e+00 : f32
        %sub3A_230 = vector.broadcast %sub3A_229 : f32 to vector<16xf32>
        %sub3A_231 = arith.subf %sub3A_230, %mul3A_228 : vector<16xf32>
        %mul3A_232 = arith.mulf %bitcast3A_223, %sub3A_231 : vector<16xf32>
        %mul3A_233 = arith.constant 5.000000e-01 : f32
        %mul3A_234 = vector.broadcast %mul3A_233 : f32 to vector<16xf32>
        %mul3A_235 = arith.mulf %mul3A_234, %add3A_215 : vector<16xf32>
        %mul3A_236 = arith.mulf %mul3A_235, %mul3A_232 : vector<16xf32>
        %mul3A_237 = arith.mulf %mul3A_236, %mul3A_232 : vector<16xf32>
        %sub3A_238 = arith.constant 1.500000e+00 : f32
        %sub3A_239 = vector.broadcast %sub3A_238 : f32 to vector<16xf32>
        %sub3A_240 = arith.subf %sub3A_239, %mul3A_237 : vector<16xf32>
        %mul3A_241 = arith.mulf %mul3A_232, %sub3A_240 : vector<16xf32>
        %mul3A_242 = arith.constant 5.000000e-01 : f32
        %mul3A_243 = vector.broadcast %mul3A_242 : f32 to vector<16xf32>
        %mul3A_244 = arith.mulf %mul3A_243, %add3A_215 : vector<16xf32>
        %mul3A_245 = arith.mulf %mul3A_244, %mul3A_241 : vector<16xf32>
        %mul3A_246 = arith.mulf %mul3A_245, %mul3A_241 : vector<16xf32>
        %sub3A_247 = arith.constant 1.500000e+00 : f32
        %sub3A_248 = vector.broadcast %sub3A_247 : f32 to vector<16xf32>
        %sub3A_249 = arith.subf %sub3A_248, %mul3A_246 : vector<16xf32>
        %mul3A_250 = arith.mulf %mul3A_241, %sub3A_249 : vector<16xf32>
        %swap3A_251 = arith.index_cast %add3A_205 : i32 to index
        %swap3A_252 = arith.constant 0 : index
        %swap3A_253 = tpu.vector_load %arg13[%swap3A_251, %swap3A_252] {strides = array<i32>} : memref<128x16xf32, #tpu.memory_space<vmem>>, vector<16xf32>,
        tpu.vector_store %arg13[%swap3A_251, %swap3A_252], %mul3A_250 {strides = array<i32>} : memref<128x16xf32, #tpu.memory_space<vmem>>, vector<16xf32>,
        %mul3A_254 = arith.constant 4 : i32
        %mul3A_255 = arith.muli %mul3A_254, %scan3A_101 : i32
        %add3A_256 = arith.constant 3 : i32
        %add3A_257 = arith.addi %mul3A_255, %add3A_256 : i32
        %get3A_258 = arith.index_cast %add3A_257 : i32 to index
        %get3A_259 = arith.constant 0 : index
        %get3A_260 = tpu.vector_load %arg13[%get3A_258, %get3A_259] {strides = array<i32>} : memref<128x16xf32, #tpu.memory_space<vmem>>, vector<16xf32>,
        %get3A_261 = arith.index_cast %add3A_257 : i32 to index
        %get3A_262 = arith.constant 0 : index
        %get3A_263 = tpu.vector_load %arg14[%get3A_261, %get3A_262] {strides = array<i32>} : memref<128x16xf32, #tpu.memory_space<vmem>>, vector<16xf32>,
        %add3A_264 = arith.addf %get3A_260, %get3A_263 : vector<16xf32>
        %add3A_265 = arith.constant 1.000000e+00 : f32
        %add3A_266 = vector.broadcast %add3A_265 : f32 to vector<16xf32>
        %add3A_267 = arith.addf %add3A_264, %add3A_266 : vector<16xf32>
        %bitcast3A_268 = vector.bitcast %add3A_267 : vector<16xf32> to vector<16xi32>
        %shift_right_logical3A_269 = arith.constant 1 : i32
        %shift_right_logical3A_270 = vector.broadcast %shift_right_logical3A_269 : i32 to vector<16xi32>
        %shift_right_logical3A_271 = arith.shrui %bitcast3A_268, %shift_right_logical3A_270 : vector<16xi32>
        %sub3A_272 = arith.constant 1597463007 : i32
        %sub3A_273 = vector.broadcast %sub3A_272 : i32 to vector<16xi32>
        %sub3A_274 = arith.subi %sub3A_273, %shift_right_logical3A_271 : vector<16xi32>
        %bitcast3A_275 = vector.bitcast %sub3A_274 : vector<16xi32> to vector<16xf32>
        %mul3A_276 = arith.constant 5.000000e-01 : f32
        %mul3A_277 = vector.broadcast %mul3A_276 : f32 to vector<16xf32>
        %mul3A_278 = arith.mulf %mul3A_277, %add3A_267 : vector<16xf32>
        %mul3A_279 = arith.mulf %mul3A_278, %bitcast3A_275 : vector<16xf32>
        %mul3A_280 = arith.mulf %mul3A_279, %bitcast3A_275 : vector<16xf32>
        %sub3A_281 = arith.constant 1.500000e+00 : f32
        %sub3A_282 = vector.broadcast %sub3A_281 : f32 to vector<16xf32>
        %sub3A_283 = arith.subf %sub3A_282, %mul3A_280 : vector<16xf32>
        %mul3A_284 = arith.mulf %bitcast3A_275, %sub3A_283 : vector<16xf32>
        %mul3A_285 = arith.constant 5.000000e-01 : f32
        %mul3A_286 = vector.broadcast %mul3A_285 : f32 to vector<16xf32>
        %mul3A_287 = arith.mulf %mul3A_286, %add3A_267 : vector<16xf32>
        %mul3A_288 = arith.mulf %mul3A_287, %mul3A_284 : vector<16xf32>
        %mul3A_289 = arith.mulf %mul3A_288, %mul3A_284 : vector<16xf32>
        %sub3A_290 = arith.constant 1.500000e+00 : f32
        %sub3A_291 = vector.broadcast %sub3A_290 : f32 to vector<16xf32>
        %sub3A_292 = arith.subf %sub3A_291, %mul3A_289 : vector<16xf32>
        %mul3A_293 = arith.mulf %mul3A_284, %sub3A_292 : vector<16xf32>
        %mul3A_294 = arith.constant 5.000000e-01 : f32
        %mul3A_295 = vector.broadcast %mul3A_294 : f32 to vector<16xf32>
        %mul3A_296 = arith.mulf %mul3A_295, %add3A_267 : vector<16xf32>
        %mul3A_297 = arith.mulf %mul3A_296, %mul3A_293 : vector<16xf32>
        %mul3A_298 = arith.mulf %mul3A_297, %mul3A_293 : vector<16xf32>
        %sub3A_299 = arith.constant 1.500000e+00 : f32
        %sub3A_300 = vector.broadcast %sub3A_299 : f32 to vector<16xf32>
        %sub3A_301 = arith.subf %sub3A_300, %mul3A_298 : vector<16xf32>
        %mul3A_302 = arith.mulf %mul3A_293, %sub3A_301 : vector<16xf32>
        %swap3A_303 = arith.index_cast %add3A_257 : i32 to index
        %swap3A_304 = arith.constant 0 : index
        %swap3A_305 = tpu.vector_load %arg13[%swap3A_303, %swap3A_304] {strides = array<i32>} : memref<128x16xf32, #tpu.memory_space<vmem>>, vector<16xf32>,
        tpu.vector_store %arg13[%swap3A_303, %swap3A_304], %mul3A_302 {strides = array<i32>} : memref<128x16xf32, #tpu.memory_space<vmem>>, vector<16xf32>,
        %scan3A_306 = arith.constant 0 : i32
        scf.yield %scan3A_306 : i32
      }
      %scan3A_90 = arith.constant 32 : i32
      "tpu.region"() ({
        %run_scoped3A_101 = tpu.sem_alloc : memref<!tpu.dma_semaphore, #tpu.memory_space<semaphore_mem>>
        %dma_start3A_102 = arith.constant 0 : i32
        %dma_start3A_103 = tpu.memref_slice %arg4[%add3A_81, %dma_start3A_102] : memref<10240x64xf32, #tpu.memory_space<hbm>> -> memref<128x64xf32, #tpu.memory_space<hbm>>
        %dma_start3A_104 = arith.constant 0 : i32
        %dma_start3A_105 = tpu.memref_slice %arg4[%add3A_81, %dma_start3A_104] : memref<10240x64xf32, #tpu.memory_space<hbm>> -> memref<128x64xf32, #tpu.memory_space<hbm>>
        tpu.enqueue_dma source(%dma_start3A_105 : memref<128x64xf32, #tpu.memory_space<hbm>>) target(%arg10 : memref<128x64xf32, #tpu.memory_space<vmem>>) target_semaphore(%run_scoped3A_101 : memref<!tpu.dma_semaphore, #tpu.memory_space<semaphore_mem>>)
        %dma_wait3A_106 = arith.constant 0 : i32
        %dma_wait3A_107 = tpu.memref_slice %arg4[%add3A_81, %dma_wait3A_106] : memref<10240x64xf32, #tpu.memory_space<hbm>> -> memref<128x64xf32, #tpu.memory_space<hbm>>
        %dma_wait3A_108 = arith.constant 0 : i32
        %dma_wait3A_109 = tpu.memref_slice %arg4[%add3A_81, %dma_wait3A_108] : memref<10240x64xf32, #tpu.memory_space<hbm>> -> memref<128x64xf32, #tpu.memory_space<hbm>>
        tpu.wait_dma2 semaphore(%run_scoped3A_101 : memref<!tpu.dma_semaphore, #tpu.memory_space<semaphore_mem>>) src(%dma_wait3A_109 : memref<128x64xf32, #tpu.memory_space<hbm>>) dst(%arg10 : memref<128x64xf32, #tpu.memory_space<vmem>>)
        tpu.yield
      }) : () -> ()
      %scan3A_91 = arith.constant 0 : i32
      %scan3A_92 = arith.constant 0 : i32
      %scan3A_93 = arith.constant 64 : i32
      %scan3A_94 = arith.addi %scan3A_92, %scan3A_93 : i32
      %scan3A_95 = arith.constant 1 : i32
      %scan3A_96 = scf.for %scan3A_101 = %scan3A_92 to %scan3A_94 step %scan3A_95 iter_args(%scan3A_102 = %scan3A_91) -> (i32)  : i32 {
        %mul3A_103 = arith.constant 2 : i32
        %mul3A_104 = arith.muli %mul3A_103, %scan3A_101 : i32
        %add3A_105 = arith.constant 0 : i32
        %add3A_106 = arith.addi %mul3A_104, %add3A_105 : i32
        %get3A = arith.index_cast %add3A_106 : i32 to index
        %get3A_107 = arith.constant 0 : index
        %get3A_108 = tpu.vector_load %arg13[%get3A, %get3A_107] {strides = array<i32>} : memref<128x16xf32, #tpu.memory_space<vmem>>, vector<16xf32>,
        %get3A_109 = arith.index_cast %add3A_106 : i32 to index
        %get3A_110 = arith.constant 0 : index
        %get3A_111 = tpu.vector_load %arg10[%get3A_109, %get3A_110] {strides = array<i32>} : memref<128x64xf32, #tpu.memory_space<vmem>>, vector<16xf32>,
        %mul3A_112 = arith.mulf %get3A_111, %get3A_108 : vector<16xf32>
        %swap3A = arith.index_cast %add3A_106 : i32 to index
        %swap3A_113 = arith.constant 0 : index
        %swap3A_114 = tpu.vector_load %arg10[%swap3A, %swap3A_113] {strides = array<i32>} : memref<128x64xf32, #tpu.memory_space<vmem>>, vector<16xf32>,
        tpu.vector_store %arg10[%swap3A, %swap3A_113], %mul3A_112 {strides = array<i32>} : memref<128x64xf32, #tpu.memory_space<vmem>>, vector<16xf32>,
        %get3A_115 = arith.index_cast %add3A_106 : i32 to index
        %get3A_116 = arith.constant 16 : index
        %get3A_117 = tpu.vector_load %arg10[%get3A_115, %get3A_116] {strides = array<i32>} : memref<128x64xf32, #tpu.memory_space<vmem>>, vector<16xf32>,
        %mul3A_118 = arith.mulf %get3A_117, %get3A_108 : vector<16xf32>
        %swap3A_119 = arith.index_cast %add3A_106 : i32 to index
        %swap3A_120 = arith.constant 16 : index
        %swap3A_121 = tpu.vector_load %arg10[%swap3A_119, %swap3A_120] {strides = array<i32>} : memref<128x64xf32, #tpu.memory_space<vmem>>, vector<16xf32>,
        tpu.vector_store %arg10[%swap3A_119, %swap3A_120], %mul3A_118 {strides = array<i32>} : memref<128x64xf32, #tpu.memory_space<vmem>>, vector<16xf32>,
        %get3A_122 = arith.index_cast %add3A_106 : i32 to index
        %get3A_123 = arith.constant 32 : index
        %get3A_124 = tpu.vector_load %arg10[%get3A_122, %get3A_123] {strides = array<i32>} : memref<128x64xf32, #tpu.memory_space<vmem>>, vector<16xf32>,
        %mul3A_125 = arith.mulf %get3A_124, %get3A_108 : vector<16xf32>
        %swap3A_126 = arith.index_cast %add3A_106 : i32 to index
        %swap3A_127 = arith.constant 32 : index
        %swap3A_128 = tpu.vector_load %arg10[%swap3A_126, %swap3A_127] {strides = array<i32>} : memref<128x64xf32, #tpu.memory_space<vmem>>, vector<16xf32>,
        tpu.vector_store %arg10[%swap3A_126, %swap3A_127], %mul3A_125 {strides = array<i32>} : memref<128x64xf32, #tpu.memory_space<vmem>>, vector<16xf32>,
        %get3A_129 = arith.index_cast %add3A_106 : i32 to index
        %get3A_130 = arith.constant 48 : index
        %get3A_131 = tpu.vector_load %arg10[%get3A_129, %get3A_130] {strides = array<i32>} : memref<128x64xf32, #tpu.memory_space<vmem>>, vector<16xf32>,
        %mul3A_132 = arith.mulf %get3A_131, %get3A_108 : vector<16xf32>
        %swap3A_133 = arith.index_cast %add3A_106 : i32 to index
        %swap3A_134 = arith.constant 48 : index
        %swap3A_135 = tpu.vector_load %arg10[%swap3A_133, %swap3A_134] {strides = array<i32>} : memref<128x64xf32, #tpu.memory_space<vmem>>, vector<16xf32>,
        tpu.vector_store %arg10[%swap3A_133, %swap3A_134], %mul3A_132 {strides = array<i32>} : memref<128x64xf32, #tpu.memory_space<vmem>>, vector<16xf32>,
        %mul3A_136 = arith.constant 2 : i32
        %mul3A_137 = arith.muli %mul3A_136, %scan3A_101 : i32
        %add3A_138 = arith.constant 1 : i32
        %add3A_139 = arith.addi %mul3A_137, %add3A_138 : i32
        %get3A_140 = arith.index_cast %add3A_139 : i32 to index
        %get3A_141 = arith.constant 0 : index
        %get3A_142 = tpu.vector_load %arg13[%get3A_140, %get3A_141] {strides = array<i32>} : memref<128x16xf32, #tpu.memory_space<vmem>>, vector<16xf32>,
        %get3A_143 = arith.index_cast %add3A_139 : i32 to index
        %get3A_144 = arith.constant 0 : index
        %get3A_145 = tpu.vector_load %arg10[%get3A_143, %get3A_144] {strides = array<i32>} : memref<128x64xf32, #tpu.memory_space<vmem>>, vector<16xf32>,
        %mul3A_146 = arith.mulf %get3A_145, %get3A_142 : vector<16xf32>
        %swap3A_147 = arith.index_cast %add3A_139 : i32 to index
        %swap3A_148 = arith.constant 0 : index
        %swap3A_149 = tpu.vector_load %arg10[%swap3A_147, %swap3A_148] {strides = array<i32>} : memref<128x64xf32, #tpu.memory_space<vmem>>, vector<16xf32>,
        tpu.vector_store %arg10[%swap3A_147, %swap3A_148], %mul3A_146 {strides = array<i32>} : memref<128x64xf32, #tpu.memory_space<vmem>>, vector<16xf32>,
        %get3A_150 = arith.index_cast %add3A_139 : i32 to index
        %get3A_151 = arith.constant 16 : index
        %get3A_152 = tpu.vector_load %arg10[%get3A_150, %get3A_151] {strides = array<i32>} : memref<128x64xf32, #tpu.memory_space<vmem>>, vector<16xf32>,
        %mul3A_153 = arith.mulf %get3A_152, %get3A_142 : vector<16xf32>
        %swap3A_154 = arith.index_cast %add3A_139 : i32 to index
        %swap3A_155 = arith.constant 16 : index
        %swap3A_156 = tpu.vector_load %arg10[%swap3A_154, %swap3A_155] {strides = array<i32>} : memref<128x64xf32, #tpu.memory_space<vmem>>, vector<16xf32>,
        tpu.vector_store %arg10[%swap3A_154, %swap3A_155], %mul3A_153 {strides = array<i32>} : memref<128x64xf32, #tpu.memory_space<vmem>>, vector<16xf32>,
        %get3A_157 = arith.index_cast %add3A_139 : i32 to index
        %get3A_158 = arith.constant 32 : index
        %get3A_159 = tpu.vector_load %arg10[%get3A_157, %get3A_158] {strides = array<i32>} : memref<128x64xf32, #tpu.memory_space<vmem>>, vector<16xf32>,
        %mul3A_160 = arith.mulf %get3A_159, %get3A_142 : vector<16xf32>
        %swap3A_161 = arith.index_cast %add3A_139 : i32 to index
        %swap3A_162 = arith.constant 32 : index
        %swap3A_163 = tpu.vector_load %arg10[%swap3A_161, %swap3A_162] {strides = array<i32>} : memref<128x64xf32, #tpu.memory_space<vmem>>, vector<16xf32>,
        tpu.vector_store %arg10[%swap3A_161, %swap3A_162], %mul3A_160 {strides = array<i32>} : memref<128x64xf32, #tpu.memory_space<vmem>>, vector<16xf32>,
        %get3A_164 = arith.index_cast %add3A_139 : i32 to index
        %get3A_165 = arith.constant 48 : index
        %get3A_166 = tpu.vector_load %arg10[%get3A_164, %get3A_165] {strides = array<i32>} : memref<128x64xf32, #tpu.memory_space<vmem>>, vector<16xf32>,
        %mul3A_167 = arith.mulf %get3A_166, %get3A_142 : vector<16xf32>
        %swap3A_168 = arith.index_cast %add3A_139 : i32 to index
        %swap3A_169 = arith.constant 48 : index
        %swap3A_170 = tpu.vector_load %arg10[%swap3A_168, %swap3A_169] {strides = array<i32>} : memref<128x64xf32, #tpu.memory_space<vmem>>, vector<16xf32>,
        tpu.vector_store %arg10[%swap3A_168, %swap3A_169], %mul3A_167 {strides = array<i32>} : memref<128x64xf32, #tpu.memory_space<vmem>>, vector<16xf32>,
        %scan3A_171 = arith.constant 0 : i32
        scf.yield %scan3A_171 : i32
      }
      %scan3A_97 = arith.constant 64 : i32
      "tpu.region"() ({
        %run_scoped3A_101 = tpu.sem_alloc : memref<!tpu.dma_semaphore, #tpu.memory_space<semaphore_mem>>
        %dma_start3A_102 = arith.constant 0 : i32
        %dma_start3A_103 = tpu.memref_slice %arg16[%add3A_81, %dma_start3A_102] : memref<10240x64xf32, #tpu.memory_space<vmem_shared>> -> memref<128x64xf32, #tpu.memory_space<vmem_shared>>
        %dma_start3A_104 = arith.constant 0 : i32
        %dma_start3A_105 = tpu.memref_slice %arg16[%add3A_81, %dma_start3A_104] : memref<10240x64xf32, #tpu.memory_space<vmem_shared>> -> memref<128x64xf32, #tpu.memory_space<vmem_shared>>
        tpu.enqueue_dma source(%arg10 : memref<128x64xf32, #tpu.memory_space<vmem>>) target(%dma_start3A_105 : memref<128x64xf32, #tpu.memory_space<vmem_shared>>) target_semaphore(%run_scoped3A_101 : memref<!tpu.dma_semaphore, #tpu.memory_space<semaphore_mem>>)
        %dma_wait3A_106 = arith.constant 0 : i32
        %dma_wait3A_107 = tpu.memref_slice %arg16[%add3A_81, %dma_wait3A_106] : memref<10240x64xf32, #tpu.memory_space<vmem_shared>> -> memref<128x64xf32, #tpu.memory_space<vmem_shared>>
        %dma_wait3A_108 = arith.constant 0 : i32
        %dma_wait3A_109 = tpu.memref_slice %arg16[%add3A_81, %dma_wait3A_108] : memref<10240x64xf32, #tpu.memory_space<vmem_shared>> -> memref<128x64xf32, #tpu.memory_space<vmem_shared>>
        tpu.wait_dma2 semaphore(%run_scoped3A_101 : memref<!tpu.dma_semaphore, #tpu.memory_space<semaphore_mem>>) src(%arg10 : memref<128x64xf32, #tpu.memory_space<vmem>>) dst(%dma_wait3A_109 : memref<128x64xf32, #tpu.memory_space<vmem_shared>>)
        tpu.yield
      }) : () -> ()
      %eq3A = arith.constant 0 : i32
      %eq3A_98 = arith.cmpi eq, %arg0, %eq3A : i32
      %convert_element_type3A = arith.extui %eq3A_98 : i1 to i32
      %cond3A = arith.constant 0 : i32
      %cond3A_99 = arith.cmpi ne, %convert_element_type3A, %cond3A : i32
      scf.if %cond3A_99 {
        "tpu.region"() ({
          %run_scoped3A_101 = tpu.sem_alloc : memref<!tpu.dma_semaphore, #tpu.memory_space<semaphore_mem>>
          %dma_start3A_102 = arith.constant 0 : i32
          %dma_start3A_103 = tpu.memref_slice %arg7[%add3A_81, %dma_start3A_102] : memref<10240x16xf32, #tpu.memory_space<hbm>> -> memref<128x16xf32, #tpu.memory_space<hbm>>
          %dma_start3A_104 = arith.constant 0 : i32
          %dma_start3A_105 = tpu.memref_slice %arg7[%add3A_81, %dma_start3A_104] : memref<10240x16xf32, #tpu.memory_space<hbm>> -> memref<128x16xf32, #tpu.memory_space<hbm>>
          tpu.enqueue_dma source(%arg13 : memref<128x16xf32, #tpu.memory_space<vmem>>) target(%dma_start3A_105 : memref<128x16xf32, #tpu.memory_space<hbm>>) target_semaphore(%run_scoped3A_101 : memref<!tpu.dma_semaphore, #tpu.memory_space<semaphore_mem>>)
          %dma_wait3A_106 = arith.constant 0 : i32
          %dma_wait3A_107 = tpu.memref_slice %arg7[%add3A_81, %dma_wait3A_106] : memref<10240x16xf32, #tpu.memory_space<hbm>> -> memref<128x16xf32, #tpu.memory_space<hbm>>
          %dma_wait3A_108 = arith.constant 0 : i32
          %dma_wait3A_109 = tpu.memref_slice %arg7[%add3A_81, %dma_wait3A_108] : memref<10240x16xf32, #tpu.memory_space<hbm>> -> memref<128x16xf32, #tpu.memory_space<hbm>>
          tpu.wait_dma2 semaphore(%run_scoped3A_101 : memref<!tpu.dma_semaphore, #tpu.memory_space<semaphore_mem>>) src(%arg13 : memref<128x16xf32, #tpu.memory_space<vmem>>) dst(%dma_wait3A_109 : memref<128x16xf32, #tpu.memory_space<hbm>>)
          tpu.yield
        }) : () -> ()
      } else {
      }
      %scan3A_100 = arith.constant 0 : i32
      scf.yield %scan3A_100 : i32
    }
    %scan3A_23 = arith.constant 5 : i32
    %dma_wait3A = arith.constant 0 : i32
    %dma_wait3A_24 = tpu.memref_slice %arg2[%mul3A_3, %dma_wait3A] : memref<2560x128xi32, #tpu.memory_space<hbm>> -> memref<80x128xi32, #tpu.memory_space<hbm>>
    %dma_wait3A_25 = arith.constant 0 : i32
    %dma_wait3A_26 = tpu.memref_slice %arg2[%mul3A_3, %dma_wait3A_25] : memref<2560x128xi32, #tpu.memory_space<hbm>> -> memref<80x128xi32, #tpu.memory_space<hbm>>
    tpu.wait_dma2 semaphore(%arg17 : memref<!tpu.dma_semaphore, #tpu.memory_space<semaphore_mem>>) src(%dma_wait3A_26 : memref<80x128xi32, #tpu.memory_space<hbm>>) dst(%arg8 : memref<80x128xi32, #tpu.memory_space<vmem>>)
    %dma_wait3A_27 = arith.constant 0 : i32
    %dma_wait3A_28 = tpu.memref_slice %arg3[%mul3A_3, %dma_wait3A_27] : memref<2560x128xi32, #tpu.memory_space<hbm>> -> memref<80x128xi32, #tpu.memory_space<hbm>>
    %dma_wait3A_29 = arith.constant 0 : i32
    %dma_wait3A_30 = tpu.memref_slice %arg3[%mul3A_3, %dma_wait3A_29] : memref<2560x128xi32, #tpu.memory_space<hbm>> -> memref<80x128xi32, #tpu.memory_space<hbm>>
    tpu.wait_dma2 semaphore(%arg18 : memref<!tpu.dma_semaphore, #tpu.memory_space<semaphore_mem>>) src(%dma_wait3A_30 : memref<80x128xi32, #tpu.memory_space<hbm>>) dst(%arg9 : memref<80x128xi32, #tpu.memory_space<vmem>>)
    %barrier3A = arith.constant 0 : index
    tpu.barrier barrier_id(%barrier3A)
    %dma_start3A_31 = arith.constant 0 : i32
    %dma_start3A_32 = arith.constant 0 : i32
    %dma_start3A_33 = tpu.memref_slice %arg8[%dma_start3A_31, %dma_start3A_32] : memref<80x128xi32, #tpu.memory_space<vmem>> -> memref<1x128xi32, #tpu.memory_space<vmem>>
    %dma_start3A_34 = tpu.memref_squeeze %dma_start3A_33 : memref<1x128xi32, #tpu.memory_space<vmem>> -> memref<128xi32, #tpu.memory_space<vmem>>
    %dma_start3A_35 = arith.constant 0 : i32
    %dma_start3A_36 = arith.constant 0 : i32
    %dma_start3A_37 = tpu.memref_slice %arg16[%dma_start3A_35, %dma_start3A_36] : memref<10240x64xf32, #tpu.memory_space<vmem_shared>> -> memref<10240x64xf32, #tpu.memory_space<vmem_shared>>
    tpu.enqueue_indirect_dma source(%dma_start3A_37 : memref<10240x64xf32, #tpu.memory_space<vmem_shared>>) target(%arg10 : memref<128x64xf32, #tpu.memory_space<vmem>>) offsets(%dma_start3A_34 : memref<128xi32, #tpu.memory_space<vmem>>) semaphore(%arg17 : memref<!tpu.dma_semaphore, #tpu.memory_space<semaphore_mem>>)
    %dma_start3A_38 = arith.constant 1 : i32
    %dma_start3A_39 = arith.constant 0 : i32
    %dma_start3A_40 = tpu.memref_slice %arg8[%dma_start3A_38, %dma_start3A_39] : memref<80x128xi32, #tpu.memory_space<vmem>> -> memref<1x128xi32, #tpu.memory_space<vmem>>
    %dma_start3A_41 = tpu.memref_squeeze %dma_start3A_40 : memref<1x128xi32, #tpu.memory_space<vmem>> -> memref<128xi32, #tpu.memory_space<vmem>>
    %dma_start3A_42 = arith.constant 0 : i32
    %dma_start3A_43 = arith.constant 0 : i32
    %dma_start3A_44 = tpu.memref_slice %arg16[%dma_start3A_42, %dma_start3A_43] : memref<10240x64xf32, #tpu.memory_space<vmem_shared>> -> memref<10240x64xf32, #tpu.memory_space<vmem_shared>>
    tpu.enqueue_indirect_dma source(%dma_start3A_44 : memref<10240x64xf32, #tpu.memory_space<vmem_shared>>) target(%arg11 : memref<128x64xf32, #tpu.memory_space<vmem>>) offsets(%dma_start3A_41 : memref<128xi32, #tpu.memory_space<vmem>>) semaphore(%arg18 : memref<!tpu.dma_semaphore, #tpu.memory_space<semaphore_mem>>)
    %scan3A_45 = arith.constant 0 : i32
    %scan3A_46 = arith.constant 0 : i32
    %scan3A_47 = arith.constant 26 : i32
    %scan3A_48 = arith.addi %scan3A_46, %scan3A_47 : i32
    %scan3A_49 = arith.constant 1 : i32
    %scan3A_50 = scf.for %scan3A_75 = %scan3A_46 to %scan3A_48 step %scan3A_49 iter_args(%scan3A_76 = %scan3A_45) -> (i32)  : i32 {
      %mul3A_77 = arith.constant 3 : i32
      %mul3A_78 = arith.muli %mul3A_77, %scan3A_75 : i32
      %add3A_79 = arith.constant 0 : i32
      %add3A_80 = arith.addi %mul3A_78, %add3A_79 : i32
      %dma_wait3A_81 = arith.constant 0 : i32
      %dma_wait3A_82 = tpu.memref_slice %arg8[%add3A_80, %dma_wait3A_81] : memref<80x128xi32, #tpu.memory_space<vmem>> -> memref<1x128xi32, #tpu.memory_space<vmem>>
      %dma_wait3A_83 = tpu.memref_squeeze %dma_wait3A_82 : memref<1x128xi32, #tpu.memory_space<vmem>> -> memref<128xi32, #tpu.memory_space<vmem>>
      %dma_wait3A_84 = arith.constant 0 : i32
      %dma_wait3A_85 = arith.constant 0 : i32
      %dma_wait3A_86 = tpu.memref_slice %arg16[%dma_wait3A_84, %dma_wait3A_85] : memref<10240x64xf32, #tpu.memory_space<vmem_shared>> -> memref<10240x64xf32, #tpu.memory_space<vmem_shared>>
      tpu.wait_indirect_dma semaphore(%arg17 : memref<!tpu.dma_semaphore, #tpu.memory_space<semaphore_mem>>) src(%dma_wait3A_86 : memref<10240x64xf32, #tpu.memory_space<vmem_shared>>) dst(%arg10 : memref<128x64xf32, #tpu.memory_space<vmem>>)
      %add3A_87 = arith.constant 2 : i32
      %add3A_88 = arith.addi %add3A_80, %add3A_87 : i32
      %lt3A = arith.constant 80 : i32
      %lt3A_89 = arith.cmpi slt, %add3A_88, %lt3A : i32
      %convert_element_type3A = arith.extui %lt3A_89 : i1 to i32
      %cond3A = arith.constant 0 : i32
      %cond3A_90 = arith.cmpi ne, %convert_element_type3A, %cond3A : i32
      scf.if %cond3A_90 {
        %add3A_122 = arith.constant 2 : i32
        %add3A_123 = arith.addi %add3A_80, %add3A_122 : i32
        %dma_start3A_124 = arith.constant 0 : i32
        %dma_start3A_125 = tpu.memref_slice %arg8[%add3A_123, %dma_start3A_124] : memref<80x128xi32, #tpu.memory_space<vmem>> -> memref<1x128xi32, #tpu.memory_space<vmem>>
        %dma_start3A_126 = tpu.memref_squeeze %dma_start3A_125 : memref<1x128xi32, #tpu.memory_space<vmem>> -> memref<128xi32, #tpu.memory_space<vmem>>
        %dma_start3A_127 = arith.constant 0 : i32
        %dma_start3A_128 = arith.constant 0 : i32
        %dma_start3A_129 = tpu.memref_slice %arg16[%dma_start3A_127, %dma_start3A_128] : memref<10240x64xf32, #tpu.memory_space<vmem_shared>> -> memref<10240x64xf32, #tpu.memory_space<vmem_shared>>
        tpu.enqueue_indirect_dma source(%dma_start3A_129 : memref<10240x64xf32, #tpu.memory_space<vmem_shared>>) target(%arg12 : memref<128x64xf32, #tpu.memory_space<vmem>>) offsets(%dma_start3A_126 : memref<128xi32, #tpu.memory_space<vmem>>) semaphore(%arg19 : memref<!tpu.dma_semaphore, #tpu.memory_space<semaphore_mem>>)
      } else {
      }
      "tpu.region"() ({
        %run_scoped3A_122 = tpu.sem_alloc : memref<!tpu.dma_semaphore, #tpu.memory_space<semaphore_mem>>
        %dma_start3A_123 = arith.constant 0 : i32
        %dma_start3A_124 = tpu.memref_slice %arg9[%add3A_80, %dma_start3A_123] : memref<80x128xi32, #tpu.memory_space<vmem>> -> memref<1x128xi32, #tpu.memory_space<vmem>>
        %dma_start3A_125 = tpu.memref_squeeze %dma_start3A_124 : memref<1x128xi32, #tpu.memory_space<vmem>> -> memref<128xi32, #tpu.memory_space<vmem>>
        %dma_start3A_126 = arith.constant 0 : i32
        %dma_start3A_127 = arith.constant 0 : i32
        %dma_start3A_128 = tpu.memref_slice %arg15[%dma_start3A_126, %dma_start3A_127] : memref<10240x64xf32, #tpu.memory_space<vmem_shared>> -> memref<10240x64xf32, #tpu.memory_space<vmem_shared>>
        tpu.enqueue_indirect_dma source(%arg10 : memref<128x64xf32, #tpu.memory_space<vmem>>) target(%dma_start3A_128 : memref<10240x64xf32, #tpu.memory_space<vmem_shared>>) offsets(%dma_start3A_125 : memref<128xi32, #tpu.memory_space<vmem>>) semaphore(%run_scoped3A_122 : memref<!tpu.dma_semaphore, #tpu.memory_space<semaphore_mem>>) {add = true}
        %dma_wait3A_129 = arith.constant 0 : i32
        %dma_wait3A_130 = tpu.memref_slice %arg9[%add3A_80, %dma_wait3A_129] : memref<80x128xi32, #tpu.memory_space<vmem>> -> memref<1x128xi32, #tpu.memory_space<vmem>>
        %dma_wait3A_131 = tpu.memref_squeeze %dma_wait3A_130 : memref<1x128xi32, #tpu.memory_space<vmem>> -> memref<128xi32, #tpu.memory_space<vmem>>
        %dma_wait3A_132 = arith.constant 0 : i32
        %dma_wait3A_133 = arith.constant 0 : i32
        %dma_wait3A_134 = tpu.memref_slice %arg15[%dma_wait3A_132, %dma_wait3A_133] : memref<10240x64xf32, #tpu.memory_space<vmem_shared>> -> memref<10240x64xf32, #tpu.memory_space<vmem_shared>>
        tpu.wait_indirect_dma semaphore(%run_scoped3A_122 : memref<!tpu.dma_semaphore, #tpu.memory_space<semaphore_mem>>) src(%arg10 : memref<128x64xf32, #tpu.memory_space<vmem>>) dst(%dma_wait3A_134 : memref<10240x64xf32, #tpu.memory_space<vmem_shared>>)
        tpu.yield
      }) : () -> ()
      %add3A_91 = arith.constant 1 : i32
      %add3A_92 = arith.addi %mul3A_78, %add3A_91 : i32
      %dma_wait3A_93 = arith.constant 0 : i32
      %dma_wait3A_94 = tpu.memref_slice %arg8[%add3A_92, %dma_wait3A_93] : memref<80x128xi32, #tpu.memory_space<vmem>> -> memref<1x128xi32, #tpu.memory_space<vmem>>
      %dma_wait3A_95 = tpu.memref_squeeze %dma_wait3A_94 : memref<1x128xi32, #tpu.memory_space<vmem>> -> memref<128xi32, #tpu.memory_space<vmem>>
      %dma_wait3A_96 = arith.constant 0 : i32
      %dma_wait3A_97 = arith.constant 0 : i32
      %dma_wait3A_98 = tpu.memref_slice %arg16[%dma_wait3A_96, %dma_wait3A_97] : memref<10240x64xf32, #tpu.memory_space<vmem_shared>> -> memref<10240x64xf32, #tpu.memory_space<vmem_shared>>
      tpu.wait_indirect_dma semaphore(%arg18 : memref<!tpu.dma_semaphore, #tpu.memory_space<semaphore_mem>>) src(%dma_wait3A_98 : memref<10240x64xf32, #tpu.memory_space<vmem_shared>>) dst(%arg11 : memref<128x64xf32, #tpu.memory_space<vmem>>)
      %add3A_99 = arith.constant 2 : i32
      %add3A_100 = arith.addi %add3A_92, %add3A_99 : i32
      %lt3A_101 = arith.constant 80 : i32
      %lt3A_102 = arith.cmpi slt, %add3A_100, %lt3A_101 : i32
      %convert_element_type3A_103 = arith.extui %lt3A_102 : i1 to i32
      %cond3A_104 = arith.constant 0 : i32
      %cond3A_105 = arith.cmpi ne, %convert_element_type3A_103, %cond3A_104 : i32
      scf.if %cond3A_105 {
        %add3A_122 = arith.constant 2 : i32
        %add3A_123 = arith.addi %add3A_92, %add3A_122 : i32
        %dma_start3A_124 = arith.constant 0 : i32
        %dma_start3A_125 = tpu.memref_slice %arg8[%add3A_123, %dma_start3A_124] : memref<80x128xi32, #tpu.memory_space<vmem>> -> memref<1x128xi32, #tpu.memory_space<vmem>>
        %dma_start3A_126 = tpu.memref_squeeze %dma_start3A_125 : memref<1x128xi32, #tpu.memory_space<vmem>> -> memref<128xi32, #tpu.memory_space<vmem>>
        %dma_start3A_127 = arith.constant 0 : i32
        %dma_start3A_128 = arith.constant 0 : i32
        %dma_start3A_129 = tpu.memref_slice %arg16[%dma_start3A_127, %dma_start3A_128] : memref<10240x64xf32, #tpu.memory_space<vmem_shared>> -> memref<10240x64xf32, #tpu.memory_space<vmem_shared>>
        tpu.enqueue_indirect_dma source(%dma_start3A_129 : memref<10240x64xf32, #tpu.memory_space<vmem_shared>>) target(%arg10 : memref<128x64xf32, #tpu.memory_space<vmem>>) offsets(%dma_start3A_126 : memref<128xi32, #tpu.memory_space<vmem>>) semaphore(%arg17 : memref<!tpu.dma_semaphore, #tpu.memory_space<semaphore_mem>>)
      } else {
      }
      "tpu.region"() ({
        %run_scoped3A_122 = tpu.sem_alloc : memref<!tpu.dma_semaphore, #tpu.memory_space<semaphore_mem>>
        %dma_start3A_123 = arith.constant 0 : i32
        %dma_start3A_124 = tpu.memref_slice %arg9[%add3A_92, %dma_start3A_123] : memref<80x128xi32, #tpu.memory_space<vmem>> -> memref<1x128xi32, #tpu.memory_space<vmem>>
        %dma_start3A_125 = tpu.memref_squeeze %dma_start3A_124 : memref<1x128xi32, #tpu.memory_space<vmem>> -> memref<128xi32, #tpu.memory_space<vmem>>
        %dma_start3A_126 = arith.constant 0 : i32
        %dma_start3A_127 = arith.constant 0 : i32
        %dma_start3A_128 = tpu.memref_slice %arg15[%dma_start3A_126, %dma_start3A_127] : memref<10240x64xf32, #tpu.memory_space<vmem_shared>> -> memref<10240x64xf32, #tpu.memory_space<vmem_shared>>
        tpu.enqueue_indirect_dma source(%arg11 : memref<128x64xf32, #tpu.memory_space<vmem>>) target(%dma_start3A_128 : memref<10240x64xf32, #tpu.memory_space<vmem_shared>>) offsets(%dma_start3A_125 : memref<128xi32, #tpu.memory_space<vmem>>) semaphore(%run_scoped3A_122 : memref<!tpu.dma_semaphore, #tpu.memory_space<semaphore_mem>>) {add = true}
        %dma_wait3A_129 = arith.constant 0 : i32
        %dma_wait3A_130 = tpu.memref_slice %arg9[%add3A_92, %dma_wait3A_129] : memref<80x128xi32, #tpu.memory_space<vmem>> -> memref<1x128xi32, #tpu.memory_space<vmem>>
        %dma_wait3A_131 = tpu.memref_squeeze %dma_wait3A_130 : memref<1x128xi32, #tpu.memory_space<vmem>> -> memref<128xi32, #tpu.memory_space<vmem>>
        %dma_wait3A_132 = arith.constant 0 : i32
        %dma_wait3A_133 = arith.constant 0 : i32
        %dma_wait3A_134 = tpu.memref_slice %arg15[%dma_wait3A_132, %dma_wait3A_133] : memref<10240x64xf32, #tpu.memory_space<vmem_shared>> -> memref<10240x64xf32, #tpu.memory_space<vmem_shared>>
        tpu.wait_indirect_dma semaphore(%run_scoped3A_122 : memref<!tpu.dma_semaphore, #tpu.memory_space<semaphore_mem>>) src(%arg11 : memref<128x64xf32, #tpu.memory_space<vmem>>) dst(%dma_wait3A_134 : memref<10240x64xf32, #tpu.memory_space<vmem_shared>>)
        tpu.yield
      }) : () -> ()
      %add3A_106 = arith.constant 2 : i32
      %add3A_107 = arith.addi %mul3A_78, %add3A_106 : i32
      %dma_wait3A_108 = arith.constant 0 : i32
      %dma_wait3A_109 = tpu.memref_slice %arg8[%add3A_107, %dma_wait3A_108] : memref<80x128xi32, #tpu.memory_space<vmem>> -> memref<1x128xi32, #tpu.memory_space<vmem>>
      %dma_wait3A_110 = tpu.memref_squeeze %dma_wait3A_109 : memref<1x128xi32, #tpu.memory_space<vmem>> -> memref<128xi32, #tpu.memory_space<vmem>>
      %dma_wait3A_111 = arith.constant 0 : i32
      %dma_wait3A_112 = arith.constant 0 : i32
      %dma_wait3A_113 = tpu.memref_slice %arg16[%dma_wait3A_111, %dma_wait3A_112] : memref<10240x64xf32, #tpu.memory_space<vmem_shared>> -> memref<10240x64xf32, #tpu.memory_space<vmem_shared>>
      tpu.wait_indirect_dma semaphore(%arg19 : memref<!tpu.dma_semaphore, #tpu.memory_space<semaphore_mem>>) src(%dma_wait3A_113 : memref<10240x64xf32, #tpu.memory_space<vmem_shared>>) dst(%arg12 : memref<128x64xf32, #tpu.memory_space<vmem>>)
      %add3A_114 = arith.constant 2 : i32
      %add3A_115 = arith.addi %add3A_107, %add3A_114 : i32
      %lt3A_116 = arith.constant 80 : i32
      %lt3A_117 = arith.cmpi slt, %add3A_115, %lt3A_116 : i32
      %convert_element_type3A_118 = arith.extui %lt3A_117 : i1 to i32
      %cond3A_119 = arith.constant 0 : i32
      %cond3A_120 = arith.cmpi ne, %convert_element_type3A_118, %cond3A_119 : i32
      scf.if %cond3A_120 {
        %add3A_122 = arith.constant 2 : i32
        %add3A_123 = arith.addi %add3A_107, %add3A_122 : i32
        %dma_start3A_124 = arith.constant 0 : i32
        %dma_start3A_125 = tpu.memref_slice %arg8[%add3A_123, %dma_start3A_124] : memref<80x128xi32, #tpu.memory_space<vmem>> -> memref<1x128xi32, #tpu.memory_space<vmem>>
        %dma_start3A_126 = tpu.memref_squeeze %dma_start3A_125 : memref<1x128xi32, #tpu.memory_space<vmem>> -> memref<128xi32, #tpu.memory_space<vmem>>
        %dma_start3A_127 = arith.constant 0 : i32
        %dma_start3A_128 = arith.constant 0 : i32
        %dma_start3A_129 = tpu.memref_slice %arg16[%dma_start3A_127, %dma_start3A_128] : memref<10240x64xf32, #tpu.memory_space<vmem_shared>> -> memref<10240x64xf32, #tpu.memory_space<vmem_shared>>
        tpu.enqueue_indirect_dma source(%dma_start3A_129 : memref<10240x64xf32, #tpu.memory_space<vmem_shared>>) target(%arg11 : memref<128x64xf32, #tpu.memory_space<vmem>>) offsets(%dma_start3A_126 : memref<128xi32, #tpu.memory_space<vmem>>) semaphore(%arg18 : memref<!tpu.dma_semaphore, #tpu.memory_space<semaphore_mem>>)
      } else {
      }
      "tpu.region"() ({
        %run_scoped3A_122 = tpu.sem_alloc : memref<!tpu.dma_semaphore, #tpu.memory_space<semaphore_mem>>
        %dma_start3A_123 = arith.constant 0 : i32
        %dma_start3A_124 = tpu.memref_slice %arg9[%add3A_107, %dma_start3A_123] : memref<80x128xi32, #tpu.memory_space<vmem>> -> memref<1x128xi32, #tpu.memory_space<vmem>>
        %dma_start3A_125 = tpu.memref_squeeze %dma_start3A_124 : memref<1x128xi32, #tpu.memory_space<vmem>> -> memref<128xi32, #tpu.memory_space<vmem>>
        %dma_start3A_126 = arith.constant 0 : i32
        %dma_start3A_127 = arith.constant 0 : i32
        %dma_start3A_128 = tpu.memref_slice %arg15[%dma_start3A_126, %dma_start3A_127] : memref<10240x64xf32, #tpu.memory_space<vmem_shared>> -> memref<10240x64xf32, #tpu.memory_space<vmem_shared>>
        tpu.enqueue_indirect_dma source(%arg12 : memref<128x64xf32, #tpu.memory_space<vmem>>) target(%dma_start3A_128 : memref<10240x64xf32, #tpu.memory_space<vmem_shared>>) offsets(%dma_start3A_125 : memref<128xi32, #tpu.memory_space<vmem>>) semaphore(%run_scoped3A_122 : memref<!tpu.dma_semaphore, #tpu.memory_space<semaphore_mem>>) {add = true}
        %dma_wait3A_129 = arith.constant 0 : i32
        %dma_wait3A_130 = tpu.memref_slice %arg9[%add3A_107, %dma_wait3A_129] : memref<80x128xi32, #tpu.memory_space<vmem>> -> memref<1x128xi32, #tpu.memory_space<vmem>>
        %dma_wait3A_131 = tpu.memref_squeeze %dma_wait3A_130 : memref<1x128xi32, #tpu.memory_space<vmem>> -> memref<128xi32, #tpu.memory_space<vmem>>
        %dma_wait3A_132 = arith.constant 0 : i32
        %dma_wait3A_133 = arith.constant 0 : i32
        %dma_wait3A_134 = tpu.memref_slice %arg15[%dma_wait3A_132, %dma_wait3A_133] : memref<10240x64xf32, #tpu.memory_space<vmem_shared>> -> memref<10240x64xf32, #tpu.memory_space<vmem_shared>>
        tpu.wait_indirect_dma semaphore(%run_scoped3A_122 : memref<!tpu.dma_semaphore, #tpu.memory_space<semaphore_mem>>) src(%arg12 : memref<128x64xf32, #tpu.memory_space<vmem>>) dst(%dma_wait3A_134 : memref<10240x64xf32, #tpu.memory_space<vmem_shared>>)
        tpu.yield
      }) : () -> ()
      %scan3A_121 = arith.constant 0 : i32
      scf.yield %scan3A_121 : i32
    }
    %scan3A_51 = arith.constant 26 : i32
    %dma_wait3A_52 = arith.constant 78 : i32
    %dma_wait3A_53 = arith.constant 0 : i32
    %dma_wait3A_54 = tpu.memref_slice %arg8[%dma_wait3A_52, %dma_wait3A_53] : memref<80x128xi32, #tpu.memory_space<vmem>> -> memref<1x128xi32, #tpu.memory_space<vmem>>
    %dma_wait3A_55 = tpu.memref_squeeze %dma_wait3A_54 : memref<1x128xi32, #tpu.memory_space<vmem>> -> memref<128xi32, #tpu.memory_space<vmem>>
    %dma_wait3A_56 = arith.constant 0 : i32
    %dma_wait3A_57 = arith.constant 0 : i32
    %dma_wait3A_58 = tpu.memref_slice %arg16[%dma_wait3A_56, %dma_wait3A_57] : memref<10240x64xf32, #tpu.memory_space<vmem_shared>> -> memref<10240x64xf32, #tpu.memory_space<vmem_shared>>
    tpu.wait_indirect_dma semaphore(%arg17 : memref<!tpu.dma_semaphore, #tpu.memory_space<semaphore_mem>>) src(%dma_wait3A_58 : memref<10240x64xf32, #tpu.memory_space<vmem_shared>>) dst(%arg10 : memref<128x64xf32, #tpu.memory_space<vmem>>)
    %run_scoped3A = arith.constant 78 : i32
    "tpu.region"() ({
      %run_scoped3A_75 = tpu.sem_alloc : memref<!tpu.dma_semaphore, #tpu.memory_space<semaphore_mem>>
      %dma_start3A_76 = arith.constant 0 : i32
      %dma_start3A_77 = tpu.memref_slice %arg9[%run_scoped3A, %dma_start3A_76] : memref<80x128xi32, #tpu.memory_space<vmem>> -> memref<1x128xi32, #tpu.memory_space<vmem>>
      %dma_start3A_78 = tpu.memref_squeeze %dma_start3A_77 : memref<1x128xi32, #tpu.memory_space<vmem>> -> memref<128xi32, #tpu.memory_space<vmem>>
      %dma_start3A_79 = arith.constant 0 : i32
      %dma_start3A_80 = arith.constant 0 : i32
      %dma_start3A_81 = tpu.memref_slice %arg15[%dma_start3A_79, %dma_start3A_80] : memref<10240x64xf32, #tpu.memory_space<vmem_shared>> -> memref<10240x64xf32, #tpu.memory_space<vmem_shared>>
      tpu.enqueue_indirect_dma source(%arg10 : memref<128x64xf32, #tpu.memory_space<vmem>>) target(%dma_start3A_81 : memref<10240x64xf32, #tpu.memory_space<vmem_shared>>) offsets(%dma_start3A_78 : memref<128xi32, #tpu.memory_space<vmem>>) semaphore(%run_scoped3A_75 : memref<!tpu.dma_semaphore, #tpu.memory_space<semaphore_mem>>) {add = true}
      %dma_wait3A_82 = arith.constant 0 : i32
      %dma_wait3A_83 = tpu.memref_slice %arg9[%run_scoped3A, %dma_wait3A_82] : memref<80x128xi32, #tpu.memory_space<vmem>> -> memref<1x128xi32, #tpu.memory_space<vmem>>
      %dma_wait3A_84 = tpu.memref_squeeze %dma_wait3A_83 : memref<1x128xi32, #tpu.memory_space<vmem>> -> memref<128xi32, #tpu.memory_space<vmem>>
      %dma_wait3A_85 = arith.constant 0 : i32
      %dma_wait3A_86 = arith.constant 0 : i32
      %dma_wait3A_87 = tpu.memref_slice %arg15[%dma_wait3A_85, %dma_wait3A_86] : memref<10240x64xf32, #tpu.memory_space<vmem_shared>> -> memref<10240x64xf32, #tpu.memory_space<vmem_shared>>
      tpu.wait_indirect_dma semaphore(%run_scoped3A_75 : memref<!tpu.dma_semaphore, #tpu.memory_space<semaphore_mem>>) src(%arg10 : memref<128x64xf32, #tpu.memory_space<vmem>>) dst(%dma_wait3A_87 : memref<10240x64xf32, #tpu.memory_space<vmem_shared>>)
      tpu.yield
    }) : () -> ()
    %dma_wait3A_59 = arith.constant 79 : i32
    %dma_wait3A_60 = arith.constant 0 : i32
    %dma_wait3A_61 = tpu.memref_slice %arg8[%dma_wait3A_59, %dma_wait3A_60] : memref<80x128xi32, #tpu.memory_space<vmem>> -> memref<1x128xi32, #tpu.memory_space<vmem>>
    %dma_wait3A_62 = tpu.memref_squeeze %dma_wait3A_61 : memref<1x128xi32, #tpu.memory_space<vmem>> -> memref<128xi32, #tpu.memory_space<vmem>>
    %dma_wait3A_63 = arith.constant 0 : i32
    %dma_wait3A_64 = arith.constant 0 : i32
    %dma_wait3A_65 = tpu.memref_slice %arg16[%dma_wait3A_63, %dma_wait3A_64] : memref<10240x64xf32, #tpu.memory_space<vmem_shared>> -> memref<10240x64xf32, #tpu.memory_space<vmem_shared>>
    tpu.wait_indirect_dma semaphore(%arg18 : memref<!tpu.dma_semaphore, #tpu.memory_space<semaphore_mem>>) src(%dma_wait3A_65 : memref<10240x64xf32, #tpu.memory_space<vmem_shared>>) dst(%arg11 : memref<128x64xf32, #tpu.memory_space<vmem>>)
    %run_scoped3A_66 = arith.constant 79 : i32
    "tpu.region"() ({
      %run_scoped3A_75 = tpu.sem_alloc : memref<!tpu.dma_semaphore, #tpu.memory_space<semaphore_mem>>
      %dma_start3A_76 = arith.constant 0 : i32
      %dma_start3A_77 = tpu.memref_slice %arg9[%run_scoped3A_66, %dma_start3A_76] : memref<80x128xi32, #tpu.memory_space<vmem>> -> memref<1x128xi32, #tpu.memory_space<vmem>>
      %dma_start3A_78 = tpu.memref_squeeze %dma_start3A_77 : memref<1x128xi32, #tpu.memory_space<vmem>> -> memref<128xi32, #tpu.memory_space<vmem>>
      %dma_start3A_79 = arith.constant 0 : i32
      %dma_start3A_80 = arith.constant 0 : i32
      %dma_start3A_81 = tpu.memref_slice %arg15[%dma_start3A_79, %dma_start3A_80] : memref<10240x64xf32, #tpu.memory_space<vmem_shared>> -> memref<10240x64xf32, #tpu.memory_space<vmem_shared>>
      tpu.enqueue_indirect_dma source(%arg11 : memref<128x64xf32, #tpu.memory_space<vmem>>) target(%dma_start3A_81 : memref<10240x64xf32, #tpu.memory_space<vmem_shared>>) offsets(%dma_start3A_78 : memref<128xi32, #tpu.memory_space<vmem>>) semaphore(%run_scoped3A_75 : memref<!tpu.dma_semaphore, #tpu.memory_space<semaphore_mem>>) {add = true}
      %dma_wait3A_82 = arith.constant 0 : i32
      %dma_wait3A_83 = tpu.memref_slice %arg9[%run_scoped3A_66, %dma_wait3A_82] : memref<80x128xi32, #tpu.memory_space<vmem>> -> memref<1x128xi32, #tpu.memory_space<vmem>>
      %dma_wait3A_84 = tpu.memref_squeeze %dma_wait3A_83 : memref<1x128xi32, #tpu.memory_space<vmem>> -> memref<128xi32, #tpu.memory_space<vmem>>
      %dma_wait3A_85 = arith.constant 0 : i32
      %dma_wait3A_86 = arith.constant 0 : i32
      %dma_wait3A_87 = tpu.memref_slice %arg15[%dma_wait3A_85, %dma_wait3A_86] : memref<10240x64xf32, #tpu.memory_space<vmem_shared>> -> memref<10240x64xf32, #tpu.memory_space<vmem_shared>>
      tpu.wait_indirect_dma semaphore(%run_scoped3A_75 : memref<!tpu.dma_semaphore, #tpu.memory_space<semaphore_mem>>) src(%arg11 : memref<128x64xf32, #tpu.memory_space<vmem>>) dst(%dma_wait3A_87 : memref<10240x64xf32, #tpu.memory_space<vmem_shared>>)
      tpu.yield
    }) : () -> ()
    %barrier3A_67 = arith.constant 0 : index
    tpu.barrier barrier_id(%barrier3A_67)
    %scan3A_68 = arith.constant 0 : i32
    %scan3A_69 = arith.constant 0 : i32
    %scan3A_70 = arith.constant 5 : i32
    %scan3A_71 = arith.addi %scan3A_69, %scan3A_70 : i32
    %scan3A_72 = arith.constant 1 : i32
    %scan3A_73 = scf.for %scan3A_75 = %scan3A_69 to %scan3A_71 step %scan3A_72 iter_args(%scan3A_76 = %scan3A_68) -> (i32)  : i32 {
      %mul3A_77 = arith.constant 640 : i32
      %mul3A_78 = arith.muli %arg1, %mul3A_77 : i32
      %mul3A_79 = arith.constant 128 : i32
      %mul3A_80 = arith.muli %scan3A_75, %mul3A_79 : i32
      %add3A_81 = arith.addi %mul3A_78, %mul3A_80 : i32
      "tpu.region"() ({
        %run_scoped3A_83 = tpu.sem_alloc : memref<!tpu.dma_semaphore, #tpu.memory_space<semaphore_mem>>
        %dma_start3A_84 = arith.constant 0 : i32
        %dma_start3A_85 = tpu.memref_slice %arg15[%add3A_81, %dma_start3A_84] : memref<10240x64xf32, #tpu.memory_space<vmem_shared>> -> memref<128x64xf32, #tpu.memory_space<vmem_shared>>
        %dma_start3A_86 = arith.constant 0 : i32
        %dma_start3A_87 = tpu.memref_slice %arg15[%add3A_81, %dma_start3A_86] : memref<10240x64xf32, #tpu.memory_space<vmem_shared>> -> memref<128x64xf32, #tpu.memory_space<vmem_shared>>
        tpu.enqueue_dma source(%dma_start3A_87 : memref<128x64xf32, #tpu.memory_space<vmem_shared>>) target(%arg10 : memref<128x64xf32, #tpu.memory_space<vmem>>) target_semaphore(%run_scoped3A_83 : memref<!tpu.dma_semaphore, #tpu.memory_space<semaphore_mem>>)
        %dma_wait3A_88 = arith.constant 0 : i32
        %dma_wait3A_89 = tpu.memref_slice %arg15[%add3A_81, %dma_wait3A_88] : memref<10240x64xf32, #tpu.memory_space<vmem_shared>> -> memref<128x64xf32, #tpu.memory_space<vmem_shared>>
        %dma_wait3A_90 = arith.constant 0 : i32
        %dma_wait3A_91 = tpu.memref_slice %arg15[%add3A_81, %dma_wait3A_90] : memref<10240x64xf32, #tpu.memory_space<vmem_shared>> -> memref<128x64xf32, #tpu.memory_space<vmem_shared>>
        tpu.wait_dma2 semaphore(%run_scoped3A_83 : memref<!tpu.dma_semaphore, #tpu.memory_space<semaphore_mem>>) src(%dma_wait3A_91 : memref<128x64xf32, #tpu.memory_space<vmem_shared>>) dst(%arg10 : memref<128x64xf32, #tpu.memory_space<vmem>>)
        tpu.yield
      }) : () -> ()
      "tpu.region"() ({
        %run_scoped3A_83 = tpu.sem_alloc : memref<!tpu.dma_semaphore, #tpu.memory_space<semaphore_mem>>
        %dma_start3A_84 = arith.constant 0 : i32
        %dma_start3A_85 = tpu.memref_slice %arg6[%arg0, %add3A_81, %dma_start3A_84] : memref<2x10240x64xf32, #tpu.memory_space<hbm>> -> memref<1x128x64xf32, #tpu.memory_space<hbm>>
        %dma_start3A_86 = tpu.memref_squeeze %dma_start3A_85 : memref<1x128x64xf32, #tpu.memory_space<hbm>> -> memref<128x64xf32, #tpu.memory_space<hbm>>
        %dma_start3A_87 = arith.constant 0 : i32
        %dma_start3A_88 = tpu.memref_slice %arg6[%arg0, %add3A_81, %dma_start3A_87] : memref<2x10240x64xf32, #tpu.memory_space<hbm>> -> memref<1x128x64xf32, #tpu.memory_space<hbm>>
        %dma_start3A_89 = tpu.memref_squeeze %dma_start3A_88 : memref<1x128x64xf32, #tpu.memory_space<hbm>> -> memref<128x64xf32, #tpu.memory_space<hbm>>
        tpu.enqueue_dma source(%arg10 : memref<128x64xf32, #tpu.memory_space<vmem>>) target(%dma_start3A_89 : memref<128x64xf32, #tpu.memory_space<hbm>>) target_semaphore(%run_scoped3A_83 : memref<!tpu.dma_semaphore, #tpu.memory_space<semaphore_mem>>)
        %dma_wait3A_90 = arith.constant 0 : i32
        %dma_wait3A_91 = tpu.memref_slice %arg6[%arg0, %add3A_81, %dma_wait3A_90] : memref<2x10240x64xf32, #tpu.memory_space<hbm>> -> memref<1x128x64xf32, #tpu.memory_space<hbm>>
        %dma_wait3A_92 = tpu.memref_squeeze %dma_wait3A_91 : memref<1x128x64xf32, #tpu.memory_space<hbm>> -> memref<128x64xf32, #tpu.memory_space<hbm>>
        %dma_wait3A_93 = arith.constant 0 : i32
        %dma_wait3A_94 = tpu.memref_slice %arg6[%arg0, %add3A_81, %dma_wait3A_93] : memref<2x10240x64xf32, #tpu.memory_space<hbm>> -> memref<1x128x64xf32, #tpu.memory_space<hbm>>
        %dma_wait3A_95 = tpu.memref_squeeze %dma_wait3A_94 : memref<1x128x64xf32, #tpu.memory_space<hbm>> -> memref<128x64xf32, #tpu.memory_space<hbm>>
        tpu.wait_dma2 semaphore(%run_scoped3A_83 : memref<!tpu.dma_semaphore, #tpu.memory_space<semaphore_mem>>) src(%arg10 : memref<128x64xf32, #tpu.memory_space<vmem>>) dst(%dma_wait3A_95 : memref<128x64xf32, #tpu.memory_space<hbm>>)
        tpu.yield
      }) : () -> ()
      %scan3A_82 = arith.constant 0 : i32
      scf.yield %scan3A_82 : i32
    }
    %scan3A_74 = arith.constant 5 : i32
    return
  }
}

module attributes {stable_mosaic.version = 14 : i64} {
  func.func @_tc0_body(%arg0: i32, %arg1: memref<512x128xf32, #tpu.memory_space<vmem>>, %arg2: memref<128x64xf32, #tpu.memory_space<vmem>>, %arg3: memref<512x64xf32, #tpu.memory_space<vmem>>) attributes {dimension_semantics = [#tpu.dimension_semantics<arbitrary>], iteration_bounds = array<i64: 20>, scalar_prefetch = 0 : i64, scratch_operands = 0 : i64, tpu.core_type = #tpu.core_type<tc>, window_params = [{transform_indices = @transform_0, window_bounds = array<i64: 512, 128>}, {pipeline_mode = #tpu.pipeline_mode<synchronous>, transform_indices = @transform_1, window_bounds = array<i64: 128, 64>}, {transform_indices = @transform_2, window_bounds = array<i64: 512, 64>}]} {
    %get3A = arith.constant 0 : index
    %get3A_0 = arith.constant 0 : index
    %get3A_1 = vector.load %arg1[%get3A, %get3A_0] : memref<512x128xf32, #tpu.memory_space<vmem>>, vector<512x128xf32>
    %get3A_2 = arith.constant 0 : index
    %get3A_3 = arith.constant 0 : index
    %get3A_4 = vector.load %arg2[%get3A_2, %get3A_3] : memref<128x64xf32, #tpu.memory_space<vmem>>, vector<128x64xf32>
    %dot_general3A = arith.constant dense<0.000000e+00> : vector<512x64xf32>
    %dot_general3A_5 = tpu.matmul %get3A_1, %get3A_4, %dot_general3A {dimension_numbers = #tpu.dot_dimension_numbers<[1], [0], [0], [1], [0, 0, 1, 1], [], []>, transpose_lhs_hint = false} : vector<512x128xf32>, vector<128x64xf32>, vector<512x64xf32> -> vector<512x64xf32>
    %swap3A = arith.constant 0 : index
    %swap3A_6 = arith.constant 0 : index
    %swap3A_7 = vector.load %arg3[%swap3A, %swap3A_6] : memref<512x64xf32, #tpu.memory_space<vmem>>, vector<512x64xf32>
    tpu.vector_store %arg3[%swap3A, %swap3A_6], %dot_general3A_5 {strides = array<i32>} : memref<512x64xf32, #tpu.memory_space<vmem>>, vector<512x64xf32>,
    return
  }
  func.func @transform_0(%arg0: i32) -> (i32, i32) {
    %c0_i32 = arith.constant 0 : i32
    %c0_i32_0 = arith.constant 0 : i32
    return %arg0, %c0_i32 : i32, i32
  }
  func.func @transform_1(%arg0: i32) -> (i32, i32) {
    %c0_i32 = arith.constant 0 : i32
    %c0_i32_0 = arith.constant 0 : i32
    %c0_i32_1 = arith.constant 0 : i32
    return %c0_i32, %c0_i32_0 : i32, i32
  }
  func.func @transform_2(%arg0: i32) -> (i32, i32) {
    %c0_i32 = arith.constant 0 : i32
    %c0_i32_0 = arith.constant 0 : i32
    return %arg0, %c0_i32 : i32, i32
  }
}

module attributes {stable_mosaic.version = 14 : i64} {
  func.func @_tc2_body(%arg0: i32, %arg1: memref<2x512x64xf32, #tpu.memory_space<vmem>>, %arg2: memref<512x64xf32, #tpu.memory_space<vmem>>, %arg3: memref<512x16xf32, #tpu.memory_space<vmem>>, %arg4: memref<1x64xf32, #tpu.memory_space<vmem>>, %arg5: memref<64x64xf32, #tpu.memory_space<vmem>>, %arg6: memref<512x64xf32, #tpu.memory_space<vmem>>) attributes {dimension_semantics = [#tpu.dimension_semantics<arbitrary>], iteration_bounds = array<i64: 20>, scalar_prefetch = 0 : i64, scratch_operands = 0 : i64, tpu.core_type = #tpu.core_type<tc>, window_params = [{transform_indices = @transform_0, window_bounds = array<i64: 2, 512, 64>}, {transform_indices = @transform_1, window_bounds = array<i64: 512, 64>}, {transform_indices = @transform_2, window_bounds = array<i64: 512, 16>}, {pipeline_mode = #tpu.pipeline_mode<synchronous>, transform_indices = @transform_3, window_bounds = array<i64: 1, 64>}, {pipeline_mode = #tpu.pipeline_mode<synchronous>, transform_indices = @transform_4, window_bounds = array<i64: 64, 64>}, {transform_indices = @transform_5, window_bounds = array<i64: 512, 64>}]} {
    %get3A = arith.constant 0 : index
    %get3A_0 = arith.constant 0 : index
    %get3A_1 = vector.load %arg3[%get3A, %get3A_0] : memref<512x16xf32, #tpu.memory_space<vmem>>, vector<512x1xf32>
    %get3A_2 = arith.constant 0 : index
    %get3A_3 = arith.constant 0 : index
    %get3A_4 = arith.constant 0 : index
    %get3A_5 = vector.load %arg1[%get3A_2, %get3A_3, %get3A_4] : memref<2x512x64xf32, #tpu.memory_space<vmem>>, vector<1x512x64xf32>
    %get3A_6 = vector.shape_cast %get3A_5 : vector<1x512x64xf32> to vector<512x64xf32>
    %get3A_7 = arith.constant 1 : index
    %get3A_8 = arith.constant 0 : index
    %get3A_9 = arith.constant 0 : index
    %get3A_10 = vector.load %arg1[%get3A_7, %get3A_8, %get3A_9] : memref<2x512x64xf32, #tpu.memory_space<vmem>>, vector<1x512x64xf32>
    %get3A_11 = vector.shape_cast %get3A_10 : vector<1x512x64xf32> to vector<512x64xf32>
    %add3A = arith.addf %get3A_6, %get3A_11 : vector<512x64xf32>
    %mul3A = vector.broadcast %get3A_1 : vector<512x1xf32> to vector<512x64xf32>
    %mul3A_12 = arith.mulf %mul3A, %add3A : vector<512x64xf32>
    %mul3A_13 = arith.mulf %get3A_1, %get3A_1 : vector<512x1xf32>
    %get3A_14 = arith.constant 0 : index
    %get3A_15 = arith.constant 0 : index
    %get3A_16 = vector.load %arg2[%get3A_14, %get3A_15] : memref<512x64xf32, #tpu.memory_space<vmem>>, vector<512x64xf32>
    %mul3A_17 = vector.broadcast %mul3A_13 : vector<512x1xf32> to vector<512x64xf32>
    %mul3A_18 = arith.mulf %mul3A_17, %get3A_16 : vector<512x64xf32>
    %add3A_19 = arith.addf %mul3A_12, %mul3A_18 : vector<512x64xf32>
    %get3A_20 = arith.constant 0 : index
    %get3A_21 = arith.constant 0 : index
    %get3A_22 = vector.load %arg4[%get3A_20, %get3A_21] : memref<1x64xf32, #tpu.memory_space<vmem>>, vector<1x64xf32>
    %add3A_23 = vector.broadcast %get3A_22 : vector<1x64xf32> to vector<512x64xf32>
    %add3A_24 = arith.addf %add3A_19, %add3A_23 : vector<512x64xf32>
    %max3A = arith.constant 0.000000e+00 : f32
    %max3A_25 = vector.broadcast %max3A : f32 to vector<512x64xf32>
    %max3A_26 = arith.maximumf %add3A_24, %max3A_25 : vector<512x64xf32>
    %get3A_27 = arith.constant 0 : index
    %get3A_28 = arith.constant 0 : index
    %get3A_29 = vector.load %arg5[%get3A_27, %get3A_28] : memref<64x64xf32, #tpu.memory_space<vmem>>, vector<64x64xf32>
    %dot_general3A = arith.constant dense<0.000000e+00> : vector<512x64xf32>
    %dot_general3A_30 = tpu.matmul %max3A_26, %get3A_29, %dot_general3A {dimension_numbers = #tpu.dot_dimension_numbers<[1], [0], [0], [1], [0, 0, 1, 1], [], []>, transpose_lhs_hint = false} : vector<512x64xf32>, vector<64x64xf32>, vector<512x64xf32> -> vector<512x64xf32>
    %swap3A = arith.constant 0 : index
    %swap3A_31 = arith.constant 0 : index
    %swap3A_32 = vector.load %arg6[%swap3A, %swap3A_31] : memref<512x64xf32, #tpu.memory_space<vmem>>, vector<512x64xf32>
    tpu.vector_store %arg6[%swap3A, %swap3A_31], %dot_general3A_30 {strides = array<i32>} : memref<512x64xf32, #tpu.memory_space<vmem>>, vector<512x64xf32>,
    return
  }
  func.func @transform_0(%arg0: i32) -> (i32, i32, i32) {
    %c0_i32 = arith.constant 0 : i32
    %c0_i32_0 = arith.constant 0 : i32
    %c0_i32_1 = arith.constant 0 : i32
    return %c0_i32, %arg0, %c0_i32_0 : i32, i32, i32
  }
  func.func @transform_1(%arg0: i32) -> (i32, i32) {
    %c0_i32 = arith.constant 0 : i32
    %c0_i32_0 = arith.constant 0 : i32
    return %arg0, %c0_i32 : i32, i32
  }
  func.func @transform_2(%arg0: i32) -> (i32, i32) {
    %c0_i32 = arith.constant 0 : i32
    %c0_i32_0 = arith.constant 0 : i32
    return %arg0, %c0_i32 : i32, i32
  }
  func.func @transform_3(%arg0: i32) -> (i32, i32) {
    %c0_i32 = arith.constant 0 : i32
    %c0_i32_0 = arith.constant 0 : i32
    %c0_i32_1 = arith.constant 0 : i32
    return %c0_i32, %c0_i32_0 : i32, i32
  }
  func.func @transform_4(%arg0: i32) -> (i32, i32) {
    %c0_i32 = arith.constant 0 : i32
    %c0_i32_0 = arith.constant 0 : i32
    %c0_i32_1 = arith.constant 0 : i32
    return %c0_i32, %c0_i32_0 : i32, i32
  }
  func.func @transform_5(%arg0: i32) -> (i32, i32) {
    %c0_i32 = arith.constant 0 : i32
    %c0_i32_0 = arith.constant 0 : i32
    return %arg0, %c0_i32 : i32, i32
  }
}

module attributes {stable_mosaic.version = 14 : i64} {
  func.func @_tc3_body(%arg0: memref<2x10240x64xf32, #tpu.memory_space<vmem>>, %arg1: memref<10240x64xf32, #tpu.memory_space<vmem>>, %arg2: memref<10240x16xf32, #tpu.memory_space<vmem>>, %arg3: memref<1x64xf32, #tpu.memory_space<vmem>>, %arg4: memref<10240x1xi32, #tpu.memory_space<vmem>>, %arg5: memref<64x32xf32, #tpu.memory_space<vmem>>, %arg6: memref<1x32xf32, #tpu.memory_space<vmem>>, %arg7: memref<32x2xf32, #tpu.memory_space<vmem>>, %arg8: memref<1x2xf32, #tpu.memory_space<vmem>>, %arg9: memref<64x2xf32, #tpu.memory_space<vmem>>) attributes {dimension_semantics = [], scalar_prefetch = 0 : i64, scratch_operands = 0 : i64, tpu.core_type = #tpu.core_type<tc>} {
    %get3A = arith.constant 0 : index
    %get3A_0 = arith.constant 0 : index
    %get3A_1 = vector.load %arg2[%get3A, %get3A_0] : memref<10240x16xf32, #tpu.memory_space<vmem>>, vector<10240x1xf32>
    %get3A_2 = arith.constant 0 : index
    %get3A_3 = arith.constant 0 : index
    %get3A_4 = arith.constant 0 : index
    %get3A_5 = vector.load %arg0[%get3A_2, %get3A_3, %get3A_4] : memref<2x10240x64xf32, #tpu.memory_space<vmem>>, vector<1x10240x64xf32>
    %get3A_6 = vector.shape_cast %get3A_5 : vector<1x10240x64xf32> to vector<10240x64xf32>
    %get3A_7 = arith.constant 1 : index
    %get3A_8 = arith.constant 0 : index
    %get3A_9 = arith.constant 0 : index
    %get3A_10 = vector.load %arg0[%get3A_7, %get3A_8, %get3A_9] : memref<2x10240x64xf32, #tpu.memory_space<vmem>>, vector<1x10240x64xf32>
    %get3A_11 = vector.shape_cast %get3A_10 : vector<1x10240x64xf32> to vector<10240x64xf32>
    %add3A = arith.addf %get3A_6, %get3A_11 : vector<10240x64xf32>
    %mul3A = vector.broadcast %get3A_1 : vector<10240x1xf32> to vector<10240x64xf32>
    %mul3A_12 = arith.mulf %mul3A, %add3A : vector<10240x64xf32>
    %mul3A_13 = arith.mulf %get3A_1, %get3A_1 : vector<10240x1xf32>
    %get3A_14 = arith.constant 0 : index
    %get3A_15 = arith.constant 0 : index
    %get3A_16 = vector.load %arg1[%get3A_14, %get3A_15] : memref<10240x64xf32, #tpu.memory_space<vmem>>, vector<10240x64xf32>
    %mul3A_17 = vector.broadcast %mul3A_13 : vector<10240x1xf32> to vector<10240x64xf32>
    %mul3A_18 = arith.mulf %mul3A_17, %get3A_16 : vector<10240x64xf32>
    %add3A_19 = arith.addf %mul3A_12, %mul3A_18 : vector<10240x64xf32>
    %get3A_20 = arith.constant 0 : index
    %get3A_21 = arith.constant 0 : index
    %get3A_22 = vector.load %arg3[%get3A_20, %get3A_21] : memref<1x64xf32, #tpu.memory_space<vmem>>, vector<1x64xf32>
    %add3A_23 = vector.broadcast %get3A_22 : vector<1x64xf32> to vector<10240x64xf32>
    %add3A_24 = arith.addf %add3A_19, %add3A_23 : vector<10240x64xf32>
    %max3A = arith.constant 0.000000e+00 : f32
    %max3A_25 = vector.broadcast %max3A : f32 to vector<10240x64xf32>
    %max3A_26 = arith.maximumf %add3A_24, %max3A_25 : vector<10240x64xf32>
    %iota3A = tpu.iota {dimensions = array<i32: 1>} : vector<1x64xi32>
    %get3A_27 = arith.constant 0 : index
    %get3A_28 = arith.constant 0 : index
    %get3A_29 = vector.load %arg4[%get3A_27, %get3A_28] : memref<10240x1xi32, #tpu.memory_space<vmem>>, vector<10240x1xi32>
    %eq3A = vector.broadcast %get3A_29 : vector<10240x1xi32> to vector<10240x64xi32>
    %eq3A_30 = vector.broadcast %iota3A : vector<1x64xi32> to vector<10240x64xi32>
    %eq3A_31 = arith.cmpi eq, %eq3A, %eq3A_30 : vector<10240x64xi32>
    %convert_element_type3A = arith.extui %eq3A_31 : vector<10240x64xi1> to vector<10240x64xi32>
    %convert_element_type3A_32 = arith.sitofp %convert_element_type3A : vector<10240x64xi32> to vector<10240x64xf32>
    %dot_general3A = arith.constant dense<0.000000e+00> : vector<64x64xf32>
    %dot_general3A_33 = tpu.matmul %convert_element_type3A_32, %max3A_26, %dot_general3A {dimension_numbers = #tpu.dot_dimension_numbers<[0], [0], [1], [1], [0, 1, 1, 1], [], []>, transpose_lhs_hint = false} : vector<10240x64xf32>, vector<10240x64xf32>, vector<64x64xf32> -> vector<64x64xf32>
    %reduce_sum3A = arith.constant dense<0.000000e+00> : vector<64xf32>
    %reduce_sum3A_34 = vector.multi_reduction <add>, %convert_element_type3A_32, %reduce_sum3A [0] : vector<10240x64xf32> to vector<64xf32>
    %max3A_35 = arith.constant 1.000000e+00 : f32
    %max3A_36 = vector.broadcast %max3A_35 : f32 to vector<64xf32>
    %max3A_37 = arith.maximumf %reduce_sum3A_34, %max3A_36 : vector<64xf32>
    %broadcast_in_dim3A = vector.shape_cast %max3A_37 : vector<64xf32> to vector<64x1xf32>
    %div3A = vector.broadcast %broadcast_in_dim3A : vector<64x1xf32> to vector<64x64xf32>
    %div3A_38 = arith.divf %dot_general3A_33, %div3A : vector<64x64xf32>
    %get3A_39 = arith.constant 0 : index
    %get3A_40 = arith.constant 0 : index
    %get3A_41 = vector.load %arg5[%get3A_39, %get3A_40] : memref<64x32xf32, #tpu.memory_space<vmem>>, vector<64x32xf32>
    %dot_general3A_42 = arith.constant dense<0.000000e+00> : vector<64x32xf32>
    %dot_general3A_43 = tpu.matmul %div3A_38, %get3A_41, %dot_general3A_42 {dimension_numbers = #tpu.dot_dimension_numbers<[1], [0], [0], [1], [0, 0, 1, 1], [], []>, transpose_lhs_hint = false} : vector<64x64xf32>, vector<64x32xf32>, vector<64x32xf32> -> vector<64x32xf32>
    %get3A_44 = arith.constant 0 : index
    %get3A_45 = arith.constant 0 : index
    %get3A_46 = vector.load %arg6[%get3A_44, %get3A_45] : memref<1x32xf32, #tpu.memory_space<vmem>>, vector<1x32xf32>
    %add3A_47 = vector.broadcast %get3A_46 : vector<1x32xf32> to vector<64x32xf32>
    %add3A_48 = arith.addf %dot_general3A_43, %add3A_47 : vector<64x32xf32>
    %max3A_49 = arith.constant 0.000000e+00 : f32
    %max3A_50 = vector.broadcast %max3A_49 : f32 to vector<64x32xf32>
    %max3A_51 = arith.maximumf %add3A_48, %max3A_50 : vector<64x32xf32>
    %get3A_52 = arith.constant 0 : index
    %get3A_53 = arith.constant 0 : index
    %get3A_54 = vector.load %arg7[%get3A_52, %get3A_53] : memref<32x2xf32, #tpu.memory_space<vmem>>, vector<32x2xf32>
    %dot_general3A_55 = arith.constant dense<0.000000e+00> : vector<64x2xf32>
    %dot_general3A_56 = tpu.matmul %max3A_51, %get3A_54, %dot_general3A_55 {dimension_numbers = #tpu.dot_dimension_numbers<[1], [0], [0], [1], [0, 0, 1, 1], [], []>, transpose_lhs_hint = false} : vector<64x32xf32>, vector<32x2xf32>, vector<64x2xf32> -> vector<64x2xf32>
    %get3A_57 = arith.constant 0 : index
    %get3A_58 = arith.constant 0 : index
    %get3A_59 = vector.load %arg8[%get3A_57, %get3A_58] : memref<1x2xf32, #tpu.memory_space<vmem>>, vector<1x2xf32>
    %add3A_60 = vector.broadcast %get3A_59 : vector<1x2xf32> to vector<64x2xf32>
    %add3A_61 = arith.addf %dot_general3A_56, %add3A_60 : vector<64x2xf32>
    %reduce_max3A = arith.constant dense<0xFF800000> : vector<64xf32>
    %reduce_max3A_62 = vector.multi_reduction <maximumf>, %add3A_61, %reduce_max3A [1] : vector<64x2xf32> to vector<64xf32>
    %broadcast_in_dim3A_63 = vector.shape_cast %reduce_max3A_62 : vector<64xf32> to vector<64x1xf32>
    %sub3A = vector.broadcast %broadcast_in_dim3A_63 : vector<64x1xf32> to vector<64x2xf32>
    %sub3A_64 = arith.subf %add3A_61, %sub3A : vector<64x2xf32>
    %exp3A = math.exp %sub3A_64 : vector<64x2xf32>
    %reduce_sum3A_65 = arith.constant dense<0.000000e+00> : vector<64xf32>
    %reduce_sum3A_66 = vector.multi_reduction <add>, %exp3A, %reduce_sum3A_65 [1] : vector<64x2xf32> to vector<64xf32>
    %broadcast_in_dim3A_67 = vector.shape_cast %reduce_sum3A_66 : vector<64xf32> to vector<64x1xf32>
    %log3A = math.log %broadcast_in_dim3A_67 : vector<64x1xf32>
    %sub3A_68 = vector.broadcast %broadcast_in_dim3A_63 : vector<64x1xf32> to vector<64x2xf32>
    %sub3A_69 = arith.subf %add3A_61, %sub3A_68 : vector<64x2xf32>
    %sub3A_70 = vector.broadcast %log3A : vector<64x1xf32> to vector<64x2xf32>
    %sub3A_71 = arith.subf %sub3A_69, %sub3A_70 : vector<64x2xf32>
    %swap3A = arith.constant 0 : index
    %swap3A_72 = arith.constant 0 : index
    %swap3A_73 = vector.load %arg9[%swap3A, %swap3A_72] : memref<64x2xf32, #tpu.memory_space<vmem>>, vector<64x2xf32>
    tpu.vector_store %arg9[%swap3A, %swap3A_72], %sub3A_71 {strides = array<i32>} : memref<64x2xf32, #tpu.memory_space<vmem>>, vector<64x2xf32>,
    return
  }
}

</mosaic_0001>

<sc_bundles>
// kernel: kernel.11.cloned.1.call-start
scs
__scs_entry_jumppad:
0x0: {  	(pc) =	sbr.rel $0x88, $3  }
0x1: {  	(tag) =	ssettag $0x0;
	lr =	simm.s32 $0x1  }
0x2: {  	[smem:$0x3F96] =	sst lr;
	_ =	strace $0xD0000000  }
0x3: {  	_ = 	snop  }
0x4: {  	_ = 	snop  }
0x5: {  	_ = 	snop  }
0x6: {  	_ = 	snop  }
0x7: {  	_ = 	snop  }
__scs_overlays_trampoline_lowered:
0x8: {  	[smem:$0x3FA5] =	sst s0  }
0x9: {  	[smem:$0x3FA6] =	sst s1  }
0xa: {  	[smem:$0x3FA7] =	sst s2  }
0xb: {  	[smem:$0x3FA8] =	sst s3  }
0xc: {  	[smem:$0x3FA9] =	sst s4  }
0xd: {  	[smem:$0x3FAA] =	sst s5  }
0xe: {  	[smem:$0x3FAB] =	sst s6  }
0xf: {  	[smem:$0x3FAC] =	sst s7  }
0x10: {  	[smem:$0x3FAD] =	sst s8  }
0x11: {  	[smem:$0x3FAE] =	sst s9;
	s0 =	simm.s32 @!p0 $0x0  }
0x12: {  	s1 =	sld [smem:$0x3F94];
	s0 =	simm.s32 @p0 $0x1  }
0x13: {  	[smem:$0x3FAF] =	sst s0;
	s0 =	simm.s32 @!p1 $0x0  }
0x14: {  	s2 =	sld [smem:$0x3F93];
	s0 =	simm.s32 @p1 $0x1  }
0x15: {  	[smem:$0x3FB0] =	sst s0;
	s0 =	simm.s32 @!p2 $0x0  }
0x16: {  	s3 =	sld [smem:$0x3FDB];
	s0 =	simm.s32 @p2 $0x1  }
0x17: {  	s4 =	simm.s32 $0x1BF5;
	[smem:$0x3FB2] =	sst s0  }
0x18: {  	s0 =	sld [smem:$0x3F95];
	_ =	swait.ge [sflag:s4], $0x0  }
0x19: {  	s7 =	sld [smem:$0x3F96]  }
0x1a: {  	s8 =	sadd.s32 $0xFFFFE003, lr  }
0x1b: {  	s9 =	sadd.s32 $0xFFFFFEF7, lr;
	s5 =	simm.s32 $0xFFFFFFFF;
	p2 =	slt.u32 s8, $0xFFFFF086  }
0x1c: {  	p1 =	slt.u32 s9, $0xF7A;
	s5 =	simm.s32 @!p2 $0x0  }
0x1d: {  	s5 =	simm.s32 @p1 $0x1;
	p0 =	seq.s32 s7, s2  }
0x1e: {  	s7 =	smul.u32 @!p0 $0xF7A, s2;
	p2 =	seq.s32 @!p0 s5, $0x0  }
0x1f: {  	s9 =	smul.u32 $0xF7A, s1;
	s8 =	simm.s32 @!p0 $0x1BF5;
	p2 =	por !p2, p0  }
0x20: {  	[sflag:s8] =	ssyncset.s32 @!p0 $0xFFFFF086;
	s6 =	sadd.s32 @!p0 s3, s7;
	s7 =	simm.s32 @!p0 $0x108  }
0x21: {  	s3 =	sadd.s32 s3, s9;
	s6 =	sadd.s32 @!p0 $0x88, s6;
	s7 =	simm.s32 @p2 $0x1082  }
0x22: {  	[simem:s7], [sflag:s8] =	dma.local @!p0 [hbm:s6], $0xF7A  }
0x23: {  	s9 =	sor.u32 $0xD0000000, s2;
	s6 =	simm.s32 $0x108;
	_ =	swait.ge @!p0 [sflag:s8], $0x0  }
0x24: {  	s3 =	sadd.s32 $0x88, s3;
	s6 =	simm.s32 @!p1 $0x1082;
	[sflag:s4] =	ssyncset.s32 $0xFFFFF086  }
0x25: {  	[simem:s6], [sflag:s4] =	dma.local [hbm:s3], $0xF7A  }
0x26: {  	[smem:$0x3F96] =	sst s1;
	(tag) =	ssettag s2;
	_ =	strace s9  }
0x27: {  	s1 =	sld [smem:$0x3FA6]  }
0x28: {  	s2 =	sld [smem:$0x3FA7]  }
0x29: {  	s4 =	sld [smem:$0x3FA9]  }
0x2a: {  	p0 =	seq.s32 s5, $0x0;
	s5 =	sld [smem:$0x3FAA]  }
0x2b: {  	s6 =	sld [smem:$0x3FAB]  }
0x2c: {  	s7 =	sld [smem:$0x3FAC]  }
0x2d: {  	s3 =	simm.s32 $0x108;
	s8 =	sld [smem:$0x3FAD]  }
0x2e: {  	s3 =	simm.s32 @!p0 $0x1082;
	s9 =	sld [smem:$0x3FAE]  }
0x2f: {  	lr =	sadd.s32 s0, s3;
	s0 =	sld [smem:$0x3FA5]  }
0x30: {  	s3 =	sld [smem:$0x3FA8]  }
0x31: {  	[smem:$0x3FB1] =	sst s10  }
0x32: {  	s10 =	sld [smem:$0x3FAF];
	_ =	sdelay $0x3  }
0x33: {  	p0 =	seq.s32 s10, $0x1;
	s10 =	sld [smem:$0x3FB1];
	_ =	sdelay $0x3  }
0x34: {  	[smem:$0x3FB1] =	sst s10  }
0x35: {  	s10 =	sld [smem:$0x3FB0];
	_ =	sdelay $0x3  }
0x36: {  	p1 =	seq.s32 s10, $0x1;
	s10 =	sld [smem:$0x3FB1];
	_ =	sdelay $0x3  }
0x37: {  	[smem:$0x3FB1] =	sst s10  }
0x38: {  	s10 =	sld [smem:$0x3FB2]  }
0x39: {  	_ = 	snop;
	(pc) =	sbr.ind lr, $3  }
0x3a: {  	_ = 	snop  }
0x3b: {  	_ = 	snop  }
0x3c: {  	p2 =	seq.s32 s10, $0x1;
	s10 =	sld [smem:$0x3FB1]  }
0x3d: {  	_ =	shalt  }
0x3e: {  	_ =	shalt  }
0x3f: {  	_ =	shalt  }
0x40: {  	_ =	shalt  }
0x41: {  	_ =	shalt  }
0x42: {  	_ =	shalt  }
0x43: {  	_ =	shalt  }
0x44: {  	_ =	shalt  }
0x45: {  	_ =	shalt  }
0x46: {  	_ =	shalt  }
0x47: {  	_ =	shalt  }
0x48: {  	_ =	shalt  }
0x49: {  	_ =	shalt  }
0x4a: {  	_ =	shalt  }
0x4b: {  	_ =	shalt  }
0x4c: {  	_ =	shalt  }
0x4d: {  	_ =	shalt  }
0x4e: {  	_ =	shalt  }
0x4f: {  	_ =	shalt  }
0x50: {  	_ =	shalt  }
0x51: {  	_ =	shalt  }
0x52: {  	_ =	shalt  }
0x53: {  	_ =	shalt  }
0x54: {  	_ =	shalt  }
0x55: {  	_ =	shalt  }
0x56: {  	_ =	shalt  }
0x57: {  	_ =	shalt  }
0x58: {  	_ =	shalt  }
0x59: {  	_ =	shalt  }
0x5a: {  	_ =	shalt  }
0x5b: {  	_ =	shalt  }
0x5c: {  	_ =	shalt  }
0x5d: {  	_ =	shalt  }
0x5e: {  	_ =	shalt  }
0x5f: {  	_ =	shalt  }
0x60: {  	_ =	shalt  }
0x61: {  	_ =	shalt  }
0x62: {  	_ =	shalt  }
0x63: {  	_ =	shalt  }
0x64: {  	_ =	shalt  }
0x65: {  	_ =	shalt  }
0x66: {  	_ =	shalt  }
0x67: {  	_ =	shalt  }
0x68: {  	_ =	shalt  }
0x69: {  	_ =	shalt  }
0x6a: {  	_ =	shalt  }
0x6b: {  	_ =	shalt  }
0x6c: {  	_ =	shalt  }
0x6d: {  	_ =	shalt  }
0x6e: {  	_ =	shalt  }
0x6f: {  	_ =	shalt  }
0x70: {  	_ =	shalt  }
0x71: {  	_ =	shalt  }
0x72: {  	_ =	shalt  }
0x73: {  	_ =	shalt  }
0x74: {  	_ =	shalt  }
0x75: {  	_ =	shalt  }
0x76: {  	_ =	shalt  }
0x77: {  	_ =	shalt  }
0x78: {  	_ =	shalt  }
0x79: {  	_ =	shalt  }
0x7a: {  	_ =	shalt  }
0x7b: {  	_ =	shalt  }
0x7c: {  	_ =	shalt  }
0x7d: {  	_ =	shalt  }
0x7e: {  	_ =	shalt  }
0x7f: {  	_ =	shalt  }
0x80: {  	_ =	shalt  }
0x81: {  	_ =	shalt  }
0x82: {  	_ =	shalt  }
0x83: {  	_ =	shalt  }
0x84: {  	_ =	shalt  }
0x85: {  	_ =	shalt  }
0x86: {  	_ =	shalt  }
0x87: {  	_ =	shalt  }
.Lfunc_end0:
.L_simem_size_0:
called_computation.1_lowered:
.L_overlay_start_0:
0x88: {  	s2 =	sld [smem:$0x3FD9]  }
0x89: {  	s3 =	sld [smem:$0x3FFE];
	_ =	sdelay $0x1  }
0x8a: {  	s1 =	srdreg.scid  }
0x8b: {  	s0 =	sand.u32 $0x1, s1  }
0x8c: {  	s16 =	sshll.u32 s0, $0xA;
	s2 =	sadd.s32 s3, s2  }
0x8d: {  	s2 =	sadd.s32 s2, s16  }
0x8e: {  	[smem:$0x3FBD] =	sst s2  }
0x8f: {  	_ = 	snop  }
0x90: {  	(tm) =	ssettm $0x1  }
0x91: {  	s17 =	sld [smem:$0x3FFB];
	_ =	sdelay $0x3  }
0x92: {  	_ =	strace s17  }
0x93: {  	s2 =	sld [smem:$0x3FFC];
	_ =	sdelay $0x3  }
0x94: {  	_ =	strace s2  }
0x95: {  	s2 =	sld [smem:$0x3FFD];
	_ =	sdelay $0x3  }
0x96: {  	_ =	strace s2  }
0x97: {  	_ =	strace $0x8FFFFFFF  }
0x98: {  	s18 =	sld [smem:$0x3FDB];
	_ =	sdelay $0x1  }
0x99: {  	s19 =	simm.s32 $_scs_section_size  }
0x9a: {  	s4 =	simm.s32 $_size__tile_overlayer_lowered;
	s5 =	simm.s32 $_tile_overlayer_lowered  }
0x9b: {  	s22 =	simm.s32 $0x1BFF;
	s21 =	sshll.u32 s5, $0x1;
	s2 =	sadd.s32 s19, s18  }
0x9c: {  	s6 =	simm.s32 $0x0;
	s20 =	sshll.u32 s4, $0x1;
	s4 =	sadd.s32 s21, s2  }
0x9d: {  	[timem:s6], [sflag:s22] =	dma.local [hbm:s4], s20  }
0x9e: {  	_ =	swait.ge [sflag:s22], s20  }
0x9f: {  	s3 =	ssub.s32 $0x0, s20;
	[sflag:s22] =	ssyncset.done $0x0  }
0xa0: {  	[sflag:s22] =	ssyncadd.s32 s3;
	_ =	sdelay $0x1  }
0xa1: {  	s23 =	simm.s32 $0x1B8B  }
0xa2: {  	_ =	swait.ge [sflag:s23], $0x1  }
0xa3: {  	[sflag:s23] =	ssyncset.done $0x0  }
0xa4: {  	s25 =	simm.s32 $0x1B8E;
	s24 =	sld [smem:$0x3FFE];
	[sflag:s23] =	ssyncadd.s32 $0xFFFFFFFF  }
0xa5: {  	s26 =	simm.s32 $execute0_lowered;
	[smem:$0x3FD2] =	sst s25  }
0xa6: {  	s4 =	sshll.u32 s26, $0x1;
	_ =	strace $0x80000049;
	[dreg:$0x1] =	wrdreg $0xFFFFFFFF  }
0xa7: {  	s28 =	simm.s32 $_size_execute0_lowered;
	s2 =	sadd.s32 s2, s4;
	[dreg:$0x0] =	wrdreg $0x0  }
0xa8: {  	s4 =	sshll.u32 s28, $0x1;
	[dreg:$0x2] =	wrdreg s2  }
0xa9: {  	[dreg:$0x3] =	wrdreg s4  }
0xaa: {  	[dreg:$0x4] =	wrdreg $0xC0  }
0xab: {  	_ =	task [dreg:s6], $0x5FFFF  }
0xac: {  	[dreg:$0x1] =	wrdreg $0xFFFFFFFF  }
0xad: {  	[dreg:$0x0] =	wrdreg $0x60  }
0xae: {  	[dreg:$0x2] =	wrdreg s24  }
0xaf: {  	[dreg:$0x3] =	wrdreg $0xC0000  }
0xb0: {  	[dreg:$0x4] =	wrdreg $0x160000  }
0xb1: {  	[dreg:$0x5] =	wrdreg $0x9  }
0xb2: {  	_ =	task.clear_ibuf [dreg:s6], $0x6FFFF;
	_ =	strace $0x90000049  }
0xb3: {  	s29 =	simm.s32 $0x9;
	_ =	strace $0x8000004B  }
0xb4: {  	_ =	swait.ge [sflag:s29], $0x1  }
0xb5: {  	[sflag:s29] =	ssyncadd.s32 $0xFFFFFFFF  }
0xb6: {  	_ =	strace $0x9000004B  }
0xb7: {  	_ =	sfence  }
0xb8: {  	s30 =	sld [smem:$0x0];
	_ =	sdelay $0x2  }
0xb9: {  	s31 =	sshll.u32 s1, $0xD;
	s1 =	sshrl.u32 s1, $0x2  }
0xba: {  	s3 =	sand.u32 $0x4000, s31;
	s1 =	sadd.s32 s1, s30  }
0xbb: {  	s0 =	sor.u32 s3, s0;
	s1 =	sshll.u32 s1, $0x11  }
0xbc: {  	s0 =	sor.u32 s1, s0  }
0xbd: {  	s0 =	sadd.s32 $0x8F2B, s0  }
0xbe: {  	[sflag:s0] =	ssyncadd.remote.s32 $0x1  }
0xbf: {  	_ =	sfence.sel $0xFFFF  }
0xc0: {  	[dreg:$0x0] =	wrdreg $0xFFFFFFFF;
	(pc) =	sbr.abs _section_cstart, $3  }
0xc1: {  	[dreg:$0x1] =	wrdreg $0xFFFFFFFF  }
0xc2: {  	_ =	task.clear_ibuf [dreg:s6], $0x2FFFF;
	_ =	strace $0x9FFFFFFF  }
0xc3: {  	(tm) =	ssettm $0x7FFFFFFF  }
tec
execute0_lowered:
.L_overlay_start_1:
0x0: {  	(tag) =	ssettag $0x1  }
0x1: {  	s1 =	rddreg [dreg:$0x0]  }
0x2: {  	s0 =	srdreg.scid;
	s2 =	rddreg [dreg:$0x1]  }
0x3: {  	s11 =	stileid.u32;
	s3 =	rddreg [dreg:$0x2];
	s28 =	simm.s32 $0xB800  }
0x4: {  	s29 =	simm.s32 $0x5000;
	s30 =	simm.s32 $0x1;
	s31 =	simm.s32 $0x2  }
0x5: {  	s0 =	sand.u32 $0x1, s0;
	s6 =	sadd.s32 $0xC400, s1;
	s12 =	sadd.s32 $0x34400, s1  }
0x6: {  	s13 =	smul.u32 $0xA000, s11;
	s7 =	sadd.s32 $0x5C400, s1;
	s4 =	sshll.u32 s0, $0x4  }
0x7: {  	s9 =	ssub.s32 $0x2, s0;
	s14 =	smul.u32 $0xA0000, s0;
	p0 =	sne.s32 s0, $0x0  }
0x8: {  	s0 =	simm.s32 $0x9000;
	s5 =	sor.u32 s11, s4;
	s4 =	simm.s32 $0x0  }
0x9: {  	s10 =	sshrl.u32 s9, $0x1;
	s17 =	sadd.s32 $0x2000, s13;
	s20 =	sadd.s32 $0x4000, s13  }
0xa: {  	s22 =	sadd.s32 $0x6000, s13;
	s5 =	smul.u32 $0x500, s5;
	[smem:$0x7FF] =	sst s4  }
0xb: {  	s9 =	ssub.s32 s9, s10;
	s10 =	smul.u32 $0x280, s11;
	s11 =	sadd.s32 $0x11400, s1  }
0xc: {  	s16 =	sadd.s32 s14, s13;
	s18 =	sadd.s32 s14, s17;
	s21 =	sadd.s32 s20, s2  }
0xd: {  	s23 =	sadd.s32 s14, s22;
	_ =	strace $0x8000004A;
	s9 =	smax.u32 s9, $0x1  }
0xe: {  	s19 =	sshrl.u32 s18, $0x3;
	[dreg:$0xb] =	wrdreg s21;
	s8 =	sadd.s32 s5, s1  }
0xf: {  	s5 =	sadd.s32 $0x20400, s1;
	[dreg:$0x7] =	wrdreg s9;
	s15 =	sadd.s32 $0x16400, s8  }
0x10: {  	s1 =	sshrl.u32 s16, $0x3;
	s8 =	sadd.s32 $0x2400, s8;
	[dreg:$0x4] =	wrdreg s15  }
0x11: {  	s24 =	sshrl.u32 s23, $0x3;
	s1 =	sadd.s32 s12, s1;
	[dreg:$0x5] =	wrdreg s8  }
0x12: {  	s23 =	simm.s32 $0x4;
	s15 =	sadd.s32 s13, s2;
	[dreg:$0x8] =	wrdreg s1  }
0x13: {  	s9 =	simm.s32 $0x0;
	s8 =	sadd.s32 s17, s2;
	[dreg:$0x6] =	wrdreg s15  }
0x14: {  	s1 =	sadd.s32 s12, s19;
	s13 =	sadd.s32 $0x8000, s13;
	[dreg:$0x9] =	wrdreg s8  }
0x15: {  	[dreg:$0xa] =	wrdreg s1;
	s1 =	sadd.s32 s14, s20;
	s25 =	sadd.s32 s14, s13  }
0x16: {  	s8 =	sadd.s32 s22, s2;
	s21 =	sadd.s32 s13, s2;
	s1 =	sshrl.u32 s1, $0x3  }
0x17: {  	[dreg:$0xd] =	wrdreg s8;
	s26 =	sshrl.u32 s25, $0x3;
	s25 =	simm.s32 $0x5  }
0x18: {  	s8 =	simm.s32 $0x3;
	s1 =	sadd.s32 s12, s1;
	s22 =	sadd.s32 s12, s26  }
0x19: {  	s26 =	simm.s32 $0xB000;
	[dreg:$0xc] =	wrdreg s1;
	s1 =	sadd.s32 s12, s24  }
0x1a: {  	v0 =	vimm.f32 $0.0e+00;
	s24 =	simm.s32 $0x7000;
	[dreg:$0xe] =	wrdreg s1;
	s1 =	simm.s32 $0x80  }
.LBB2_1:
0x1b: {  	s12 =	rddreg [dreg:$0x4]  }
0x1c: {  	[tilespmem:s4], [sflag:$0x1] =	stream.linear.gather [hbm4b:s12+s4], $0x2800, $0x38;
	v63 =	vld [tilespmem:$0x0]  }
0x1d: {  	s20 =	rddreg [dreg:$0x5];
	s13 =	simm.s32 $0x2800  }
0x1e: {  	[tilespmem:s13], [sflag:$0x2] =	stream.linear.gather [hbm4b:s20+s4], $0x2800, $0x38;
	v63 =	vld [tilespmem:$0x0]  }
0x1f: {  	s12 =	simm.s32 $0x100;
	s13 =	simm.s32 $0x0  }
.LBB2_2:
0x20: {  	p1 =	sne.s32 s12, $0x7F00;
	[tilespmem:s13+$0x7030] =	vst v0;
	s14 =	smov.u32 s12;
	s12 =	sadd.s32 $0x100, s12  }
.Ltmp0:
0x21: {  	[tilespmem:s13+$0x7020] =	vst v0;
	(pc) =	sbr.rel @p1 .LBB2_2-.Ltmp0, $3  }
0x22: {  	[tilespmem:s13+$0x7000] =	vst v0  }
0x23: {  	[tilespmem:s13+$0x7010] =	vst v0;
	_ =	sdelay $0x1  }
0x24: {  	s13 =	sshra.s32 s14, $0x2  }
0x25: {  	[tilespmem:s13+$0x7030] =	vst v0  }
0x26: {  	[tilespmem:s13+$0x7020] =	vst v0  }
0x27: {  	[tilespmem:s13+$0x7000] =	vst v0  }
0x28: {  	s12 =	simm.s32 $0x0;
	[tilespmem:s13+$0x7010] =	vst v0;
	s13 =	simm.s32 $0x0  }
.LBB2_4:
0x29: {  	s14 =	sshll.u32 s13, $0x7  }
0x2a: {  	s16 =	sadd.s32 s10, s14  }
0x2b: {  	s14 =	sshll.u32 s16, $0x6  }
0x2c: {  	s15 =	sadd.s32 s14, s2  }
0x2d: {  	[spmem:s15] =	stream.linear.scatter [tilespmem:s24], [sflag:$0x5], $0x2000, $0x38;
	v63 =	vld [tilespmem:$0x0]  }
0x2e: {  	_ =	swait.ge [sflag:s25], $0x2000  }
0x2f: {  	s15 =	sshll.u32 s16, $0x1;
	[sflag:s25] =	ssyncset.done $0x0  }
0x30: {  	s17 =	sadd.s32 s6, s15;
	[sflag:s25] =	ssyncadd.s32 $0xFFFFE000  }
0x31: {  	[tilespmem:s26], [sflag:$0x5] =	stream.linear.gather [hbm4b:s17+s12], $0x800, $0x38;
	v63 =	vld [tilespmem:$0x0]  }
0x32: {  	_ =	swait.ge [sflag:s25], $0x800  }
0x33: {  	[sflag:s25] =	ssyncset.done $0x0  }
0x34: {  	s20 =	sadd.s32 s15, s11;
	[sflag:s25] =	ssyncadd.s32 $0xFFFFF800  }
0x35: {  	[tilespmem:s28], [sflag:$0x5] =	stream.linear.gather [hbm4b:s20+s12], $0x800, $0x38;
	v63 =	vld [tilespmem:$0x0]  }
0x36: {  	_ =	swait.ge [sflag:s25], $0x800  }
0x37: {  	[sflag:s25] =	ssyncset.done $0x0  }
0x38: {  	s17 =	simm.s32 $0x0;
	[sflag:s25] =	ssyncadd.s32 $0xFFFFF800  }
0x39: {  	v1 =	vld [tilespmem:s17+$0xB820]  }
0x3a: {  	v2 =	vld [tilespmem:s17+$0xB020];
	_ =	sdelay $0x1  }
0x3b: {  	v3 =	vld [tilespmem:s17+$0xB800]  }
0x3c: {  	v4 =	vld [tilespmem:s17+$0xB000]  }
0x3d: {  	v5 =	vld [tilespmem:s17+$0xB810]  }
0x3e: {  	v6 =	vld [tilespmem:s17+$0xB010];
	v1 =	vadd.f32 v1, v2;
	_ =	sdelay $0x1  }
0x3f: {  	v2 =	vld [tilespmem:s17+$0xB830];
	v1 =	vadd.f32 $1.000000000e+00, v1  }
0x40: {  	v3 =	vadd.f32 v3, v4;
	v4 =	vld [tilespmem:s17+$0xB030]  }
0x41: {  	v7 =	vshrl.u32 v1, $0x1;
	v8 =	vmul.f32 $5.000000000e-01, v1  }
0x42: {  	v1 =	vadd.f32 $1.000000000e+00, v3;
	v3 =	vadd.f32 v5, v6;
	v5 =	vsub.s32 $0x5F3759DF, v7  }
0x43: {  	v6 =	vmul.f32 v5, v8  }
0x44: {  	v7 =	vshrl.u32 v1, $0x1;
	v9 =	vmul.f32 $5.000000000e-01, v1;
	v1 =	vadd.f32 $1.000000000e+00, v3  }
0x45: {  	v2 =	vadd.f32 v2, v4;
	v3 =	vsub.s32 $0x5F3759DF, v7;
	v6 =	vmul.f32 v5, v6  }
0x46: {  	v4 =	vmul.f32 v3, v9;
	v7 =	vshrl.u32 v1, $0x1;
	v10 =	vmul.f32 $5.000000000e-01, v1  }
0x47: {  	v2 =	vadd.f32 $1.000000000e+00, v2;
	v7 =	vsub.s32 $0x5F3759DF, v7;
	v1 =	vsub.f32 $1.500000000e+00, v6  }
0x48: {  	v4 =	vmul.f32 v3, v4;
	v6 =	vmul.f32 v7, v10  }
0x49: {  	v11 =	vshrl.u32 v2, $0x1;
	v5 =	vmul.f32 v5, v1;
	v1 =	vmul.f32 $5.000000000e-01, v2  }
0x4a: {  	v2 =	vsub.f32 $1.500000000e+00, v4;
	v4 =	vmul.f32 v7, v6;
	v6 =	vsub.s32 $0x5F3759DF, v11  }
0x4b: {  	v56 =	vmul.f32 v5, v8;
	v12 =	vmul.f32 v6, v1  }
0x4c: {  	v2 =	vmul.f32 v3, v2;
	v3 =	vsub.f32 $1.500000000e+00, v4  }
0x4d: {  	v4 =	vmul.f32 v56, v5;
	v57 =	vmul.f32 v6, v12  }
0x4e: {  	v58 =	vmul.f32 v2, v9;
	v7 =	vmul.f32 v7, v3  }
0x4f: {  	v3 =	vsub.f32 $1.500000000e+00, v4;
	v4 =	vsub.f32 $1.500000000e+00, v57  }
0x50: {  	v59 =	vmul.f32 v58, v2;
	v60 =	vmul.f32 v7, v10  }
0x51: {  	v5 =	vmul.f32 v3, v5;
	v4 =	vmul.f32 v6, v4  }
0x52: {  	v3 =	vsub.f32 $1.500000000e+00, v59;
	v6 =	vmul.f32 v60, v7  }
0x53: {  	v8 =	vmul.f32 v5, v8;
	v61 =	vmul.f32 v4, v1  }
0x54: {  	v3 =	vmul.f32 v3, v2;
	v2 =	vsub.f32 $1.500000000e+00, v6  }
0x55: {  	v6 =	vmul.f32 v8, v5;
	v8 =	vmul.f32 v61, v4  }
0x56: {  	v9 =	vmul.f32 v3, v9;
	v2 =	vmul.f32 v2, v7  }
0x57: {  	v62 =	vsub.f32 $1.500000000e+00, v6;
	v8 =	vsub.f32 $1.500000000e+00, v8  }
0x58: {  	v7 =	vmul.f32 v9, v3;
	v6 =	vmul.f32 v2, v10  }
0x59: {  	s19 =	simm.s32 $0x100;
	s18 =	simm.s32 $0x200;
	v5 =	vmul.f32 v62, v5;
	v4 =	vmul.f32 v8, v4  }
.LBB2_5:
0x5a: {  	p1 =	sne.s32 s18, $0x1F00  }
0x5b: {  	s20 =	sshra.s32 s19, $0x2;
	v7 =	vsub.f32 $1.500000000e+00, v7;
	v6 =	vmul.f32 v6, v2;
	s19 =	smov.u32 s18;
	s18 =	sadd.s32 $0x100, s18  }
0x5c: {  	v8 =	vld [tilespmem:s20+$0xB820];
	[tilespmem:s17+$0xB020] =	vst v5;
	v1 =	vmul.f32 v4, v1  }
0x5d: {  	v5 =	vld [tilespmem:s20+$0xB020];
	v3 =	vmul.f32 v7, v3;
	v6 =	vsub.f32 $1.500000000e+00, v6  }
0x5e: {  	v1 =	vmul.f32 v1, v4  }
0x5f: {  	v7 =	vld [tilespmem:s20+$0xB800];
	[tilespmem:s17+$0xB000] =	vst v3;
	v2 =	vmul.f32 v6, v2  }
0x60: {  	v3 =	vld [tilespmem:s20+$0xB000];
	v1 =	vsub.f32 $1.500000000e+00, v1  }
0x61: {  	v6 =	vld [tilespmem:s20+$0xB810];
	[tilespmem:s17+$0xB010] =	vst v2  }
0x62: {  	v2 =	vld [tilespmem:s20+$0xB010];
	v5 =	vadd.f32 v8, v5;
	v1 =	vmul.f32 v1, v4;
	_ =	sdelay $0x1  }
0x63: {  	v4 =	vadd.f32 $1.000000000e+00, v5;
	v5 =	vld [tilespmem:s20+$0xB830];
	[tilespmem:s17+$0xB030] =	vst v1;
	s17 =	smov.u32 s20  }
0x64: {  	v1 =	vadd.f32 v7, v3;
	v3 =	vld [tilespmem:s17+$0xB030]  }
0x65: {  	v7 =	vshrl.u32 v4, $0x1;
	v4 =	vmul.f32 $5.000000000e-01, v4  }
0x66: {  	v1 =	vadd.f32 $1.000000000e+00, v1;
	v2 =	vadd.f32 v6, v2;
	v6 =	vsub.s32 $0x5F3759DF, v7  }
0x67: {  	v7 =	vmul.f32 v6, v4  }
0x68: {  	v8 =	vshrl.u32 v1, $0x1;
	v9 =	vmul.f32 $5.000000000e-01, v1;
	v1 =	vadd.f32 $1.000000000e+00, v2  }
0x69: {  	v2 =	vsub.s32 $0x5F3759DF, v8;
	v7 =	vmul.f32 v6, v7;
	v3 =	vadd.f32 v5, v3  }
0x6a: {  	v5 =	vmul.f32 v2, v9;
	v8 =	vshrl.u32 v1, $0x1;
	v10 =	vmul.f32 $5.000000000e-01, v1  }
0x6b: {  	v8 =	vsub.s32 $0x5F3759DF, v8;
	v1 =	vsub.f32 $1.500000000e+00, v7;
	v3 =	vadd.f32 $1.000000000e+00, v3  }
0x6c: {  	v5 =	vmul.f32 v2, v5;
	v7 =	vmul.f32 v8, v10  }
0x6d: {  	v6 =	vmul.f32 v6, v1;
	v11 =	vshrl.u32 v3, $0x1;
	v1 =	vmul.f32 $5.000000000e-01, v3  }
0x6e: {  	v3 =	vsub.f32 $1.500000000e+00, v5;
	v5 =	vmul.f32 v8, v7;
	v7 =	vsub.s32 $0x5F3759DF, v11  }
0x6f: {  	v11 =	vmul.f32 v6, v4;
	v12 =	vmul.f32 v7, v1  }
0x70: {  	v2 =	vmul.f32 v2, v3;
	v3 =	vsub.f32 $1.500000000e+00, v5  }
0x71: {  	v5 =	vmul.f32 v11, v6;
	v11 =	vmul.f32 v7, v12  }
0x72: {  	v12 =	vmul.f32 v2, v9;
	v8 =	vmul.f32 v8, v3  }
0x73: {  	v3 =	vsub.f32 $1.500000000e+00, v5;
	v5 =	vsub.f32 $1.500000000e+00, v11  }
0x74: {  	v11 =	vmul.f32 v12, v2;
	v12 =	vmul.f32 v8, v10  }
0x75: {  	v13 =	vmul.f32 v3, v6;
	v14 =	vmul.f32 v7, v5  }
0x76: {  	v3 =	vsub.f32 $1.500000000e+00, v11;
	v5 =	vmul.f32 v12, v8  }
0x77: {  	v4 =	vmul.f32 v13, v4;
	v6 =	vmul.f32 v14, v1  }
0x78: {  	v3 =	vmul.f32 v3, v2;
	v2 =	vsub.f32 $1.500000000e+00, v5  }
.Ltmp1:
0x79: {  	v4 =	vmul.f32 v4, v13;
	v5 =	vmul.f32 v6, v14;
	(pc) =	sbr.rel @p1 .LBB2_5-.Ltmp1, $4  }
0x7a: {  	v6 =	vmul.f32 v3, v9;
	v2 =	vmul.f32 v2, v8  }
0x7b: {  	v4 =	vsub.f32 $1.500000000e+00, v4;
	v8 =	vsub.f32 $1.500000000e+00, v5  }
0x7c: {  	v7 =	vmul.f32 v6, v3;
	v6 =	vmul.f32 v2, v10  }
0x7d: {  	v5 =	vmul.f32 v4, v13;
	v4 =	vmul.f32 v8, v14  }
0x7e: {  	_ = 	snop  }
0x7f: {  	v7 =	vsub.f32 $1.500000000e+00, v7;
	v6 =	vmul.f32 v6, v2;
	v1 =	vmul.f32 v4, v1  }
0x80: {  	s18 =	sshra.s32 s19, $0x2  }
0x81: {  	v8 =	vld [tilespmem:s18+$0xB820];
	[tilespmem:s17+$0xB020] =	vst v5;
	v3 =	vmul.f32 v7, v3;
	v6 =	vsub.f32 $1.500000000e+00, v6;
	v1 =	vmul.f32 v1, v4  }
0x82: {  	v5 =	vld [tilespmem:s18+$0xB020]  }
0x83: {  	v7 =	vld [tilespmem:s18+$0xB800];
	[tilespmem:s17+$0xB000] =	vst v3;
	v2 =	vmul.f32 v6, v2;
	v1 =	vsub.f32 $1.500000000e+00, v1  }
0x84: {  	v3 =	vld [tilespmem:s18+$0xB000]  }
0x85: {  	v6 =	vld [tilespmem:s18+$0xB810];
	[tilespmem:s17+$0xB010] =	vst v2;
	v1 =	vmul.f32 v1, v4  }
0x86: {  	v2 =	vld [tilespmem:s18+$0xB010]  }
0x87: {  	v4 =	vld [tilespmem:s18+$0xB830];
	[tilespmem:s17+$0xB030] =	vst v1  }
0x88: {  	v1 =	vadd.f32 v8, v5;
	v5 =	vld [tilespmem:s18+$0xB030];
	_ =	sdelay $0x1  }
0x89: {  	v3 =	vadd.f32 v7, v3;
	v1 =	vadd.f32 $1.000000000e+00, v1;
	_ =	sdelay $0x1  }
0x8a: {  	v3 =	vadd.f32 $1.000000000e+00, v3;
	v2 =	vadd.f32 v6, v2;
	v7 =	vshrl.u32 v1, $0x1  }
0x8b: {  	v1 =	vmul.f32 $5.000000000e-01, v1;
	v6 =	vsub.s32 $0x5F3759DF, v7;
	v4 =	vadd.f32 v4, v5  }
0x8c: {  	v2 =	vadd.f32 $1.000000000e+00, v2;
	v5 =	vshrl.u32 v3, $0x1;
	v3 =	vmul.f32 $5.000000000e-01, v3  }
0x8d: {  	v7 =	vmul.f32 v6, v1;
	v5 =	vsub.s32 $0x5F3759DF, v5;
	v4 =	vadd.f32 $1.000000000e+00, v4  }
0x8e: {  	v9 =	vshrl.u32 v2, $0x1;
	v2 =	vmul.f32 $5.000000000e-01, v2;
	v54 =	vmul.f32 v5, v3  }
0x8f: {  	v9 =	vsub.s32 $0x5F3759DF, v9;
	v10 =	vshrl.u32 v4, $0x1;
	v4 =	vmul.f32 $5.000000000e-01, v4  }
0x90: {  	v7 =	vmul.f32 v6, v7;
	v11 =	vmul.f32 v9, v2;
	v10 =	vsub.s32 $0x5F3759DF, v10  }
0x91: {  	v8 =	vmul.f32 v5, v54;
	v12 =	vmul.f32 v10, v4  }
0x92: {  	v7 =	vsub.f32 $1.500000000e+00, v7;
	v11 =	vmul.f32 v9, v11  }
0x93: {  	v8 =	vsub.f32 $1.500000000e+00, v8;
	v12 =	vmul.f32 v10, v12  }
0x94: {  	v6 =	vmul.f32 v6, v7;
	v7 =	vsub.f32 $1.500000000e+00, v11  }
0x95: {  	v5 =	vmul.f32 v5, v8;
	v55 =	vsub.f32 $1.500000000e+00, v12  }
0x96: {  	v56 =	vmul.f32 v6, v1;
	v7 =	vmul.f32 v9, v7  }
0x97: {  	v57 =	vmul.f32 v5, v3;
	v8 =	vmul.f32 v10, v55  }
0x98: {  	v58 =	vmul.f32 v56, v6;
	v59 =	vmul.f32 v7, v2  }
0x99: {  	v9 =	vmul.f32 v57, v5;
	v60 =	vmul.f32 v8, v4  }
0x9a: {  	v10 =	vsub.f32 $1.500000000e+00, v58;
	v11 =	vmul.f32 v59, v7  }
0x9b: {  	v9 =	vsub.f32 $1.500000000e+00, v9;
	v12 =	vmul.f32 v60, v8  }
0x9c: {  	v6 =	vmul.f32 v10, v6;
	v61 =	vsub.f32 $1.500000000e+00, v11  }
0x9d: {  	v5 =	vmul.f32 v9, v5;
	v62 =	vsub.f32 $1.500000000e+00, v12  }
0x9e: {  	v1 =	vmul.f32 v6, v1;
	v7 =	vmul.f32 v61, v7  }
0x9f: {  	v3 =	vmul.f32 v5, v3;
	v8 =	vmul.f32 v62, v8  }
0xa0: {  	v1 =	vmul.f32 v1, v6;
	v2 =	vmul.f32 v7, v2  }
0xa1: {  	v3 =	vmul.f32 v3, v5;
	v4 =	vmul.f32 v8, v4  }
0xa2: {  	v1 =	vsub.f32 $1.500000000e+00, v1;
	v2 =	vmul.f32 v2, v7  }
0xa3: {  	v3 =	vsub.f32 $1.500000000e+00, v3;
	v4 =	vmul.f32 v4, v8  }
0xa4: {  	v1 =	vmul.f32 v1, v6;
	v2 =	vsub.f32 $1.500000000e+00, v2  }
0xa5: {  	v3 =	vmul.f32 v3, v5;
	v4 =	vsub.f32 $1.500000000e+00, v4  }
0xa6: {  	[tilespmem:s18+$0xB020] =	vst v1;
	v1 =	vmul.f32 v2, v7  }
0xa7: {  	[tilespmem:s18+$0xB000] =	vst v3;
	v2 =	vmul.f32 v4, v8  }
0xa8: {  	s16 =	sshll.u32 s16, $0x3;
	[tilespmem:s18+$0xB010] =	vst v1  }
0xa9: {  	s19 =	simm.s32 $0x0;
	s16 =	sadd.s32 s5, s16;
	[tilespmem:s18+$0xB030] =	vst v2  }
0xaa: {  	[tilespmem:s29], [sflag:$0x5] =	stream.linear.gather [hbm4b:s16+s19], $0x2000, $0x38;
	v63 =	vld [tilespmem:$0x0]  }
0xab: {  	_ =	swait.ge [sflag:s25], $0x2000  }
0xac: {  	[sflag:s25] =	ssyncset.done $0x0  }
0xad: {  	s16 =	simm.s32 $0x5040;
	[sflag:s25] =	ssyncadd.s32 $0xFFFFE000  }
0xae: {  	s20 =	simm.s32 $0x0;
	v1 =	vld [tilespmem:s16+$0xFFFFFFF0]  }
0xaf: {  	v2 =	vld [tilespmem:s20+$0xB000]  }
0xb0: {  	v3 =	vld [tilespmem:s16+$0xFFFFFFC0]  }
0xb1: {  	v4 =	vld [tilespmem:s16+$0xFFFFFFD0]  }
0xb2: {  	v5 =	vld [tilespmem:s16+$0xFFFFFFE0];
	_ =	sdelay $0x1  }
0xb3: {  	v1 =	vmul.f32 v1, v2  }
0xb4: {  	v3 =	vmul.f32 v3, v2  }
0xb5: {  	v4 =	vmul.f32 v4, v2;
	[tilespmem:s16+$0xFFFFFFF0] =	vst v1  }
0xb6: {  	v5 =	vmul.f32 v5, v2;
	v2 =	vld [tilespmem:s16+$0x0];
	[tilespmem:s16+$0xFFFFFFC0] =	vst v3  }
0xb7: {  	[tilespmem:s16+$0xFFFFFFD0] =	vst v4;
	v1 =	vld [tilespmem:s16+$0x30]  }
0xb8: {  	[tilespmem:s16+$0xFFFFFFE0] =	vst v5;
	v4 =	vld [tilespmem:s16+$0x10]  }
0xb9: {  	v3 =	vld [tilespmem:s20+$0xB010]  }
0xba: {  	s17 =	simm.s32 $0x5040;
	s18 =	simm.s32 $0x80;
	v5 =	vld [tilespmem:s16+$0x20]  }
.LBB2_7:
0xbb: {  	_ = 	snop  }
0xbc: {  	p1 =	sne.s32 s18, $0x1F80  }
0xbd: {  	s16 =	sadd.s32 $0x80, s16;
	s19 =	smov.u32 s18;
	s18 =	sadd.s32 $0x80, s18  }
0xbe: {  	v2 =	vmul.f32 v2, v3;
	v4 =	vmul.f32 v4, v3  }
0xbf: {  	v1 =	vmul.f32 v1, v3;
	v5 =	vmul.f32 v5, v3  }
0xc0: {  	[tilespmem:s17+$0x0] =	vst v2  }
0xc1: {  	v2 =	vld [tilespmem:s16+$0xFFFFFFE0];
	[tilespmem:s17+$0x10] =	vst v4  }
0xc2: {  	v3 =	vld [tilespmem:s16+$0xFFFFFFF0];
	[tilespmem:s17+$0x30] =	vst v1  }
0xc3: {  	s19 =	sshra.s32 s19, $0x2;
	v1 =	vld [tilespmem:s16+$0xFFFFFFC0];
	[tilespmem:s17+$0x20] =	vst v5;
	s17 =	smov.u32 s16  }
0xc4: {  	v4 =	vld [tilespmem:s19+$0xB000]  }
0xc5: {  	v5 =	vld [tilespmem:s16+$0xFFFFFFD0];
	_ =	sdelay $0x3  }
0xc6: {  	v1 =	vmul.f32 v1, v4;
	v3 =	vmul.f32 v3, v4  }
0xc7: {  	v5 =	vmul.f32 v5, v4;
	v4 =	vmul.f32 v2, v4  }
0xc8: {  	[tilespmem:s16+$0xFFFFFFF0] =	vst v3  }
.Ltmp2:
0xc9: {  	[tilespmem:s16+$0xFFFFFFC0] =	vst v1;
	v2 =	vld [tilespmem:s16+$0x0];
	(pc) =	sbr.rel @p1 .LBB2_7-.Ltmp2, $4  }
0xca: {  	[tilespmem:s16+$0xFFFFFFD0] =	vst v5;
	v1 =	vld [tilespmem:s16+$0x30]  }
0xcb: {  	[tilespmem:s16+$0xFFFFFFE0] =	vst v4;
	v4 =	vld [tilespmem:s16+$0x10]  }
0xcc: {  	v3 =	vld [tilespmem:s19+$0xB010]  }
0xcd: {  	v5 =	vld [tilespmem:s16+$0x20]  }
0xce: {  	_ =	sdelay $0x2  }
0xcf: {  	v2 =	vmul.f32 v2, v3  }
0xd0: {  	v4 =	vmul.f32 v4, v3  }
0xd1: {  	v1 =	vmul.f32 v1, v3;
	[tilespmem:s17+$0x0] =	vst v2  }
0xd2: {  	v2 =	vmul.f32 v5, v3;
	[tilespmem:s17+$0x10] =	vst v4  }
0xd3: {  	[tilespmem:s17+$0x30] =	vst v1  }
0xd4: {  	s14 =	sadd.s32 s14, s3;
	[tilespmem:s17+$0x20] =	vst v2  }
0xd5: {  	[spmem:s14] =	stream.linear.scatter [tilespmem:s29], [sflag:$0x5], $0x2000, $0x38;
	v63 =	vld [tilespmem:$0x0]  }
0xd6: {  	s13 =	sadd.s32 $0x1, s13;
	_ =	swait.ge [sflag:s25], $0x2000  }
0xd7: {  	s16 =	simm.s32 @!p0 $0xB000;
	p1 =	sne.s32 s13, $0x5;
	[sflag:s25] =	ssyncset.done $0x0  }
0xd8: {  	s14 =	sadd.s32 @!p0 s7, s15;
	s15 =	simm.s32 @!p0 $0x0;
	[sflag:s25] =	ssyncadd.s32 $0xFFFFE000  }
0xd9: {  	[hbm4b:s14+s15] =	stream.linear.scatter @!p0 [tilespmem:s16], [sflag:$0x4], $0x800, $0x38;
	v63 =	vld [tilespmem:$0x0]  }
.Ltmp3:
0xda: {  	_ = 	snop;
	(pc) =	sbr.rel @p1 .LBB2_4-.Ltmp3, $4  }
0xdb: {  	s14 =	simm.s32 @!p0 $0x4  }
0xdc: {  	_ =	swait.ge @!p0 [sflag:s14], $0x800  }
0xdd: {  	[sflag:s14] =	ssyncset.done @!p0 $0x0  }
0xde: {  	[sflag:s14] =	ssyncadd.s32 @!p0 $0xFFFFF800  }
0xdf: {  	_ =	swait.ge [sflag:s30], $0x2800  }
0xe0: {  	[sflag:s30] =	ssyncset.done $0x0  }
0xe1: {  	[sflag:s30] =	ssyncadd.s32 $0xFFFFD800  }
0xe2: {  	_ =	swait.ge [sflag:s31], $0x2800  }
0xe3: {  	[sflag:s31] =	ssyncset.done $0x0  }
0xe4: {  	[sflag:s31] =	ssyncadd.s32 $0xFFFFD800  }
0xe5: {  	s12 =	simm.s32 $0x0;
	[bflag:$0x0] =	sbarrier.arrive $0xFFFF  }
0xe6: {  	[tilespmem:s29], [sflag:$0x1] =	stream.indirect.gather [spmem:s3], $0x40, s12, s1, $0xb8;
	v63 =	vld [tilespmem:$0x0]  }
0xe7: {  	_ = 	snop  }
0xe8: {  	[tilespmem:s24], [sflag:$0x2] =	stream.indirect.gather [spmem:s3], $0x40, s1, s1, $0xb8;
	v63 =	vld [tilespmem:$0x0]  }
0xe9: {  	_ =	swait.ge [sflag:s30], $0x2000  }
0xea: {  	[sflag:s30] =	ssyncset.done $0x0  }
0xeb: {  	s15 =	simm.s32 $0x100;
	[sflag:s30] =	ssyncadd.s32 $0xFFFFE000  }
0xec: {  	[tilespmem:s0], [sflag:$0x3] =	stream.indirect.gather [spmem:s3], $0x40, s15, s1, $0xb8;
	v63 =	vld [tilespmem:$0x0]  }
0xed: {  	s16 =	simm.s32 $0x2800  }
0xee: {  	[spmem:s2] =	stream.indirect.scatter.add.f32 [tilespmem:s29], [sflag:$0x4], $0x40, s16, s1, $0xb8;
	v63 =	vld [tilespmem:$0x0]  }
0xef: {  	_ =	swait.ge [sflag:s23], $0x2000  }
0xf0: {  	[sflag:s23] =	ssyncset.done $0x0  }
0xf1: {  	[sflag:s23] =	ssyncadd.s32 $0xFFFFE000  }
0xf2: {  	_ =	swait.ge [sflag:s31], $0x2000  }
0xf3: {  	[sflag:s31] =	ssyncset.done $0x0  }
0xf4: {  	s17 =	simm.s32 $0x180;
	[sflag:s31] =	ssyncadd.s32 $0xFFFFE000  }
0xf5: {  	[tilespmem:s29], [sflag:$0x1] =	stream.indirect.gather [spmem:s3], $0x40, s17, s1, $0xb8;
	v63 =	vld [tilespmem:$0x0]  }
0xf6: {  	s18 =	simm.s32 $0x2880  }
0xf7: {  	[spmem:s2] =	stream.indirect.scatter.add.f32 [tilespmem:s24], [sflag:$0x4], $0x40, s18, s1, $0xb8;
	v63 =	vld [tilespmem:$0x0]  }
0xf8: {  	_ =	swait.ge [sflag:s23], $0x2000  }
0xf9: {  	[sflag:s23] =	ssyncset.done $0x0  }
0xfa: {  	[sflag:s23] =	ssyncadd.s32 $0xFFFFE000  }
0xfb: {  	_ =	swait.ge [sflag:s8], $0x2000  }
0xfc: {  	[sflag:s8] =	ssyncset.done $0x0  }
0xfd: {  	s19 =	simm.s32 $0x200;
	[sflag:s8] =	ssyncadd.s32 $0xFFFFE000  }
0xfe: {  	[tilespmem:s24], [sflag:$0x2] =	stream.indirect.gather [spmem:s3], $0x40, s19, s1, $0xb8;
	v63 =	vld [tilespmem:$0x0]  }
0xff: {  	s20 =	simm.s32 $0x2900  }
0x100: {  	[spmem:s2] =	stream.indirect.scatter.add.f32 [tilespmem:s0], [sflag:$0x4], $0x40, s20, s1, $0xb8;
	v63 =	vld [tilespmem:$0x0]  }
0x101: {  	_ =	swait.ge [sflag:s23], $0x2000  }
0x102: {  	s12 =	simm.s32 $0x600;
	[sflag:s23] =	ssyncset.done $0x0  }
.LBB2_10:
0x103: {  	p1 =	sne.s32 s12, $0x9600  }
0x104: {  	[sflag:s23] =	ssyncadd.s32 $0xFFFFE000;
	s13 =	smov.u32 s12;
	s12 =	sadd.s32 $0x600, s12  }
0x105: {  	_ = 	snop  }
0x106: {  	_ =	swait.ge [sflag:s30], $0x2000  }
0x107: {  	s13 =	sshra.s32 s13, $0x2;
	[sflag:s30] =	ssyncset.done $0x0  }
0x108: {  	s14 =	sadd.s32 $0x100, s13;
	[sflag:s30] =	ssyncadd.s32 $0xFFFFE000  }
0x109: {  	[tilespmem:s0], [sflag:$0x3] =	stream.indirect.gather [spmem:s3], $0x40, s14, s1, $0xb8;
	v63 =	vld [tilespmem:$0x0]  }
0x10a: {  	s14 =	sadd.s32 $0x2800, s13  }
0x10b: {  	[spmem:s2] =	stream.indirect.scatter.add.f32 [tilespmem:s29], [sflag:$0x4], $0x40, s14, s1, $0xb8;
	v63 =	vld [tilespmem:$0x0]  }
0x10c: {  	_ =	swait.ge [sflag:s23], $0x2000  }
0x10d: {  	[sflag:s23] =	ssyncset.done $0x0  }
0x10e: {  	[sflag:s23] =	ssyncadd.s32 $0xFFFFE000  }
0x10f: {  	_ =	swait.ge [sflag:s31], $0x2000  }
0x110: {  	[sflag:s31] =	ssyncset.done $0x0  }
0x111: {  	s14 =	sadd.s32 $0x180, s13;
	[sflag:s31] =	ssyncadd.s32 $0xFFFFE000  }
0x112: {  	[tilespmem:s29], [sflag:$0x1] =	stream.indirect.gather [spmem:s3], $0x40, s14, s1, $0xb8;
	v63 =	vld [tilespmem:$0x0]  }
0x113: {  	s14 =	sadd.s32 $0x2880, s13  }
0x114: {  	[spmem:s2] =	stream.indirect.scatter.add.f32 [tilespmem:s24], [sflag:$0x4], $0x40, s14, s1, $0xb8;
	v63 =	vld [tilespmem:$0x0]  }
0x115: {  	_ =	swait.ge [sflag:s23], $0x2000  }
0x116: {  	[sflag:s23] =	ssyncset.done $0x0  }
0x117: {  	[sflag:s23] =	ssyncadd.s32 $0xFFFFE000  }
0x118: {  	_ =	swait.ge [sflag:s8], $0x2000  }
0x119: {  	[sflag:s8] =	ssyncset.done $0x0  }
0x11a: {  	s14 =	sadd.s32 $0x200, s13;
	[sflag:s8] =	ssyncadd.s32 $0xFFFFE000  }
0x11b: {  	[tilespmem:s24], [sflag:$0x2] =	stream.indirect.gather [spmem:s3], $0x40, s14, s1, $0xb8;
	v63 =	vld [tilespmem:$0x0]  }
.Ltmp4:
0x11c: {  	_ = 	snop;
	(pc) =	sbr.rel @p1 .LBB2_10-.Ltmp4, $4  }
0x11d: {  	s13 =	sadd.s32 $0x2900, s13  }
0x11e: {  	[spmem:s2] =	stream.indirect.scatter.add.f32 [tilespmem:s0], [sflag:$0x4], $0x40, s13, s1, $0xb8;
	v63 =	vld [tilespmem:$0x0]  }
0x11f: {  	_ =	swait.ge [sflag:s23], $0x2000  }
0x120: {  	[sflag:s23] =	ssyncset.done $0x0  }
0x121: {  	[sflag:s23] =	ssyncadd.s32 $0xFFFFE000  }
0x122: {  	_ =	swait.ge [sflag:s30], $0x2000  }
0x123: {  	[sflag:s30] =	ssyncset.done $0x0  }
0x124: {  	s12 =	simm.s32 $0x4F00;
	[sflag:s30] =	ssyncadd.s32 $0xFFFFE000  }
0x125: {  	[spmem:s2] =	stream.indirect.scatter.add.f32 [tilespmem:s29], [sflag:$0x4], $0x40, s12, s1, $0xb8;
	v63 =	vld [tilespmem:$0x0]  }
0x126: {  	_ =	swait.ge [sflag:s23], $0x2000  }
0x127: {  	[sflag:s23] =	ssyncset.done $0x0  }
0x128: {  	[sflag:s23] =	ssyncadd.s32 $0xFFFFE000  }
0x129: {  	_ =	swait.ge [sflag:s31], $0x2000  }
0x12a: {  	[sflag:s31] =	ssyncset.done $0x0  }
0x12b: {  	s19 =	simm.s32 $0x4F80;
	[sflag:s31] =	ssyncadd.s32 $0xFFFFE000  }
0x12c: {  	[spmem:s2] =	stream.indirect.scatter.add.f32 [tilespmem:s24], [sflag:$0x4], $0x40, s19, s1, $0xb8;
	v63 =	vld [tilespmem:$0x0]  }
0x12d: {  	_ =	swait.ge [sflag:s23], $0x2000  }
0x12e: {  	[sflag:s23] =	ssyncset.done $0x0  }
0x12f: {  	[sflag:s23] =	ssyncadd.s32 $0xFFFFE000  }
0x130: {  	[bflag:$0x0] =	sbarrier.arrive $0xFFFF  }
0x131: {  	s20 =	rddreg [dreg:$0x6]  }
0x132: {  	[tilespmem:s29], [sflag:$0x4] =	stream.linear.gather [spmem:s20], $0x2000, $0x38;
	v63 =	vld [tilespmem:$0x0]  }
0x133: {  	_ =	swait.ge [sflag:s23], $0x2000  }
0x134: {  	[sflag:s23] =	ssyncset.done $0x0  }
0x135: {  	s13 =	rddreg [dreg:$0x8];
	[sflag:s23] =	ssyncadd.s32 $0xFFFFE000  }
0x136: {  	[hbm4b:s13+s4] =	stream.linear.scatter [tilespmem:s29], [sflag:$0x4], $0x2000, $0x38;
	v63 =	vld [tilespmem:$0x0]  }
0x137: {  	_ =	swait.ge [sflag:s23], $0x2000  }
0x138: {  	[sflag:s23] =	ssyncset.done $0x0  }
0x139: {  	s14 =	rddreg [dreg:$0x9];
	[sflag:s23] =	ssyncadd.s32 $0xFFFFE000  }
0x13a: {  	[tilespmem:s29], [sflag:$0x4] =	stream.linear.gather [spmem:s14], $0x2000, $0x38;
	v63 =	vld [tilespmem:$0x0]  }
0x13b: {  	_ =	swait.ge [sflag:s23], $0x2000  }
0x13c: {  	[sflag:s23] =	ssyncset.done $0x0  }
0x13d: {  	s15 =	rddreg [dreg:$0xa];
	[sflag:s23] =	ssyncadd.s32 $0xFFFFE000  }
0x13e: {  	[hbm4b:s15+s4] =	stream.linear.scatter [tilespmem:s29], [sflag:$0x4], $0x2000, $0x38;
	v63 =	vld [tilespmem:$0x0]  }
0x13f: {  	_ =	swait.ge [sflag:s23], $0x2000  }
0x140: {  	[sflag:s23] =	ssyncset.done $0x0  }
0x141: {  	s16 =	rddreg [dreg:$0xb];
	[sflag:s23] =	ssyncadd.s32 $0xFFFFE000  }
0x142: {  	[tilespmem:s29], [sflag:$0x4] =	stream.linear.gather [spmem:s16], $0x2000, $0x38;
	v63 =	vld [tilespmem:$0x0]  }
0x143: {  	_ =	swait.ge [sflag:s23], $0x2000  }
0x144: {  	[sflag:s23] =	ssyncset.done $0x0  }
0x145: {  	s17 =	rddreg [dreg:$0xc];
	[sflag:s23] =	ssyncadd.s32 $0xFFFFE000  }
0x146: {  	[hbm4b:s17+s4] =	stream.linear.scatter [tilespmem:s29], [sflag:$0x4], $0x2000, $0x38;
	v63 =	vld [tilespmem:$0x0]  }
0x147: {  	_ =	swait.ge [sflag:s23], $0x2000  }
0x148: {  	[sflag:s23] =	ssyncset.done $0x0  }
0x149: {  	s18 =	rddreg [dreg:$0xd];
	[sflag:s23] =	ssyncadd.s32 $0xFFFFE000  }
0x14a: {  	[tilespmem:s29], [sflag:$0x4] =	stream.linear.gather [spmem:s18], $0x2000, $0x38;
	v63 =	vld [tilespmem:$0x0]  }
0x14b: {  	_ =	swait.ge [sflag:s23], $0x2000  }
0x14c: {  	[sflag:s23] =	ssyncset.done $0x0  }
0x14d: {  	s19 =	rddreg [dreg:$0xe];
	[sflag:s23] =	ssyncadd.s32 $0xFFFFE000  }
0x14e: {  	[hbm4b:s19+s4] =	stream.linear.scatter [tilespmem:s29], [sflag:$0x4], $0x2000, $0x38;
	v63 =	vld [tilespmem:$0x0]  }
0x14f: {  	_ =	swait.ge [sflag:s23], $0x2000  }
0x150: {  	[sflag:s23] =	ssyncset.done $0x0  }
0x151: {  	[sflag:s23] =	ssyncadd.s32 $0xFFFFE000  }
0x152: {  	[tilespmem:s29], [sflag:$0x4] =	stream.linear.gather [spmem:s21], $0x2000, $0x38;
	v63 =	vld [tilespmem:$0x0]  }
0x153: {  	_ =	swait.ge [sflag:s23], $0x2000  }
0x154: {  	[sflag:s23] =	ssyncset.done $0x0  }
0x155: {  	[sflag:s23] =	ssyncadd.s32 $0xFFFFE000  }
0x156: {  	[hbm4b:s22+s4] =	stream.linear.scatter [tilespmem:s29], [sflag:$0x4], $0x2000, $0x38;
	v63 =	vld [tilespmem:$0x0]  }
0x157: {  	_ =	swait.ge [sflag:s23], $0x2000  }
0x158: {  	s9 =	sadd.s32 $0x1, s9;
	s20 =	rddreg [dreg:$0x7]  }
0x159: {  	p1 =	sne.s32 s9, s20  }
.Ltmp5:
0x15a: {  	_ = 	snop;
	(pc) =	sbr.rel @p1 .LBB2_1-.Ltmp5, $3  }
0x15b: {  	_ =	sdelay $0x1  }
0x15c: {  	[sflag:s23] =	ssyncset.done $0x0  }
0x15d: {  	[sflag:s23] =	ssyncadd.s32 $0xFFFFE000  }
0x15e: {  	_ =	sfence.sel $0x180000  }
0x15f: {  	[bflag:$0x0] =	sbarrier.arrive $0xFFFF  }
0x160: {  	_ =	strace $0x9000004A  }
0x161: {  	s0 =	stileid.u32;
	[bflag:$0x2] =	sbarrier.arrive $0xFFFF  }
0x162: {  	p0 =	sne.s32 s0, $0x0;
	s0 =	rddreg [dreg:$0x3]  }
0x163: {  	s0 =	sadd.s32 @!p0 $0x100000, s0  }
0x164: {  	[sflag:s0] =	ssyncadd.tile.s32 @!p0 $0x1;
	_ =	shalt  }
.Lfunc_end2:
_tile_overlayer_lowered:
.L_overlay_start_2:
0x165: {  	(tag) =	ssettag $0x2  }
0x166: {  	s0 =	rddreg [dreg:$0x0];
	s2 =	stileid.u32  }
0x167: {  	s1 =	rddreg [dreg:$0x1];
	p0 =	sne.s32 s2, $0x0  }
0x168: {  	s3 =	rddreg [dreg:$0x2];
	[bflag:$0x3] =	sbarrier.arrive $0xFFFF;
	s2 =	simm.s32 @!p0 $0x1C04  }
0x169: {  	[timem:s3], [sflag:s2] =	dma.local @!p0 [hbm:s0], s1  }
0x16a: {  	s0 =	simm.s32 @!p0 $0x4  }
0x16b: {  	_ =	swait.ge @!p0 [sflag:s0], s1  }
0x16c: {  	s1 =	ssub.s32 @!p0 $0x0, s1;
	[sflag:s0] =	ssyncset.done @!p0 $0x0  }
0x16d: {  	[sflag:s0] =	ssyncadd.s32 @!p0 s1  }
0x16e: {  	[bflag:$0x3] =	sbarrier.arrive $0xFFFF  }
0x16f: {  	_ =	shalt  }

// kernel: kernel.14.cloned.1.call-start
scs
__scs_entry_jumppad:
0x0: {  	(pc) =	sbr.rel $0x88, $3  }
0x1: {  	(tag) =	ssettag $0x0;
	lr =	simm.s32 $0x1  }
0x2: {  	[smem:$0x3F96] =	sst lr;
	_ =	strace $0xD0000000  }
0x3: {  	_ = 	snop  }
0x4: {  	_ = 	snop  }
0x5: {  	_ = 	snop  }
0x6: {  	_ = 	snop  }
0x7: {  	_ = 	snop  }
__scs_overlays_trampoline_lowered:
0x8: {  	[smem:$0x3FA5] =	sst s0  }
0x9: {  	[smem:$0x3FA6] =	sst s1  }
0xa: {  	[smem:$0x3FA7] =	sst s2  }
0xb: {  	[smem:$0x3FA8] =	sst s3  }
0xc: {  	[smem:$0x3FA9] =	sst s4  }
0xd: {  	[smem:$0x3FAA] =	sst s5  }
0xe: {  	[smem:$0x3FAB] =	sst s6  }
0xf: {  	[smem:$0x3FAC] =	sst s7  }
0x10: {  	[smem:$0x3FAD] =	sst s8  }
0x11: {  	[smem:$0x3FAE] =	sst s9;
	s0 =	simm.s32 @!p0 $0x0  }
0x12: {  	s1 =	sld [smem:$0x3F94];
	s0 =	simm.s32 @p0 $0x1  }
0x13: {  	[smem:$0x3FAF] =	sst s0;
	s0 =	simm.s32 @!p1 $0x0  }
0x14: {  	s2 =	sld [smem:$0x3F93];
	s0 =	simm.s32 @p1 $0x1  }
0x15: {  	[smem:$0x3FB0] =	sst s0;
	s0 =	simm.s32 @!p2 $0x0  }
0x16: {  	s3 =	sld [smem:$0x3FDB];
	s0 =	simm.s32 @p2 $0x1  }
0x17: {  	s4 =	simm.s32 $0x1BF5;
	[smem:$0x3FB2] =	sst s0  }
0x18: {  	s0 =	sld [smem:$0x3F95];
	_ =	swait.ge [sflag:s4], $0x0  }
0x19: {  	s7 =	sld [smem:$0x3F96]  }
0x1a: {  	s8 =	sadd.s32 $0xFFFFE003, lr  }
0x1b: {  	s9 =	sadd.s32 $0xFFFFFEF7, lr;
	s5 =	simm.s32 $0xFFFFFFFF;
	p2 =	slt.u32 s8, $0xFFFFF086  }
0x1c: {  	p1 =	slt.u32 s9, $0xF7A;
	s5 =	simm.s32 @!p2 $0x0  }
0x1d: {  	s5 =	simm.s32 @p1 $0x1;
	p0 =	seq.s32 s7, s2  }
0x1e: {  	s7 =	smul.u32 @!p0 $0xF7A, s2;
	p2 =	seq.s32 @!p0 s5, $0x0  }
0x1f: {  	s9 =	smul.u32 $0xF7A, s1;
	s8 =	simm.s32 @!p0 $0x1BF5;
	p2 =	por !p2, p0  }
0x20: {  	[sflag:s8] =	ssyncset.s32 @!p0 $0xFFFFF086;
	s6 =	sadd.s32 @!p0 s3, s7;
	s7 =	simm.s32 @!p0 $0x108  }
0x21: {  	s3 =	sadd.s32 s3, s9;
	s6 =	sadd.s32 @!p0 $0x88, s6;
	s7 =	simm.s32 @p2 $0x1082  }
0x22: {  	[simem:s7], [sflag:s8] =	dma.local @!p0 [hbm:s6], $0xF7A  }
0x23: {  	s9 =	sor.u32 $0xD0000000, s2;
	s6 =	simm.s32 $0x108;
	_ =	swait.ge @!p0 [sflag:s8], $0x0  }
0x24: {  	s3 =	sadd.s32 $0x88, s3;
	s6 =	simm.s32 @!p1 $0x1082;
	[sflag:s4] =	ssyncset.s32 $0xFFFFF086  }
0x25: {  	[simem:s6], [sflag:s4] =	dma.local [hbm:s3], $0xF7A  }
0x26: {  	[smem:$0x3F96] =	sst s1;
	(tag) =	ssettag s2;
	_ =	strace s9  }
0x27: {  	s1 =	sld [smem:$0x3FA6]  }
0x28: {  	s2 =	sld [smem:$0x3FA7]  }
0x29: {  	s4 =	sld [smem:$0x3FA9]  }
0x2a: {  	p0 =	seq.s32 s5, $0x0;
	s5 =	sld [smem:$0x3FAA]  }
0x2b: {  	s6 =	sld [smem:$0x3FAB]  }
0x2c: {  	s7 =	sld [smem:$0x3FAC]  }
0x2d: {  	s3 =	simm.s32 $0x108;
	s8 =	sld [smem:$0x3FAD]  }
0x2e: {  	s3 =	simm.s32 @!p0 $0x1082;
	s9 =	sld [smem:$0x3FAE]  }
0x2f: {  	lr =	sadd.s32 s0, s3;
	s0 =	sld [smem:$0x3FA5]  }
0x30: {  	s3 =	sld [smem:$0x3FA8]  }
0x31: {  	[smem:$0x3FB1] =	sst s10  }
0x32: {  	s10 =	sld [smem:$0x3FAF];
	_ =	sdelay $0x3  }
0x33: {  	p0 =	seq.s32 s10, $0x1;
	s10 =	sld [smem:$0x3FB1];
	_ =	sdelay $0x3  }
0x34: {  	[smem:$0x3FB1] =	sst s10  }
0x35: {  	s10 =	sld [smem:$0x3FB0];
	_ =	sdelay $0x3  }
0x36: {  	p1 =	seq.s32 s10, $0x1;
	s10 =	sld [smem:$0x3FB1];
	_ =	sdelay $0x3  }
0x37: {  	[smem:$0x3FB1] =	sst s10  }
0x38: {  	s10 =	sld [smem:$0x3FB2]  }
0x39: {  	_ = 	snop;
	(pc) =	sbr.ind lr, $3  }
0x3a: {  	_ = 	snop  }
0x3b: {  	_ = 	snop  }
0x3c: {  	p2 =	seq.s32 s10, $0x1;
	s10 =	sld [smem:$0x3FB1]  }
0x3d: {  	_ =	shalt  }
0x3e: {  	_ =	shalt  }
0x3f: {  	_ =	shalt  }
0x40: {  	_ =	shalt  }
0x41: {  	_ =	shalt  }
0x42: {  	_ =	shalt  }
0x43: {  	_ =	shalt  }
0x44: {  	_ =	shalt  }
0x45: {  	_ =	shalt  }
0x46: {  	_ =	shalt  }
0x47: {  	_ =	shalt  }
0x48: {  	_ =	shalt  }
0x49: {  	_ =	shalt  }
0x4a: {  	_ =	shalt  }
0x4b: {  	_ =	shalt  }
0x4c: {  	_ =	shalt  }
0x4d: {  	_ =	shalt  }
0x4e: {  	_ =	shalt  }
0x4f: {  	_ =	shalt  }
0x50: {  	_ =	shalt  }
0x51: {  	_ =	shalt  }
0x52: {  	_ =	shalt  }
0x53: {  	_ =	shalt  }
0x54: {  	_ =	shalt  }
0x55: {  	_ =	shalt  }
0x56: {  	_ =	shalt  }
0x57: {  	_ =	shalt  }
0x58: {  	_ =	shalt  }
0x59: {  	_ =	shalt  }
0x5a: {  	_ =	shalt  }
0x5b: {  	_ =	shalt  }
0x5c: {  	_ =	shalt  }
0x5d: {  	_ =	shalt  }
0x5e: {  	_ =	shalt  }
0x5f: {  	_ =	shalt  }
0x60: {  	_ =	shalt  }
0x61: {  	_ =	shalt  }
0x62: {  	_ =	shalt  }
0x63: {  	_ =	shalt  }
0x64: {  	_ =	shalt  }
0x65: {  	_ =	shalt  }
0x66: {  	_ =	shalt  }
0x67: {  	_ =	shalt  }
0x68: {  	_ =	shalt  }
0x69: {  	_ =	shalt  }
0x6a: {  	_ =	shalt  }
0x6b: {  	_ =	shalt  }
0x6c: {  	_ =	shalt  }
0x6d: {  	_ =	shalt  }
0x6e: {  	_ =	shalt  }
0x6f: {  	_ =	shalt  }
0x70: {  	_ =	shalt  }
0x71: {  	_ =	shalt  }
0x72: {  	_ =	shalt  }
0x73: {  	_ =	shalt  }
0x74: {  	_ =	shalt  }
0x75: {  	_ =	shalt  }
0x76: {  	_ =	shalt  }
0x77: {  	_ =	shalt  }
0x78: {  	_ =	shalt  }
0x79: {  	_ =	shalt  }
0x7a: {  	_ =	shalt  }
0x7b: {  	_ =	shalt  }
0x7c: {  	_ =	shalt  }
0x7d: {  	_ =	shalt  }
0x7e: {  	_ =	shalt  }
0x7f: {  	_ =	shalt  }
0x80: {  	_ =	shalt  }
0x81: {  	_ =	shalt  }
0x82: {  	_ =	shalt  }
0x83: {  	_ =	shalt  }
0x84: {  	_ =	shalt  }
0x85: {  	_ =	shalt  }
0x86: {  	_ =	shalt  }
0x87: {  	_ =	shalt  }
.Lfunc_end0:
.L_simem_size_0:
called_computation.2_lowered:
.L_overlay_start_0:
0x88: {  	s2 =	sld [smem:$0x3FD9]  }
0x89: {  	s3 =	sld [smem:$0x3FFE];
	_ =	sdelay $0x1  }
0x8a: {  	s1 =	srdreg.scid  }
0x8b: {  	s0 =	sand.u32 $0x1, s1  }
0x8c: {  	s16 =	sshll.u32 s0, $0xA;
	s2 =	sadd.s32 s3, s2  }
0x8d: {  	s2 =	sadd.s32 s2, s16  }
0x8e: {  	[smem:$0x3FBD] =	sst s2  }
0x8f: {  	_ = 	snop  }
0x90: {  	(tm) =	ssettm $0x1  }
0x91: {  	s17 =	sld [smem:$0x3FFB];
	_ =	sdelay $0x3  }
0x92: {  	_ =	strace s17  }
0x93: {  	s2 =	sld [smem:$0x3FFC];
	_ =	sdelay $0x3  }
0x94: {  	_ =	strace s2  }
0x95: {  	s2 =	sld [smem:$0x3FFD];
	_ =	sdelay $0x3  }
0x96: {  	_ =	strace s2  }
0x97: {  	_ =	strace $0x8FFFFFFF  }
0x98: {  	s18 =	sld [smem:$0x3FDB];
	_ =	sdelay $0x1  }
0x99: {  	s19 =	simm.s32 $_scs_section_size  }
0x9a: {  	s4 =	simm.s32 $_size__tile_overlayer_lowered;
	s5 =	simm.s32 $_tile_overlayer_lowered  }
0x9b: {  	s22 =	simm.s32 $0x1BFF;
	s21 =	sshll.u32 s5, $0x1;
	s2 =	sadd.s32 s19, s18  }
0x9c: {  	s6 =	simm.s32 $0x0;
	s20 =	sshll.u32 s4, $0x1;
	s4 =	sadd.s32 s21, s2  }
0x9d: {  	[timem:s6], [sflag:s22] =	dma.local [hbm:s4], s20  }
0x9e: {  	_ =	swait.ge [sflag:s22], s20  }
0x9f: {  	s3 =	ssub.s32 $0x0, s20;
	[sflag:s22] =	ssyncset.done $0x0  }
0xa0: {  	[sflag:s22] =	ssyncadd.s32 s3;
	_ =	sdelay $0x1  }
0xa1: {  	s23 =	simm.s32 $0x1B8B  }
0xa2: {  	_ =	swait.ge [sflag:s23], $0x1  }
0xa3: {  	[sflag:s23] =	ssyncset.done $0x0  }
0xa4: {  	s25 =	simm.s32 $0x1B8E;
	s24 =	sld [smem:$0x3FFE];
	[sflag:s23] =	ssyncadd.s32 $0xFFFFFFFF  }
0xa5: {  	s26 =	simm.s32 $execute0_lowered;
	[smem:$0x3FD2] =	sst s25  }
0xa6: {  	s4 =	sshll.u32 s26, $0x1;
	_ =	strace $0x8000004C;
	[dreg:$0x1] =	wrdreg $0xFFFFFFFF  }
0xa7: {  	s28 =	simm.s32 $_size_execute0_lowered;
	s2 =	sadd.s32 s2, s4;
	[dreg:$0x0] =	wrdreg $0x0  }
0xa8: {  	s4 =	sshll.u32 s28, $0x1;
	[dreg:$0x2] =	wrdreg s2  }
0xa9: {  	[dreg:$0x3] =	wrdreg s4  }
0xaa: {  	[dreg:$0x4] =	wrdreg $0xC0  }
0xab: {  	_ =	task [dreg:s6], $0x5FFFF  }
0xac: {  	[dreg:$0x1] =	wrdreg $0xFFFFFFFF  }
0xad: {  	[dreg:$0x0] =	wrdreg $0x60  }
0xae: {  	[dreg:$0x2] =	wrdreg s24  }
0xaf: {  	[dreg:$0x3] =	wrdreg $0xB8000  }
0xb0: {  	[dreg:$0x4] =	wrdreg $0x158000  }
0xb1: {  	[dreg:$0x5] =	wrdreg $0x9  }
0xb2: {  	_ =	task.clear_ibuf [dreg:s6], $0x6FFFF;
	_ =	strace $0x9000004C  }
0xb3: {  	s29 =	simm.s32 $0x9;
	_ =	strace $0x8000004E  }
0xb4: {  	_ =	swait.ge [sflag:s29], $0x1  }
0xb5: {  	[sflag:s29] =	ssyncadd.s32 $0xFFFFFFFF  }
0xb6: {  	_ =	strace $0x9000004E  }
0xb7: {  	_ =	sfence  }
0xb8: {  	s30 =	sld [smem:$0x0];
	_ =	sdelay $0x2  }
0xb9: {  	s31 =	sshll.u32 s1, $0xD;
	s1 =	sshrl.u32 s1, $0x2  }
0xba: {  	s3 =	sand.u32 $0x4000, s31;
	s1 =	sadd.s32 s1, s30  }
0xbb: {  	s0 =	sor.u32 s3, s0;
	s1 =	sshll.u32 s1, $0x11  }
0xbc: {  	s0 =	sor.u32 s1, s0  }
0xbd: {  	s0 =	sadd.s32 $0x8F2B, s0  }
0xbe: {  	[sflag:s0] =	ssyncadd.remote.s32 $0x1  }
0xbf: {  	_ =	sfence.sel $0xFFFF  }
0xc0: {  	[dreg:$0x0] =	wrdreg $0xFFFFFFFF;
	(pc) =	sbr.abs _section_cstart, $3  }
0xc1: {  	[dreg:$0x1] =	wrdreg $0xFFFFFFFF  }
0xc2: {  	_ =	task.clear_ibuf [dreg:s6], $0x2FFFF;
	_ =	strace $0x9FFFFFFF  }
0xc3: {  	(tm) =	ssettm $0x7FFFFFFF  }
tec
execute0_lowered:
.L_overlay_start_1:
0x0: {  	(tag) =	ssettag $0x1  }
0x1: {  	s0 =	srdreg.scid;
	s1 =	rddreg [dreg:$0x0]  }
0x2: {  	s2 =	rddreg [dreg:$0x1];
	s11 =	stileid.u32  }
0x3: {  	s3 =	rddreg [dreg:$0x2];
	s28 =	simm.s32 $0x2;
	s29 =	simm.s32 $0x80  }
0x4: {  	s30 =	simm.s32 $0x9000;
	s31 =	simm.s32 $0x3;
	s0 =	sand.u32 $0x1, s0  }
0x5: {  	s6 =	sadd.s32 $0x5C400, s1;
	s10 =	smul.u32 $0xA000, s11;
	s4 =	sshll.u32 s0, $0x4  }
0x6: {  	s8 =	ssub.s32 $0x2, s0;
	s0 =	smul.u32 $0xA0000, s0;
	s5 =	sor.u32 s11, s4  }
0x7: {  	s4 =	simm.s32 $0x0;
	s9 =	sshrl.u32 s8, $0x1;
	s21 =	sadd.s32 $0x2000, s10  }
0x8: {  	s12 =	sadd.s32 s10, s2;
	s23 =	sadd.s32 $0x4000, s10;
	s24 =	sadd.s32 $0x6000, s10  }
0x9: {  	s5 =	smul.u32 $0x500, s5;
	[smem:$0x7FF] =	sst s4;
	s8 =	ssub.s32 s8, s9  }
0xa: {  	s9 =	smul.u32 $0x280, s11;
	s20 =	sadd.s32 s0, s10;
	s13 =	sadd.s32 s0, s21  }
0xb: {  	s15 =	sadd.s32 s23, s2;
	s25 =	sadd.s32 s0, s24;
	s10 =	sadd.s32 $0x8000, s10  }
0xc: {  	s17 =	sadd.s32 s24, s2;
	s24 =	simm.s32 $0xB000;
	_ =	strace $0x8000004D  }
0xd: {  	[dreg:$0x6] =	wrdreg s12;
	s8 =	smax.u32 s8, $0x1;
	s22 =	sshrl.u32 s13, $0x3  }
0xe: {  	s13 =	sadd.s32 s21, s2;
	s26 =	sshrl.u32 s25, $0x3;
	s25 =	simm.s32 $0x5000  }
0xf: {  	s21 =	simm.s32 $0x0;
	s7 =	sadd.s32 s5, s1;
	s5 =	sadd.s32 $0x20400, s1  }
0x10: {  	s1 =	sadd.s32 $0x34400, s1;
	[dreg:$0x7] =	wrdreg s8;
	s19 =	sadd.s32 $0x16400, s7  }
0x11: {  	s7 =	sadd.s32 $0x2400, s7;
	s14 =	sadd.s32 s1, s22;
	s18 =	sadd.s32 s1, s26  }
0x12: {  	s22 =	simm.s32 $0x7000;
	[dreg:$0x5] =	wrdreg s7;
	s7 =	sshrl.u32 s20, $0x3  }
0x13: {  	s26 =	simm.s32 $0x1;
	[dreg:$0x4] =	wrdreg s19;
	s7 =	sadd.s32 s1, s7  }
0x14: {  	[dreg:$0x8] =	wrdreg s7;
	s7 =	sadd.s32 s0, s23;
	s0 =	sadd.s32 s0, s10  }
0x15: {  	s19 =	sadd.s32 s10, s2;
	s7 =	sshrl.u32 s7, $0x3;
	s0 =	sshrl.u32 s0, $0x3  }
0x16: {  	v0 =	vimm.f32 $0.0e+00;
	s23 =	simm.s32 $0x4;
	s16 =	sadd.s32 s1, s7;
	s20 =	sadd.s32 s1, s0  }
.LBB2_1:
0x17: {  	s0 =	rddreg [dreg:$0x4]  }
0x18: {  	[tilespmem:s4], [sflag:$0x1] =	stream.linear.gather [hbm4b:s0+s4], $0x2800, $0x38;
	[tilespmem:$0x1F800] =	vst v63  }
0x19: {  	s12 =	rddreg [dreg:$0x5];
	s1 =	simm.s32 $0x2800  }
0x1a: {  	[tilespmem:s1], [sflag:$0x2] =	stream.linear.gather [hbm4b:s12+s4], $0x2800, $0x38;
	[tilespmem:$0x1F800] =	vst v63  }
0x1b: {  	s0 =	simm.s32 $0x0;
	s1 =	simm.s32 $0x100  }
.LBB2_2:
0x1c: {  	p0 =	sne.s32 s1, $0x7F00;
	[tilespmem:s0+$0x7030] =	vst v0;
	s7 =	smov.u32 s1;
	s1 =	sadd.s32 $0x100, s1  }
.Ltmp0:
0x1d: {  	[tilespmem:s0+$0x7020] =	vst v0;
	(pc) =	sbr.rel @p0 .LBB2_2-.Ltmp0, $3  }
0x1e: {  	[tilespmem:s0+$0x7000] =	vst v0  }
0x1f: {  	[tilespmem:s0+$0x7010] =	vst v0;
	_ =	sdelay $0x1  }
0x20: {  	s0 =	sshra.s32 s7, $0x2  }
0x21: {  	[tilespmem:s0+$0x7030] =	vst v0  }
0x22: {  	[tilespmem:s0+$0x7020] =	vst v0  }
0x23: {  	[tilespmem:s0+$0x7000] =	vst v0  }
0x24: {  	s1 =	simm.s32 $0x0;
	[tilespmem:s0+$0x7010] =	vst v0;
	s0 =	simm.s32 $0x0  }
.LBB2_4:
0x25: {  	s7 =	sshll.u32 s0, $0x7  }
0x26: {  	s8 =	sadd.s32 s9, s7  }
0x27: {  	s7 =	sshll.u32 s8, $0x6  }
0x28: {  	s10 =	sadd.s32 s7, s2  }
0x29: {  	[spmem:s10] =	stream.linear.scatter [tilespmem:s22], [sflag:$0x4], $0x2000, $0x38;
	[tilespmem:$0x1F800] =	vst v63  }
0x2a: {  	_ =	swait.ge [sflag:s23], $0x2000  }
0x2b: {  	s11 =	sshll.u32 s8, $0x1;
	[sflag:s23] =	ssyncset.done $0x0  }
0x2c: {  	s10 =	sadd.s32 s6, s11;
	[sflag:s23] =	ssyncadd.s32 $0xFFFFE000  }
0x2d: {  	[tilespmem:s24], [sflag:$0x4] =	stream.linear.gather [hbm4b:s10+s1], $0x800, $0x38;
	[tilespmem:$0x1F800] =	vst v63  }
0x2e: {  	_ =	swait.ge [sflag:s23], $0x800  }
0x2f: {  	s8 =	sshll.u32 s8, $0x3;
	[sflag:s23] =	ssyncset.done $0x0  }
0x30: {  	s8 =	sadd.s32 s5, s8;
	[sflag:s23] =	ssyncadd.s32 $0xFFFFF800  }
0x31: {  	[tilespmem:s25], [sflag:$0x4] =	stream.linear.gather [hbm4b:s8+s1], $0x2000, $0x38;
	[tilespmem:$0x1F800] =	vst v63  }
0x32: {  	_ =	swait.ge [sflag:s23], $0x2000  }
0x33: {  	[sflag:s23] =	ssyncset.done $0x0  }
0x34: {  	s8 =	simm.s32 $0x5040;
	[sflag:s23] =	ssyncadd.s32 $0xFFFFE000  }
0x35: {  	s12 =	simm.s32 $0x0;
	v1 =	vld [tilespmem:s8+$0xFFFFFFF0]  }
0x36: {  	v2 =	vld [tilespmem:s12+$0xB000]  }
0x37: {  	v3 =	vld [tilespmem:s8+$0xFFFFFFC0]  }
0x38: {  	v4 =	vld [tilespmem:s8+$0xFFFFFFD0]  }
0x39: {  	v5 =	vld [tilespmem:s8+$0xFFFFFFE0];
	_ =	sdelay $0x1  }
0x3a: {  	v1 =	vmul.f32 v1, v2  }
0x3b: {  	v3 =	vmul.f32 v3, v2  }
0x3c: {  	v4 =	vmul.f32 v4, v2;
	[tilespmem:s8+$0xFFFFFFF0] =	vst v1  }
0x3d: {  	v5 =	vmul.f32 v5, v2;
	v2 =	vld [tilespmem:s8+$0x0];
	[tilespmem:s8+$0xFFFFFFC0] =	vst v3  }
0x3e: {  	[tilespmem:s8+$0xFFFFFFD0] =	vst v4;
	v1 =	vld [tilespmem:s8+$0x30]  }
0x3f: {  	[tilespmem:s8+$0xFFFFFFE0] =	vst v5;
	v4 =	vld [tilespmem:s8+$0x10]  }
0x40: {  	v3 =	vld [tilespmem:s12+$0xB010]  }
0x41: {  	s11 =	simm.s32 $0x80;
	s10 =	simm.s32 $0x5040;
	v5 =	vld [tilespmem:s8+$0x20]  }
.LBB2_5:
0x42: {  	_ = 	snop  }
0x43: {  	p0 =	sne.s32 s11, $0x1F80  }
0x44: {  	s8 =	sadd.s32 $0x80, s8;
	s12 =	smov.u32 s11;
	s11 =	sadd.s32 $0x80, s11  }
0x45: {  	v2 =	vmul.f32 v2, v3;
	v4 =	vmul.f32 v4, v3  }
0x46: {  	v1 =	vmul.f32 v1, v3;
	v5 =	vmul.f32 v5, v3  }
0x47: {  	[tilespmem:s10+$0x0] =	vst v2  }
0x48: {  	v2 =	vld [tilespmem:s8+$0xFFFFFFE0];
	[tilespmem:s10+$0x10] =	vst v4  }
0x49: {  	v3 =	vld [tilespmem:s8+$0xFFFFFFF0];
	[tilespmem:s10+$0x30] =	vst v1  }
0x4a: {  	s12 =	sshra.s32 s12, $0x2;
	v1 =	vld [tilespmem:s8+$0xFFFFFFC0];
	[tilespmem:s10+$0x20] =	vst v5;
	s10 =	smov.u32 s8  }
0x4b: {  	v4 =	vld [tilespmem:s12+$0xB000]  }
0x4c: {  	v5 =	vld [tilespmem:s8+$0xFFFFFFD0];
	_ =	sdelay $0x3  }
0x4d: {  	v1 =	vmul.f32 v1, v4;
	v3 =	vmul.f32 v3, v4  }
0x4e: {  	v5 =	vmul.f32 v5, v4;
	v4 =	vmul.f32 v2, v4  }
0x4f: {  	[tilespmem:s8+$0xFFFFFFF0] =	vst v3  }
.Ltmp1:
0x50: {  	[tilespmem:s8+$0xFFFFFFC0] =	vst v1;
	v2 =	vld [tilespmem:s8+$0x0];
	(pc) =	sbr.rel @p0 .LBB2_5-.Ltmp1, $4  }
0x51: {  	[tilespmem:s8+$0xFFFFFFD0] =	vst v5;
	v1 =	vld [tilespmem:s8+$0x30]  }
0x52: {  	[tilespmem:s8+$0xFFFFFFE0] =	vst v4;
	v4 =	vld [tilespmem:s8+$0x10]  }
0x53: {  	v3 =	vld [tilespmem:s12+$0xB010]  }
0x54: {  	v5 =	vld [tilespmem:s8+$0x20]  }
0x55: {  	_ =	sdelay $0x2  }
0x56: {  	v2 =	vmul.f32 v2, v3  }
0x57: {  	v4 =	vmul.f32 v4, v3  }
0x58: {  	v1 =	vmul.f32 v1, v3;
	[tilespmem:s10+$0x0] =	vst v2  }
0x59: {  	s0 =	sadd.s32 $0x1, s0;
	v2 =	vmul.f32 v5, v3;
	[tilespmem:s10+$0x10] =	vst v4  }
0x5a: {  	p0 =	sne.s32 s0, $0x5;
	[tilespmem:s10+$0x30] =	vst v1  }
.Ltmp2:
0x5b: {  	s7 =	sadd.s32 s7, s3;
	[tilespmem:s10+$0x20] =	vst v2;
	(pc) =	sbr.rel @p0 .LBB2_4-.Ltmp2, $4  }
0x5c: {  	[spmem:s7] =	stream.linear.scatter [tilespmem:s25], [sflag:$0x4], $0x2000, $0x38;
	[tilespmem:$0x1F800] =	vst v63  }
0x5d: {  	_ =	swait.ge [sflag:s23], $0x2000  }
0x5e: {  	[sflag:s23] =	ssyncset.done $0x0  }
0x5f: {  	[sflag:s23] =	ssyncadd.s32 $0xFFFFE000  }
0x60: {  	_ =	swait.ge [sflag:s26], $0x2800  }
0x61: {  	[sflag:s26] =	ssyncset.done $0x0  }
0x62: {  	[sflag:s26] =	ssyncadd.s32 $0xFFFFD800  }
0x63: {  	_ =	swait.ge [sflag:s28], $0x2800  }
0x64: {  	[sflag:s28] =	ssyncset.done $0x0  }
0x65: {  	[sflag:s28] =	ssyncadd.s32 $0xFFFFD800  }
0x66: {  	s0 =	simm.s32 $0x0;
	[bflag:$0x0] =	sbarrier.arrive $0xFFFF  }
0x67: {  	[tilespmem:s25], [sflag:$0x1] =	stream.indirect.gather [spmem:s3], $0x40, s0, s29, $0xb8;
	[tilespmem:$0x1F800] =	vst v63  }
0x68: {  	_ = 	snop  }
0x69: {  	[tilespmem:s22], [sflag:$0x2] =	stream.indirect.gather [spmem:s3], $0x40, s29, s29, $0xb8;
	[tilespmem:$0x1F800] =	vst v63  }
0x6a: {  	_ =	swait.ge [sflag:s26], $0x2000  }
0x6b: {  	[sflag:s26] =	ssyncset.done $0x0  }
0x6c: {  	s1 =	simm.s32 $0x100;
	[sflag:s26] =	ssyncadd.s32 $0xFFFFE000  }
0x6d: {  	[tilespmem:s30], [sflag:$0x3] =	stream.indirect.gather [spmem:s3], $0x40, s1, s29, $0xb8;
	[tilespmem:$0x1F800] =	vst v63  }
0x6e: {  	s7 =	simm.s32 $0x2800  }
0x6f: {  	[spmem:s2] =	stream.indirect.scatter.add.f32 [tilespmem:s25], [sflag:$0x4], $0x40, s7, s29, $0xb8;
	[tilespmem:$0x1F800] =	vst v63  }
0x70: {  	_ =	swait.ge [sflag:s23], $0x2000  }
0x71: {  	[sflag:s23] =	ssyncset.done $0x0  }
0x72: {  	[sflag:s23] =	ssyncadd.s32 $0xFFFFE000  }
0x73: {  	_ =	swait.ge [sflag:s28], $0x2000  }
0x74: {  	[sflag:s28] =	ssyncset.done $0x0  }
0x75: {  	s8 =	simm.s32 $0x180;
	[sflag:s28] =	ssyncadd.s32 $0xFFFFE000  }
0x76: {  	[tilespmem:s25], [sflag:$0x1] =	stream.indirect.gather [spmem:s3], $0x40, s8, s29, $0xb8;
	[tilespmem:$0x1F800] =	vst v63  }
0x77: {  	s10 =	simm.s32 $0x2880  }
0x78: {  	[spmem:s2] =	stream.indirect.scatter.add.f32 [tilespmem:s22], [sflag:$0x4], $0x40, s10, s29, $0xb8;
	[tilespmem:$0x1F800] =	vst v63  }
0x79: {  	_ =	swait.ge [sflag:s23], $0x2000  }
0x7a: {  	[sflag:s23] =	ssyncset.done $0x0  }
0x7b: {  	[sflag:s23] =	ssyncadd.s32 $0xFFFFE000  }
0x7c: {  	_ =	swait.ge [sflag:s31], $0x2000  }
0x7d: {  	[sflag:s31] =	ssyncset.done $0x0  }
0x7e: {  	s11 =	simm.s32 $0x200;
	[sflag:s31] =	ssyncadd.s32 $0xFFFFE000  }
0x7f: {  	[tilespmem:s22], [sflag:$0x2] =	stream.indirect.gather [spmem:s3], $0x40, s11, s29, $0xb8;
	[tilespmem:$0x1F800] =	vst v63  }
0x80: {  	s12 =	simm.s32 $0x2900  }
0x81: {  	[spmem:s2] =	stream.indirect.scatter.add.f32 [tilespmem:s30], [sflag:$0x4], $0x40, s12, s29, $0xb8;
	[tilespmem:$0x1F800] =	vst v63  }
0x82: {  	_ =	swait.ge [sflag:s23], $0x2000  }
0x83: {  	s0 =	simm.s32 $0x600;
	[sflag:s23] =	ssyncset.done $0x0  }
.LBB2_8:
0x84: {  	p0 =	sne.s32 s0, $0x9600  }
0x85: {  	[sflag:s23] =	ssyncadd.s32 $0xFFFFE000;
	s1 =	smov.u32 s0;
	s0 =	sadd.s32 $0x600, s0  }
0x86: {  	_ = 	snop  }
0x87: {  	_ =	swait.ge [sflag:s26], $0x2000  }
0x88: {  	s1 =	sshra.s32 s1, $0x2;
	[sflag:s26] =	ssyncset.done $0x0  }
0x89: {  	s7 =	sadd.s32 $0x100, s1;
	[sflag:s26] =	ssyncadd.s32 $0xFFFFE000  }
0x8a: {  	[tilespmem:s30], [sflag:$0x3] =	stream.indirect.gather [spmem:s3], $0x40, s7, s29, $0xb8;
	[tilespmem:$0x1F800] =	vst v63  }
0x8b: {  	s7 =	sadd.s32 $0x2800, s1  }
0x8c: {  	[spmem:s2] =	stream.indirect.scatter.add.f32 [tilespmem:s25], [sflag:$0x4], $0x40, s7, s29, $0xb8;
	[tilespmem:$0x1F800] =	vst v63  }
0x8d: {  	_ =	swait.ge [sflag:s23], $0x2000  }
0x8e: {  	[sflag:s23] =	ssyncset.done $0x0  }
0x8f: {  	[sflag:s23] =	ssyncadd.s32 $0xFFFFE000  }
0x90: {  	_ =	swait.ge [sflag:s28], $0x2000  }
0x91: {  	[sflag:s28] =	ssyncset.done $0x0  }
0x92: {  	s7 =	sadd.s32 $0x180, s1;
	[sflag:s28] =	ssyncadd.s32 $0xFFFFE000  }
0x93: {  	[tilespmem:s25], [sflag:$0x1] =	stream.indirect.gather [spmem:s3], $0x40, s7, s29, $0xb8;
	[tilespmem:$0x1F800] =	vst v63  }
0x94: {  	s7 =	sadd.s32 $0x2880, s1  }
0x95: {  	[spmem:s2] =	stream.indirect.scatter.add.f32 [tilespmem:s22], [sflag:$0x4], $0x40, s7, s29, $0xb8;
	[tilespmem:$0x1F800] =	vst v63  }
0x96: {  	_ =	swait.ge [sflag:s23], $0x2000  }
0x97: {  	[sflag:s23] =	ssyncset.done $0x0  }
0x98: {  	[sflag:s23] =	ssyncadd.s32 $0xFFFFE000  }
0x99: {  	_ =	swait.ge [sflag:s31], $0x2000  }
0x9a: {  	[sflag:s31] =	ssyncset.done $0x0  }
0x9b: {  	s7 =	sadd.s32 $0x200, s1;
	[sflag:s31] =	ssyncadd.s32 $0xFFFFE000  }
0x9c: {  	[tilespmem:s22], [sflag:$0x2] =	stream.indirect.gather [spmem:s3], $0x40, s7, s29, $0xb8;
	[tilespmem:$0x1F800] =	vst v63  }
.Ltmp3:
0x9d: {  	_ = 	snop;
	(pc) =	sbr.rel @p0 .LBB2_8-.Ltmp3, $4  }
0x9e: {  	s1 =	sadd.s32 $0x2900, s1  }
0x9f: {  	[spmem:s2] =	stream.indirect.scatter.add.f32 [tilespmem:s30], [sflag:$0x4], $0x40, s1, s29, $0xb8;
	[tilespmem:$0x1F800] =	vst v63  }
0xa0: {  	_ =	swait.ge [sflag:s23], $0x2000  }
0xa1: {  	[sflag:s23] =	ssyncset.done $0x0  }
0xa2: {  	[sflag:s23] =	ssyncadd.s32 $0xFFFFE000  }
0xa3: {  	_ =	swait.ge [sflag:s26], $0x2000  }
0xa4: {  	[sflag:s26] =	ssyncset.done $0x0  }
0xa5: {  	s0 =	simm.s32 $0x4F00;
	[sflag:s26] =	ssyncadd.s32 $0xFFFFE000  }
0xa6: {  	[spmem:s2] =	stream.indirect.scatter.add.f32 [tilespmem:s25], [sflag:$0x4], $0x40, s0, s29, $0xb8;
	[tilespmem:$0x1F800] =	vst v63  }
0xa7: {  	_ =	swait.ge [sflag:s23], $0x2000  }
0xa8: {  	[sflag:s23] =	ssyncset.done $0x0  }
0xa9: {  	[sflag:s23] =	ssyncadd.s32 $0xFFFFE000  }
0xaa: {  	_ =	swait.ge [sflag:s28], $0x2000  }
0xab: {  	[sflag:s28] =	ssyncset.done $0x0  }
0xac: {  	s8 =	simm.s32 $0x4F80;
	[sflag:s28] =	ssyncadd.s32 $0xFFFFE000  }
0xad: {  	[spmem:s2] =	stream.indirect.scatter.add.f32 [tilespmem:s22], [sflag:$0x4], $0x40, s8, s29, $0xb8;
	[tilespmem:$0x1F800] =	vst v63  }
0xae: {  	_ =	swait.ge [sflag:s23], $0x2000  }
0xaf: {  	[sflag:s23] =	ssyncset.done $0x0  }
0xb0: {  	[sflag:s23] =	ssyncadd.s32 $0xFFFFE000  }
0xb1: {  	[bflag:$0x0] =	sbarrier.arrive $0xFFFF  }
0xb2: {  	s10 =	rddreg [dreg:$0x6]  }
0xb3: {  	[tilespmem:s25], [sflag:$0x4] =	stream.linear.gather [spmem:s10], $0x2000, $0x38;
	[tilespmem:$0x1F800] =	vst v63  }
0xb4: {  	_ =	swait.ge [sflag:s23], $0x2000  }
0xb5: {  	[sflag:s23] =	ssyncset.done $0x0  }
0xb6: {  	s11 =	rddreg [dreg:$0x8];
	[sflag:s23] =	ssyncadd.s32 $0xFFFFE000  }
0xb7: {  	[hbm4b:s11+s4] =	stream.linear.scatter [tilespmem:s25], [sflag:$0x4], $0x2000, $0x38;
	[tilespmem:$0x1F800] =	vst v63  }
0xb8: {  	_ =	swait.ge [sflag:s23], $0x2000  }
0xb9: {  	[sflag:s23] =	ssyncset.done $0x0  }
0xba: {  	[sflag:s23] =	ssyncadd.s32 $0xFFFFE000  }
0xbb: {  	[tilespmem:s25], [sflag:$0x4] =	stream.linear.gather [spmem:s13], $0x2000, $0x38;
	[tilespmem:$0x1F800] =	vst v63  }
0xbc: {  	_ =	swait.ge [sflag:s23], $0x2000  }
0xbd: {  	[sflag:s23] =	ssyncset.done $0x0  }
0xbe: {  	[sflag:s23] =	ssyncadd.s32 $0xFFFFE000  }
0xbf: {  	[hbm4b:s14+s4] =	stream.linear.scatter [tilespmem:s25], [sflag:$0x4], $0x2000, $0x38;
	[tilespmem:$0x1F800] =	vst v63  }
0xc0: {  	_ =	swait.ge [sflag:s23], $0x2000  }
0xc1: {  	[sflag:s23] =	ssyncset.done $0x0  }
0xc2: {  	[sflag:s23] =	ssyncadd.s32 $0xFFFFE000  }
0xc3: {  	[tilespmem:s25], [sflag:$0x4] =	stream.linear.gather [spmem:s15], $0x2000, $0x38;
	[tilespmem:$0x1F800] =	vst v63  }
0xc4: {  	_ =	swait.ge [sflag:s23], $0x2000  }
0xc5: {  	[sflag:s23] =	ssyncset.done $0x0  }
0xc6: {  	[sflag:s23] =	ssyncadd.s32 $0xFFFFE000  }
0xc7: {  	[hbm4b:s16+s4] =	stream.linear.scatter [tilespmem:s25], [sflag:$0x4], $0x2000, $0x38;
	[tilespmem:$0x1F800] =	vst v63  }
0xc8: {  	_ =	swait.ge [sflag:s23], $0x2000  }
0xc9: {  	[sflag:s23] =	ssyncset.done $0x0  }
0xca: {  	[sflag:s23] =	ssyncadd.s32 $0xFFFFE000  }
0xcb: {  	[tilespmem:s25], [sflag:$0x4] =	stream.linear.gather [spmem:s17], $0x2000, $0x38;
	[tilespmem:$0x1F800] =	vst v63  }
0xcc: {  	_ =	swait.ge [sflag:s23], $0x2000  }
0xcd: {  	[sflag:s23] =	ssyncset.done $0x0  }
0xce: {  	[sflag:s23] =	ssyncadd.s32 $0xFFFFE000  }
0xcf: {  	[hbm4b:s18+s4] =	stream.linear.scatter [tilespmem:s25], [sflag:$0x4], $0x2000, $0x38;
	[tilespmem:$0x1F800] =	vst v63  }
0xd0: {  	_ =	swait.ge [sflag:s23], $0x2000  }
0xd1: {  	[sflag:s23] =	ssyncset.done $0x0  }
0xd2: {  	[sflag:s23] =	ssyncadd.s32 $0xFFFFE000  }
0xd3: {  	[tilespmem:s25], [sflag:$0x4] =	stream.linear.gather [spmem:s19], $0x2000, $0x38;
	[tilespmem:$0x1F800] =	vst v63  }
0xd4: {  	_ =	swait.ge [sflag:s23], $0x2000  }
0xd5: {  	[sflag:s23] =	ssyncset.done $0x0  }
0xd6: {  	[sflag:s23] =	ssyncadd.s32 $0xFFFFE000  }
0xd7: {  	[hbm4b:s20+s4] =	stream.linear.scatter [tilespmem:s25], [sflag:$0x4], $0x2000, $0x38;
	[tilespmem:$0x1F800] =	vst v63  }
0xd8: {  	_ =	swait.ge [sflag:s23], $0x2000  }
0xd9: {  	s21 =	sadd.s32 $0x1, s21;
	s12 =	rddreg [dreg:$0x7]  }
0xda: {  	p0 =	sne.s32 s21, s12  }
.Ltmp4:
0xdb: {  	_ = 	snop;
	(pc) =	sbr.rel @p0 .LBB2_1-.Ltmp4, $3  }
0xdc: {  	_ =	sdelay $0x1  }
0xdd: {  	[sflag:s23] =	ssyncset.done $0x0  }
0xde: {  	[sflag:s23] =	ssyncadd.s32 $0xFFFFE000  }
0xdf: {  	_ =	sfence.sel $0x180000  }
0xe0: {  	[bflag:$0x0] =	sbarrier.arrive $0xFFFF  }
0xe1: {  	_ =	strace $0x9000004D  }
0xe2: {  	s0 =	stileid.u32;
	[bflag:$0x2] =	sbarrier.arrive $0xFFFF  }
0xe3: {  	p0 =	sne.s32 s0, $0x0;
	s0 =	rddreg [dreg:$0x3]  }
0xe4: {  	s0 =	sadd.s32 @!p0 $0x100000, s0  }
0xe5: {  	[sflag:s0] =	ssyncadd.tile.s32 @!p0 $0x1;
	_ =	shalt  }
.Lfunc_end2:
_tile_overlayer_lowered:
.L_overlay_start_2:
0xe6: {  	(tag) =	ssettag $0x2  }
0xe7: {  	s0 =	rddreg [dreg:$0x0];
	s2 =	stileid.u32  }
0xe8: {  	s1 =	rddreg [dreg:$0x1];
	p0 =	sne.s32 s2, $0x0  }
0xe9: {  	s3 =	rddreg [dreg:$0x2];
	[bflag:$0x3] =	sbarrier.arrive $0xFFFF;
	s2 =	simm.s32 @!p0 $0x1C04  }
0xea: {  	[timem:s3], [sflag:s2] =	dma.local @!p0 [hbm:s0], s1  }
0xeb: {  	s0 =	simm.s32 @!p0 $0x4  }
0xec: {  	_ =	swait.ge @!p0 [sflag:s0], s1  }
0xed: {  	s1 =	ssub.s32 @!p0 $0x0, s1;
	[sflag:s0] =	ssyncset.done @!p0 $0x0  }
0xee: {  	[sflag:s0] =	ssyncadd.s32 @!p0 s1  }
0xef: {  	[bflag:$0x3] =	sbarrier.arrive $0xFFFF  }
0xf0: {  	_ =	shalt  }

// kernel: kernel.8.cloned.1.call-start
scs
__scs_entry_jumppad:
0x0: {  	(pc) =	sbr.rel $0x88, $3  }
0x1: {  	(tag) =	ssettag $0x0;
	lr =	simm.s32 $0x1  }
0x2: {  	[smem:$0x3F96] =	sst lr;
	_ =	strace $0xD0000000  }
0x3: {  	_ = 	snop  }
0x4: {  	_ = 	snop  }
0x5: {  	_ = 	snop  }
0x6: {  	_ = 	snop  }
0x7: {  	_ = 	snop  }
__scs_overlays_trampoline_lowered:
0x8: {  	[smem:$0x3FA5] =	sst s0  }
0x9: {  	[smem:$0x3FA6] =	sst s1  }
0xa: {  	[smem:$0x3FA7] =	sst s2  }
0xb: {  	[smem:$0x3FA8] =	sst s3  }
0xc: {  	[smem:$0x3FA9] =	sst s4  }
0xd: {  	[smem:$0x3FAA] =	sst s5  }
0xe: {  	[smem:$0x3FAB] =	sst s6  }
0xf: {  	[smem:$0x3FAC] =	sst s7  }
0x10: {  	[smem:$0x3FAD] =	sst s8  }
0x11: {  	[smem:$0x3FAE] =	sst s9;
	s0 =	simm.s32 @!p0 $0x0  }
0x12: {  	s1 =	sld [smem:$0x3F94];
	s0 =	simm.s32 @p0 $0x1  }
0x13: {  	[smem:$0x3FAF] =	sst s0;
	s0 =	simm.s32 @!p1 $0x0  }
0x14: {  	s2 =	sld [smem:$0x3F93];
	s0 =	simm.s32 @p1 $0x1  }
0x15: {  	[smem:$0x3FB0] =	sst s0;
	s0 =	simm.s32 @!p2 $0x0  }
0x16: {  	s3 =	sld [smem:$0x3FDB];
	s0 =	simm.s32 @p2 $0x1  }
0x17: {  	s4 =	simm.s32 $0x1BF5;
	[smem:$0x3FB2] =	sst s0  }
0x18: {  	s0 =	sld [smem:$0x3F95];
	_ =	swait.ge [sflag:s4], $0x0  }
0x19: {  	s7 =	sld [smem:$0x3F96]  }
0x1a: {  	s8 =	sadd.s32 $0xFFFFE003, lr  }
0x1b: {  	s9 =	sadd.s32 $0xFFFFFEF7, lr;
	s5 =	simm.s32 $0xFFFFFFFF;
	p2 =	slt.u32 s8, $0xFFFFF086  }
0x1c: {  	p1 =	slt.u32 s9, $0xF7A;
	s5 =	simm.s32 @!p2 $0x0  }
0x1d: {  	s5 =	simm.s32 @p1 $0x1;
	p0 =	seq.s32 s7, s2  }
0x1e: {  	s7 =	smul.u32 @!p0 $0xF7A, s2;
	p2 =	seq.s32 @!p0 s5, $0x0  }
0x1f: {  	s9 =	smul.u32 $0xF7A, s1;
	s8 =	simm.s32 @!p0 $0x1BF5;
	p2 =	por !p2, p0  }
0x20: {  	[sflag:s8] =	ssyncset.s32 @!p0 $0xFFFFF086;
	s6 =	sadd.s32 @!p0 s3, s7;
	s7 =	simm.s32 @!p0 $0x108  }
0x21: {  	s3 =	sadd.s32 s3, s9;
	s6 =	sadd.s32 @!p0 $0x88, s6;
	s7 =	simm.s32 @p2 $0x1082  }
0x22: {  	[simem:s7], [sflag:s8] =	dma.local @!p0 [hbm:s6], $0xF7A  }
0x23: {  	s9 =	sor.u32 $0xD0000000, s2;
	s6 =	simm.s32 $0x108;
	_ =	swait.ge @!p0 [sflag:s8], $0x0  }
0x24: {  	s3 =	sadd.s32 $0x88, s3;
	s6 =	simm.s32 @!p1 $0x1082;
	[sflag:s4] =	ssyncset.s32 $0xFFFFF086  }
0x25: {  	[simem:s6], [sflag:s4] =	dma.local [hbm:s3], $0xF7A  }
0x26: {  	[smem:$0x3F96] =	sst s1;
	(tag) =	ssettag s2;
	_ =	strace s9  }
0x27: {  	s1 =	sld [smem:$0x3FA6]  }
0x28: {  	s2 =	sld [smem:$0x3FA7]  }
0x29: {  	s4 =	sld [smem:$0x3FA9]  }
0x2a: {  	p0 =	seq.s32 s5, $0x0;
	s5 =	sld [smem:$0x3FAA]  }
0x2b: {  	s6 =	sld [smem:$0x3FAB]  }
0x2c: {  	s7 =	sld [smem:$0x3FAC]  }
0x2d: {  	s3 =	simm.s32 $0x108;
	s8 =	sld [smem:$0x3FAD]  }
0x2e: {  	s3 =	simm.s32 @!p0 $0x1082;
	s9 =	sld [smem:$0x3FAE]  }
0x2f: {  	lr =	sadd.s32 s0, s3;
	s0 =	sld [smem:$0x3FA5]  }
0x30: {  	s3 =	sld [smem:$0x3FA8]  }
0x31: {  	[smem:$0x3FB1] =	sst s10  }
0x32: {  	s10 =	sld [smem:$0x3FAF];
	_ =	sdelay $0x3  }
0x33: {  	p0 =	seq.s32 s10, $0x1;
	s10 =	sld [smem:$0x3FB1];
	_ =	sdelay $0x3  }
0x34: {  	[smem:$0x3FB1] =	sst s10  }
0x35: {  	s10 =	sld [smem:$0x3FB0];
	_ =	sdelay $0x3  }
0x36: {  	p1 =	seq.s32 s10, $0x1;
	s10 =	sld [smem:$0x3FB1];
	_ =	sdelay $0x3  }
0x37: {  	[smem:$0x3FB1] =	sst s10  }
0x38: {  	s10 =	sld [smem:$0x3FB2]  }
0x39: {  	_ = 	snop;
	(pc) =	sbr.ind lr, $3  }
0x3a: {  	_ = 	snop  }
0x3b: {  	_ = 	snop  }
0x3c: {  	p2 =	seq.s32 s10, $0x1;
	s10 =	sld [smem:$0x3FB1]  }
0x3d: {  	_ =	shalt  }
0x3e: {  	_ =	shalt  }
0x3f: {  	_ =	shalt  }
0x40: {  	_ =	shalt  }
0x41: {  	_ =	shalt  }
0x42: {  	_ =	shalt  }
0x43: {  	_ =	shalt  }
0x44: {  	_ =	shalt  }
0x45: {  	_ =	shalt  }
0x46: {  	_ =	shalt  }
0x47: {  	_ =	shalt  }
0x48: {  	_ =	shalt  }
0x49: {  	_ =	shalt  }
0x4a: {  	_ =	shalt  }
0x4b: {  	_ =	shalt  }
0x4c: {  	_ =	shalt  }
0x4d: {  	_ =	shalt  }
0x4e: {  	_ =	shalt  }
0x4f: {  	_ =	shalt  }
0x50: {  	_ =	shalt  }
0x51: {  	_ =	shalt  }
0x52: {  	_ =	shalt  }
0x53: {  	_ =	shalt  }
0x54: {  	_ =	shalt  }
0x55: {  	_ =	shalt  }
0x56: {  	_ =	shalt  }
0x57: {  	_ =	shalt  }
0x58: {  	_ =	shalt  }
0x59: {  	_ =	shalt  }
0x5a: {  	_ =	shalt  }
0x5b: {  	_ =	shalt  }
0x5c: {  	_ =	shalt  }
0x5d: {  	_ =	shalt  }
0x5e: {  	_ =	shalt  }
0x5f: {  	_ =	shalt  }
0x60: {  	_ =	shalt  }
0x61: {  	_ =	shalt  }
0x62: {  	_ =	shalt  }
0x63: {  	_ =	shalt  }
0x64: {  	_ =	shalt  }
0x65: {  	_ =	shalt  }
0x66: {  	_ =	shalt  }
0x67: {  	_ =	shalt  }
0x68: {  	_ =	shalt  }
0x69: {  	_ =	shalt  }
0x6a: {  	_ =	shalt  }
0x6b: {  	_ =	shalt  }
0x6c: {  	_ =	shalt  }
0x6d: {  	_ =	shalt  }
0x6e: {  	_ =	shalt  }
0x6f: {  	_ =	shalt  }
0x70: {  	_ =	shalt  }
0x71: {  	_ =	shalt  }
0x72: {  	_ =	shalt  }
0x73: {  	_ =	shalt  }
0x74: {  	_ =	shalt  }
0x75: {  	_ =	shalt  }
0x76: {  	_ =	shalt  }
0x77: {  	_ =	shalt  }
0x78: {  	_ =	shalt  }
0x79: {  	_ =	shalt  }
0x7a: {  	_ =	shalt  }
0x7b: {  	_ =	shalt  }
0x7c: {  	_ =	shalt  }
0x7d: {  	_ =	shalt  }
0x7e: {  	_ =	shalt  }
0x7f: {  	_ =	shalt  }
0x80: {  	_ =	shalt  }
0x81: {  	_ =	shalt  }
0x82: {  	_ =	shalt  }
0x83: {  	_ =	shalt  }
0x84: {  	_ =	shalt  }
0x85: {  	_ =	shalt  }
0x86: {  	_ =	shalt  }
0x87: {  	_ =	shalt  }
.Lfunc_end0:
.L_simem_size_0:
called_computation_lowered:
.L_overlay_start_0:
0x88: {  	s2 =	sld [smem:$0x3FD9]  }
0x89: {  	s3 =	sld [smem:$0x3FFE];
	_ =	sdelay $0x1  }
0x8a: {  	s1 =	srdreg.scid  }
0x8b: {  	s0 =	sand.u32 $0x1, s1  }
0x8c: {  	s16 =	sshll.u32 s0, $0xA;
	s2 =	sadd.s32 s3, s2  }
0x8d: {  	s2 =	sadd.s32 s2, s16  }
0x8e: {  	[smem:$0x3FBD] =	sst s2  }
0x8f: {  	_ = 	snop  }
0x90: {  	(tm) =	ssettm $0x1  }
0x91: {  	s17 =	sld [smem:$0x3FFB];
	_ =	sdelay $0x3  }
0x92: {  	_ =	strace s17  }
0x93: {  	s2 =	sld [smem:$0x3FFC];
	_ =	sdelay $0x3  }
0x94: {  	_ =	strace s2  }
0x95: {  	s2 =	sld [smem:$0x3FFD];
	_ =	sdelay $0x3  }
0x96: {  	_ =	strace s2  }
0x97: {  	_ =	strace $0x8FFFFFFF  }
0x98: {  	s18 =	sld [smem:$0x3FDB];
	_ =	sdelay $0x1  }
0x99: {  	s19 =	simm.s32 $_scs_section_size  }
0x9a: {  	s4 =	simm.s32 $_size__tile_overlayer_lowered;
	s5 =	simm.s32 $_tile_overlayer_lowered  }
0x9b: {  	s22 =	simm.s32 $0x1BFF;
	s21 =	sshll.u32 s5, $0x1;
	s2 =	sadd.s32 s19, s18  }
0x9c: {  	s6 =	simm.s32 $0x0;
	s20 =	sshll.u32 s4, $0x1;
	s4 =	sadd.s32 s21, s2  }
0x9d: {  	[timem:s6], [sflag:s22] =	dma.local [hbm:s4], s20  }
0x9e: {  	_ =	swait.ge [sflag:s22], s20  }
0x9f: {  	s3 =	ssub.s32 $0x0, s20;
	[sflag:s22] =	ssyncset.done $0x0  }
0xa0: {  	[sflag:s22] =	ssyncadd.s32 s3;
	_ =	sdelay $0x1  }
0xa1: {  	s23 =	simm.s32 $0x1B8B  }
0xa2: {  	_ =	swait.ge [sflag:s23], $0x1  }
0xa3: {  	[sflag:s23] =	ssyncset.done $0x0  }
0xa4: {  	s25 =	simm.s32 $0x1B8E;
	s24 =	sld [smem:$0x3FFE];
	[sflag:s23] =	ssyncadd.s32 $0xFFFFFFFF  }
0xa5: {  	s26 =	simm.s32 $execute0_lowered;
	[smem:$0x3FD2] =	sst s25  }
0xa6: {  	s4 =	sshll.u32 s26, $0x1;
	_ =	strace $0x80000046;
	[dreg:$0x1] =	wrdreg $0xFFFFFFFF  }
0xa7: {  	s28 =	simm.s32 $_size_execute0_lowered;
	s2 =	sadd.s32 s2, s4;
	[dreg:$0x0] =	wrdreg $0x0  }
0xa8: {  	s4 =	sshll.u32 s28, $0x1;
	[dreg:$0x2] =	wrdreg s2  }
0xa9: {  	[dreg:$0x3] =	wrdreg s4  }
0xaa: {  	[dreg:$0x4] =	wrdreg $0xC0  }
0xab: {  	_ =	task [dreg:s6], $0x5FFFF  }
0xac: {  	[dreg:$0x1] =	wrdreg $0xFFFFFFFF  }
0xad: {  	[dreg:$0x0] =	wrdreg $0x60  }
0xae: {  	[dreg:$0x2] =	wrdreg s24  }
0xaf: {  	[dreg:$0x3] =	wrdreg $0x58000  }
0xb0: {  	[dreg:$0x4] =	wrdreg $0x9  }
0xb1: {  	_ =	task.clear_ibuf [dreg:s6], $0x5FFFF;
	_ =	strace $0x90000046  }
0xb2: {  	s29 =	simm.s32 $0x9;
	_ =	strace $0x80000048  }
0xb3: {  	_ =	swait.ge [sflag:s29], $0x1  }
0xb4: {  	[sflag:s29] =	ssyncadd.s32 $0xFFFFFFFF  }
0xb5: {  	_ =	strace $0x90000048  }
0xb6: {  	_ =	sfence  }
0xb7: {  	s30 =	sld [smem:$0x0];
	_ =	sdelay $0x2  }
0xb8: {  	s31 =	sshll.u32 s1, $0xD;
	s1 =	sshrl.u32 s1, $0x2  }
0xb9: {  	s3 =	sand.u32 $0x4000, s31;
	s1 =	sadd.s32 s1, s30  }
0xba: {  	s0 =	sor.u32 s3, s0;
	s1 =	sshll.u32 s1, $0x11  }
0xbb: {  	s0 =	sor.u32 s1, s0  }
0xbc: {  	s0 =	sadd.s32 $0x8F2B, s0  }
0xbd: {  	[sflag:s0] =	ssyncadd.remote.s32 $0x1  }
0xbe: {  	_ =	sfence.sel $0xFFFF  }
0xbf: {  	[dreg:$0x0] =	wrdreg $0xFFFFFFFF;
	(pc) =	sbr.abs _section_cstart, $3  }
0xc0: {  	[dreg:$0x1] =	wrdreg $0xFFFFFFFF  }
0xc1: {  	_ =	task.clear_ibuf [dreg:s6], $0x2FFFF;
	_ =	strace $0x9FFFFFFF  }
0xc2: {  	(tm) =	ssettm $0x7FFFFFFF  }
0xc3: {  	_ =	shalt  }
tec
execute0_lowered:
.L_overlay_start_1:
0x0: {  	(tag) =	ssettag $0x1  }
0x1: {  	s4 =	rddreg [dreg:$0x0];
	s0 =	srdreg.scid  }
0x2: {  	s2 =	rddreg [dreg:$0x1];
	s1 =	stileid.u32  }
0x3: {  	s3 =	simm.s32 $0x0;
	s10 =	simm.s32 $0x80;
	s11 =	simm.s32 $0x2800  }
0x4: {  	s12 =	simm.s32 $0x1;
	s5 =	sand.u32 $0x1, s0;
	s7 =	smul.u32 $0x2800, s1  }
0x5: {  	s0 =	rddreg [dreg:$0x2];
	s6 =	sshll.u32 s5, $0x4;
	s8 =	smul.u32 $0x28000, s5  }
0x6: {  	s13 =	simm.s32 $0x0;
	[smem:$0x7FF] =	sst s3;
	s6 =	sor.u32 s1, s6  }
0x7: {  	s5 =	ssub.s32 $0x2, s5;
	s6 =	smul.u32 $0x500, s6;
	s8 =	sadd.s32 s7, s8  }
0x8: {  	_ =	strace $0x80000047;
	s9 =	sshrl.u32 s5, $0x1;
	s8 =	sshrl.u32 s8, $0x3  }
0x9: {  	s9 =	ssub.s32 s5, s9;
	s6 =	sadd.s32 s6, s4;
	s8 =	sadd.s32 s8, s4  }
0xa: {  	s4 =	sadd.s32 s7, s2;
	s7 =	smax.u32 s9, $0x1;
	s9 =	simm.s32 $0x2  }
0xb: {  	v0 =	vimm.f32 $1.000000000e+00;
	v1 =	vimm.f32 $0.0e+00;
	s5 =	sadd.s32 $0x2400, s6;
	s6 =	sadd.s32 $0xC400, s8;
	s8 =	simm.s32 $0x3000  }
.LBB2_1:
0xc: {  	s14 =	simm.s32 $0x0  }
.LBB2_2:
0xd: {  	p0 =	sne.s32 s14, $0x1FC0  }
.Ltmp0:
0xe: {  	_ = 	snop;
	(pc) =	sbr.rel @p0 .LBB2_2-.Ltmp0, $3  }
0xf: {  	_ =	sdelay $0x1  }
0x10: {  	s15 =	sshra.s32 s14, $0x2  }
0x11: {  	s14 =	sadd.s32 $0x40, s14;
	[tilespmem:s15+$0x2800] =	vst v0  }
0x12: {  	s14 =	simm.s32 $0x40;
	s15 =	simm.s32 $0x0  }
.LBB2_4:
0x13: {  	p0 =	sne.s32 s14, $0x9FC0;
	[tilespmem:s15+$0x3000] =	vst v1;
	s15 =	smov.u32 s14;
	s14 =	sadd.s32 $0x40, s14  }
.Ltmp1:
0x14: {  	(pc) =	sbr.rel @p0 .LBB2_4-.Ltmp1, $2  }
0x15: {  	_ =	sdelay $0x2  }
0x16: {  	s15 =	sshra.s32 s15, $0x2  }
0x17: {  	[tilespmem:s15+$0x3000] =	vst v1  }
0x18: {  	[spmem:s4] =	stream.linear.scatter [tilespmem:s8], [sflag:$0x2], $0x2800, $0x38;
	[tilespmem:$0x8000] =	vst v63  }
0x19: {  	_ =	swait.ge [sflag:s9], $0x2800  }
0x1a: {  	[sflag:s9] =	ssyncset.done $0x0  }
0x1b: {  	s14 =	simm.s32 $0x0;
	[sflag:s9] =	ssyncadd.s32 $0xFFFFD800  }
0x1c: {  	[tilespmem:s14], [sflag:$0x2] =	stream.linear.gather [hbm4b:s5+s14], $0x2800, $0x38;
	[tilespmem:$0x8000] =	vst v63  }
0x1d: {  	_ =	swait.ge [sflag:s9], $0x2800  }
0x1e: {  	[sflag:s9] =	ssyncset.done $0x0  }
0x1f: {  	[sflag:s9] =	ssyncadd.s32 $0xFFFFD800  }
0x20: {  	s23 =	simm.s32 $0x0;
	[bflag:$0x0] =	sbarrier.arrive $0xFFFF  }
0x21: {  	[spmem:s2] =	stream.indirect.scatter.add.f32 [tilespmem:s11], [sflag:$0x1], $0x10, s23, s10, $0xb8;
	[tilespmem:$0x8000] =	vst v63  }
0x22: {  	s24 =	simm.s32 $0x80  }
0x23: {  	[spmem:s2] =	stream.indirect.scatter.add.f32 [tilespmem:s11], [sflag:$0x1], $0x10, s24, s10, $0xb8;
	[tilespmem:$0x8000] =	vst v63  }
0x24: {  	s25 =	simm.s32 $0x100  }
0x25: {  	[spmem:s2] =	stream.indirect.scatter.add.f32 [tilespmem:s11], [sflag:$0x1], $0x10, s25, s10, $0xb8;
	[tilespmem:$0x8000] =	vst v63  }
0x26: {  	s26 =	simm.s32 $0x180  }
0x27: {  	[spmem:s2] =	stream.indirect.scatter.add.f32 [tilespmem:s11], [sflag:$0x1], $0x10, s26, s10, $0xb8;
	[tilespmem:$0x8000] =	vst v63  }
0x28: {  	s28 =	simm.s32 $0x200  }
0x29: {  	[spmem:s2] =	stream.indirect.scatter.add.f32 [tilespmem:s11], [sflag:$0x1], $0x10, s28, s10, $0xb8;
	[tilespmem:$0x8000] =	vst v63  }
0x2a: {  	s29 =	simm.s32 $0x280  }
0x2b: {  	[spmem:s2] =	stream.indirect.scatter.add.f32 [tilespmem:s11], [sflag:$0x1], $0x10, s29, s10, $0xb8;
	[tilespmem:$0x8000] =	vst v63  }
0x2c: {  	s30 =	simm.s32 $0x300  }
0x2d: {  	[spmem:s2] =	stream.indirect.scatter.add.f32 [tilespmem:s11], [sflag:$0x1], $0x10, s30, s10, $0xb8;
	[tilespmem:$0x8000] =	vst v63  }
0x2e: {  	s31 =	simm.s32 $0x380  }
0x2f: {  	[spmem:s2] =	stream.indirect.scatter.add.f32 [tilespmem:s11], [sflag:$0x1], $0x10, s31, s10, $0xb8;
	[tilespmem:$0x8000] =	vst v63  }
0x30: {  	_ =	swait.ge [sflag:s12], $0x800  }
0x31: {  	[sflag:s12] =	ssyncset.done $0x0  }
0x32: {  	[sflag:s12] =	ssyncadd.s32 $0xFFFFF800  }
0x33: {  	_ =	swait.ge [sflag:s12], $0x800  }
0x34: {  	[sflag:s12] =	ssyncset.done $0x0  }
0x35: {  	[sflag:s12] =	ssyncadd.s32 $0xFFFFF800  }
0x36: {  	_ =	swait.ge [sflag:s12], $0x800  }
0x37: {  	[sflag:s12] =	ssyncset.done $0x0  }
0x38: {  	[sflag:s12] =	ssyncadd.s32 $0xFFFFF800  }
0x39: {  	_ =	swait.ge [sflag:s12], $0x800  }
0x3a: {  	[sflag:s12] =	ssyncset.done $0x0  }
0x3b: {  	[sflag:s12] =	ssyncadd.s32 $0xFFFFF800  }
0x3c: {  	_ =	swait.ge [sflag:s12], $0x800  }
0x3d: {  	[sflag:s12] =	ssyncset.done $0x0  }
0x3e: {  	[sflag:s12] =	ssyncadd.s32 $0xFFFFF800  }
0x3f: {  	_ =	swait.ge [sflag:s12], $0x800  }
0x40: {  	[sflag:s12] =	ssyncset.done $0x0  }
0x41: {  	[sflag:s12] =	ssyncadd.s32 $0xFFFFF800  }
0x42: {  	_ =	swait.ge [sflag:s12], $0x800  }
0x43: {  	[sflag:s12] =	ssyncset.done $0x0  }
0x44: {  	[sflag:s12] =	ssyncadd.s32 $0xFFFFF800  }
0x45: {  	_ =	swait.ge [sflag:s12], $0x800  }
0x46: {  	s16 =	simm.s32 $0x2000;
	s14 =	simm.s32 $0x1000;
	[sflag:s12] =	ssyncset.done $0x0  }
.LBB2_6:
0x47: {  	s17 =	sshra.s32 s14, $0x2  }
0x48: {  	[sflag:s12] =	ssyncadd.s32 $0xFFFFF800;
	s14 =	smov.u32 s16;
	s15 =	sadd.s32 $0x1000, s16  }
0x49: {  	[spmem:s2] =	stream.indirect.scatter.add.f32 [tilespmem:s11], [sflag:$0x1], $0x10, s17, s10, $0xb8;
	[tilespmem:$0x8000] =	vst v63  }
0x4a: {  	p0 =	sne.s32 s16, $0x9000;
	s16 =	sadd.s32 $0x80, s17  }
0x4b: {  	[spmem:s2] =	stream.indirect.scatter.add.f32 [tilespmem:s11], [sflag:$0x1], $0x10, s16, s10, $0xb8;
	[tilespmem:$0x8000] =	vst v63  }
0x4c: {  	s16 =	sadd.s32 $0x100, s17  }
0x4d: {  	[spmem:s2] =	stream.indirect.scatter.add.f32 [tilespmem:s11], [sflag:$0x1], $0x10, s16, s10, $0xb8;
	[tilespmem:$0x8000] =	vst v63  }
0x4e: {  	s16 =	sadd.s32 $0x180, s17  }
0x4f: {  	[spmem:s2] =	stream.indirect.scatter.add.f32 [tilespmem:s11], [sflag:$0x1], $0x10, s16, s10, $0xb8;
	[tilespmem:$0x8000] =	vst v63  }
0x50: {  	s16 =	sadd.s32 $0x200, s17  }
0x51: {  	[spmem:s2] =	stream.indirect.scatter.add.f32 [tilespmem:s11], [sflag:$0x1], $0x10, s16, s10, $0xb8;
	[tilespmem:$0x8000] =	vst v63  }
0x52: {  	s16 =	sadd.s32 $0x280, s17  }
0x53: {  	[spmem:s2] =	stream.indirect.scatter.add.f32 [tilespmem:s11], [sflag:$0x1], $0x10, s16, s10, $0xb8;
	[tilespmem:$0x8000] =	vst v63  }
0x54: {  	s16 =	sadd.s32 $0x300, s17  }
0x55: {  	[spmem:s2] =	stream.indirect.scatter.add.f32 [tilespmem:s11], [sflag:$0x1], $0x10, s16, s10, $0xb8;
	[tilespmem:$0x8000] =	vst v63  }
0x56: {  	s16 =	sadd.s32 $0x380, s17  }
0x57: {  	[spmem:s2] =	stream.indirect.scatter.add.f32 [tilespmem:s11], [sflag:$0x1], $0x10, s16, s10, $0xb8;
	[tilespmem:$0x8000] =	vst v63  }
0x58: {  	_ =	swait.ge [sflag:s12], $0x800  }
0x59: {  	[sflag:s12] =	ssyncset.done $0x0  }
0x5a: {  	[sflag:s12] =	ssyncadd.s32 $0xFFFFF800  }
0x5b: {  	_ =	swait.ge [sflag:s12], $0x800  }
0x5c: {  	[sflag:s12] =	ssyncset.done $0x0  }
0x5d: {  	[sflag:s12] =	ssyncadd.s32 $0xFFFFF800  }
0x5e: {  	_ =	swait.ge [sflag:s12], $0x800  }
0x5f: {  	[sflag:s12] =	ssyncset.done $0x0  }
0x60: {  	[sflag:s12] =	ssyncadd.s32 $0xFFFFF800  }
0x61: {  	_ =	swait.ge [sflag:s12], $0x800  }
0x62: {  	[sflag:s12] =	ssyncset.done $0x0  }
0x63: {  	[sflag:s12] =	ssyncadd.s32 $0xFFFFF800  }
0x64: {  	_ =	swait.ge [sflag:s12], $0x800  }
0x65: {  	[sflag:s12] =	ssyncset.done $0x0  }
0x66: {  	[sflag:s12] =	ssyncadd.s32 $0xFFFFF800  }
0x67: {  	_ =	swait.ge [sflag:s12], $0x800  }
0x68: {  	[sflag:s12] =	ssyncset.done $0x0  }
0x69: {  	[sflag:s12] =	ssyncadd.s32 $0xFFFFF800  }
.Ltmp2:
0x6a: {  	_ =	swait.ge [sflag:s12], $0x800;
	(pc) =	sbr.rel @p0 .LBB2_6-.Ltmp2, $4  }
0x6b: {  	[sflag:s12] =	ssyncset.done $0x0  }
0x6c: {  	[sflag:s12] =	ssyncadd.s32 $0xFFFFF800  }
0x6d: {  	_ =	swait.ge [sflag:s12], $0x800  }
0x6e: {  	s16 =	smov.u32 s15;
	[sflag:s12] =	ssyncset.done $0x0  }
0x6f: {  	s14 =	sshra.s32 s14, $0x2;
	[sflag:s12] =	ssyncadd.s32 $0xFFFFF800  }
0x70: {  	[spmem:s2] =	stream.indirect.scatter.add.f32 [tilespmem:s11], [sflag:$0x1], $0x10, s14, s10, $0xb8;
	[tilespmem:$0x8000] =	vst v63  }
0x71: {  	s15 =	sadd.s32 $0x80, s14  }
0x72: {  	[spmem:s2] =	stream.indirect.scatter.add.f32 [tilespmem:s11], [sflag:$0x1], $0x10, s15, s10, $0xb8;
	[tilespmem:$0x8000] =	vst v63  }
0x73: {  	s26 =	sadd.s32 $0x100, s14  }
0x74: {  	[spmem:s2] =	stream.indirect.scatter.add.f32 [tilespmem:s11], [sflag:$0x1], $0x10, s26, s10, $0xb8;
	[tilespmem:$0x8000] =	vst v63  }
0x75: {  	s28 =	sadd.s32 $0x180, s14  }
0x76: {  	[spmem:s2] =	stream.indirect.scatter.add.f32 [tilespmem:s11], [sflag:$0x1], $0x10, s28, s10, $0xb8;
	[tilespmem:$0x8000] =	vst v63  }
0x77: {  	s29 =	sadd.s32 $0x200, s14  }
0x78: {  	[spmem:s2] =	stream.indirect.scatter.add.f32 [tilespmem:s11], [sflag:$0x1], $0x10, s29, s10, $0xb8;
	[tilespmem:$0x8000] =	vst v63  }
0x79: {  	s30 =	sadd.s32 $0x280, s14  }
0x7a: {  	[spmem:s2] =	stream.indirect.scatter.add.f32 [tilespmem:s11], [sflag:$0x1], $0x10, s30, s10, $0xb8;
	[tilespmem:$0x8000] =	vst v63  }
0x7b: {  	s31 =	sadd.s32 $0x300, s14  }
0x7c: {  	[spmem:s2] =	stream.indirect.scatter.add.f32 [tilespmem:s11], [sflag:$0x1], $0x10, s31, s10, $0xb8;
	[tilespmem:$0x8000] =	vst v63  }
0x7d: {  	s14 =	sadd.s32 $0x380, s14  }
0x7e: {  	[spmem:s2] =	stream.indirect.scatter.add.f32 [tilespmem:s11], [sflag:$0x1], $0x10, s14, s10, $0xb8;
	[tilespmem:$0x8000] =	vst v63  }
0x7f: {  	_ =	swait.ge [sflag:s12], $0x800  }
0x80: {  	[sflag:s12] =	ssyncset.done $0x0  }
0x81: {  	[sflag:s12] =	ssyncadd.s32 $0xFFFFF800  }
0x82: {  	_ =	swait.ge [sflag:s12], $0x800  }
0x83: {  	[sflag:s12] =	ssyncset.done $0x0  }
0x84: {  	[sflag:s12] =	ssyncadd.s32 $0xFFFFF800  }
0x85: {  	_ =	swait.ge [sflag:s12], $0x800  }
0x86: {  	[sflag:s12] =	ssyncset.done $0x0  }
0x87: {  	[sflag:s12] =	ssyncadd.s32 $0xFFFFF800  }
0x88: {  	_ =	swait.ge [sflag:s12], $0x800  }
0x89: {  	[sflag:s12] =	ssyncset.done $0x0  }
0x8a: {  	[sflag:s12] =	ssyncadd.s32 $0xFFFFF800  }
0x8b: {  	_ =	swait.ge [sflag:s12], $0x800  }
0x8c: {  	[sflag:s12] =	ssyncset.done $0x0  }
0x8d: {  	[sflag:s12] =	ssyncadd.s32 $0xFFFFF800  }
0x8e: {  	_ =	swait.ge [sflag:s12], $0x800  }
0x8f: {  	[sflag:s12] =	ssyncset.done $0x0  }
0x90: {  	[sflag:s12] =	ssyncadd.s32 $0xFFFFF800  }
0x91: {  	_ =	swait.ge [sflag:s12], $0x800  }
0x92: {  	[sflag:s12] =	ssyncset.done $0x0  }
0x93: {  	[sflag:s12] =	ssyncadd.s32 $0xFFFFF800  }
0x94: {  	_ =	swait.ge [sflag:s12], $0x800  }
0x95: {  	[sflag:s12] =	ssyncset.done $0x0  }
0x96: {  	[sflag:s12] =	ssyncadd.s32 $0xFFFFF800  }
0x97: {  	[bflag:$0x0] =	sbarrier.arrive $0xFFFF  }
0x98: {  	[tilespmem:s8], [sflag:$0x2] =	stream.linear.gather [spmem:s4], $0x2800, $0x38;
	[tilespmem:$0x8000] =	vst v63  }
0x99: {  	s13 =	sadd.s32 $0x1, s13;
	_ =	swait.ge [sflag:s9], $0x2800  }
0x9a: {  	p0 =	sne.s32 s13, s7;
	[sflag:s9] =	ssyncset.done $0x0  }
.Ltmp3:
0x9b: {  	[sflag:s9] =	ssyncadd.s32 $0xFFFFD800;
	(pc) =	sbr.rel @p0 .LBB2_1-.Ltmp3, $4  }
0x9c: {  	[hbm4b:s6+s3] =	stream.linear.scatter [tilespmem:s8], [sflag:$0x2], $0x2800, $0x38;
	[tilespmem:$0x8000] =	vst v63  }
0x9d: {  	_ =	swait.ge [sflag:s9], $0x2800  }
0x9e: {  	[sflag:s9] =	ssyncset.done $0x0  }
0x9f: {  	[sflag:s9] =	ssyncadd.s32 $0xFFFFD800  }
0xa0: {  	_ =	sfence.sel $0x180000  }
0xa1: {  	[bflag:$0x0] =	sbarrier.arrive $0xFFFF  }
0xa2: {  	p0 =	sne.s32 s1, $0x0;
	_ =	strace $0x90000047  }
0xa3: {  	s0 =	sadd.s32 @!p0 $0x100000, s0;
	[bflag:$0x2] =	sbarrier.arrive $0xFFFF  }
0xa4: {  	[sflag:s0] =	ssyncadd.tile.s32 @!p0 $0x1;
	_ =	shalt  }
.Lfunc_end2:
_tile_overlayer_lowered:
.L_overlay_start_2:
0xa5: {  	(tag) =	ssettag $0x2  }
0xa6: {  	s0 =	rddreg [dreg:$0x0];
	s2 =	stileid.u32  }
0xa7: {  	s1 =	rddreg [dreg:$0x1];
	p0 =	sne.s32 s2, $0x0  }
0xa8: {  	s3 =	rddreg [dreg:$0x2];
	[bflag:$0x3] =	sbarrier.arrive $0xFFFF;
	s2 =	simm.s32 @!p0 $0x1C02  }
0xa9: {  	[timem:s3], [sflag:s2] =	dma.local @!p0 [hbm:s0], s1  }
0xaa: {  	s0 =	simm.s32 @!p0 $0x2  }
0xab: {  	_ =	swait.ge @!p0 [sflag:s0], s1  }
0xac: {  	s1 =	ssub.s32 @!p0 $0x0, s1;
	[sflag:s0] =	ssyncset.done @!p0 $0x0  }
0xad: {  	[sflag:s0] =	ssyncadd.s32 @!p0 s1  }
0xae: {  	[bflag:$0x3] =	sbarrier.arrive $0xFFFF  }
0xaf: {  	_ =	shalt  }

</sc_bundles>
